<compile_context>
chip_gen: v7x
topology: tpu7x:2x2x1
jax: 0.10.2.dev20260603
libtpu: 0.0.44.dev20260713+nightly
codegen_flags: <defaults>
</compile_context>

<pallas_src>
import jax
import jax.numpy as jnp
from jax.experimental import pallas as pl
from jax.experimental.pallas import tpu as pltpu
from jax.experimental.pallas import tpu_sc as plsc

_BW = 128
_NW = 32
_SLOTS = 5
_VBLK = 16384


def _widen(tableT, eye):
    D, V = tableT.shape
    nblk = pl.cdiv(V, _VBLK)

    def body(t_ref, e_ref, o_ref):
        o_ref[:, 0:D] = jax.lax.dot_general(
            t_ref[...],
            e_ref[...],
            (((0,), (0,)), ((), ())),
            preferred_element_type=jnp.float32,
            precision=jax.lax.Precision.DEFAULT,
        )

    return pl.pallas_call(
        body,
        grid=(nblk,),
        compiler_params=pltpu.CompilerParams(
            fuse_transposed_lhs_in_matmul=True
        ),
        in_specs=[
            pl.BlockSpec((D, _VBLK), lambda i: (0, i)),
            pl.BlockSpec((D, D), lambda i: (0, 0)),
        ],
        out_specs=pl.BlockSpec((_VBLK, 128), lambda i: (i, 0)),
        out_shape=jax.ShapeDtypeStruct((V, 128), tableT.dtype),
    )(tableT, eye)


def kernel(table, words_pretrained):
    V, D = table.shape
    B, L = words_pretrained.shape
    assert B == _NW * _BW and D == 64
    idx = words_pretrained.T.reshape(L, _NW, _BW).astype(jnp.int32) * 2
    eye = jnp.eye(D, dtype=table.dtype)

    mesh = plsc.VectorSubcoreMesh(
        core_axis_name="core", subcore_axis_name="subcore"
    )

    @jax.jit
    def run(table, eye, idx):
        t128 = _widen(table.T, eye).reshape(2 * V, D)

        @pl.kernel(
            out_type=jax.ShapeDtypeStruct(
                (L, D // 8, _NW, 8, _BW), table.dtype
            ),
            mesh=mesh,
            compiler_params=pltpu.CompilerParams(
                use_tc_tiling_on_sc=False, needs_layout_passes=False
            ),
            scratch_types=[
                pltpu.VMEM((L, _BW), jnp.int32),
                pltpu.VMEM((_SLOTS * _BW, D), jnp.float32),
                pltpu.VMEM((_SLOTS * 8, 8, _BW + 1), jnp.float32),
                pltpu.SemaphoreType.DMA,
                pltpu.SemaphoreType.DMA((_SLOTS,)),
                pltpu.SemaphoreType.DMA((_SLOTS,)),
            ],
        )
        def k(x_hbm, i_hbm, o_hbm, idx_v, in_v, out_v, isem, gsem, ssem):
            wid = (
                jax.lax.axis_index("core") * 16
                + jax.lax.axis_index("subcore")
            )
            pltpu.async_copy(i_hbm.at[:, wid], idx_v, isem).wait()
            lane = jax.lax.iota(jnp.int32, 16)

            def gather(l, b):
                pltpu.async_copy(
                    x_hbm.at[idx_v.at[l]],
                    in_v.at[pl.ds(b * _BW, _BW)],
                    gsem.at[b],
                )

            def gather_wait(l, b):
                pltpu.make_async_copy(
                    x_hbm.at[idx_v.at[l]],
                    in_v.at[pl.ds(b * _BW, _BW)],
                    gsem.at[b],
                ).wait()

            def store(l, b):
                pltpu.async_copy(
                    out_v.at[pl.ds(b * 8, 8), :, pl.ds(0, _BW)],
                    o_hbm.at[l, :, wid],
                    ssem.at[b],
                )

            def store_wait(b):
                pltpu.make_async_copy(
                    out_v.at[pl.ds(b * 8, 8), :, pl.ds(0, _BW)],
                    o_hbm.at[0, :, wid],
                    ssem.at[b],
                ).wait()

            def transpose(b):
                i0 = [
                    (lane + j * 16) // 8 + jnp.int32(b * 8)
                    for j in range(D // 16)
                ]
                i1 = [(lane + j * 16) % 8 for j in range(D // 16)]

                @plsc.parallel_loop(0, _BW, unroll=8)
                def _(r):
                    rcol = jnp.full((16,), r, jnp.int32)
                    for j in range(D // 16):
                        v = in_v[b * _BW + r, pl.ds(j * 16, 16)]
                        plsc.store_scatter(
                            out_v, [i0[j], i1[j], rcol], v
                        )

            for b in range(_SLOTS):
                gather(b, b)

            @pl.loop(0, L, step=_SLOTS)
            def _(c):
                for b in range(_SLOTS):
                    gather_wait(c + b, b)

                    @pl.when(c > 0)
                    def _():
                        store_wait(b)

                    transpose(b)

                    @pl.when(c + _SLOTS + b < L)
                    def _():
                        gather(c + _SLOTS + b, b)

                    store(c + b, b)

            for b in range(_SLOTS):
                store_wait(b)

        return k(t128, idx)

    out5 = run(table, eye, idx)
    return out5.transpose(2, 4, 0, 1, 3).reshape(B, L, D)

# --- scband reference (transcript-rebuilt; emitter-appended) ---
"""Pipeline reference for scband-external-embedding-plugin-69114613729532 (READ-ONLY COPY).

The authoritative reference and input builder live on the scoring server;
editing this copy changes nothing except your own understanding.
"""

import jax, jax.numpy as jnp
import numpy as np

VOCAB = 1000001  # 1M pretrained words + 1 UNK row at index 0
EMBED_DIM = 64
B, L = 4096, 200


def setup_inputs(seed: int = 0) -> dict:
    key = jax.random.key(seed)
    k_idx, k_tab = jax.random.split(key)
    words_pretrained = jax.random.randint(k_idx, (B, L), 0, VOCAB, dtype=jnp.int64)
    # Pretrained (frozen) embedding table; row 0 is the *UNK* zero vector.
    table = jax.random.normal(k_tab, (VOCAB, EMBED_DIM), dtype=jnp.float32)
    table = table.at[0].set(0.0)
    return {"table": table, "words_pretrained": words_pretrained}


def reference(table, words_pretrained):
    # ExternalEmbeddingPlugin.forward: Embedding.from_pretrained lookup.
    # project_to=None so no projection; gpu=False so no device move.
    ret = jnp.take(table, words_pretrained, axis=0)
    return ret

if __name__ == "__main__":
    import jax
    _d = setup_inputs()
    print(jax.jit(kernel)(*tuple(_d.values())))

</pallas_src>

<mosaic_0001>
#map = affine_map<(d0, d1) -> (0, 0)>
#map1 = affine_map<(d0, d1) -> (0, 0, 0)>
#map2 = affine_map<(d0, d1) -> (0, 0, 0, 0, 0)>
module attributes {stable_mosaic.version = 14 : i64} {
  func.func @k(%arg0: i32, %arg1: i32, %arg2: memref<2000002x64xf32, #tpu.memory_space<hbm>>, %arg3: memref<200x32x128xi32, #tpu.memory_space<hbm>>, %arg4: memref<200x8x32x8x128xf32, #tpu.memory_space<hbm>>, %arg5: memref<200x128xi32, #tpu.memory_space<vmem>>, %arg6: memref<640x64xf32, #tpu.memory_space<vmem>>, %arg7: memref<40x8x129xf32, #tpu.memory_space<vmem>>, %arg8: memref<!tpu.dma_semaphore, #tpu.memory_space<semaphore_mem>>, %arg9: memref<5x!tpu.dma_semaphore, #tpu.memory_space<semaphore_mem>>, %arg10: memref<5x!tpu.dma_semaphore, #tpu.memory_space<semaphore_mem>>) attributes {dimension_semantics = [#tpu.dimension_semantics<core_parallel>, #tpu.dimension_semantics<subcore_parallel>], iteration_bounds = array<i64: 2, 16>, scalar_prefetch = 0 : i64, scratch_operands = 6 : i64, tpu.core_type = #tpu.core_type<sc_vector_subcore>, window_params = [{transform_indices = #map}, {transform_indices = #map1}, {transform_indices = #map2}]} {
    %mul3A = arith.constant 16 : i32
    %mul3A_0 = arith.muli %arg0, %mul3A : i32
    %add3A = arith.addi %mul3A_0, %arg1 : i32
    %dma_start3A = arith.constant 0 : i32
    %dma_start3A_1 = arith.constant 0 : i32
    %dma_start3A_2 = tpu.memref_slice %arg3[%dma_start3A, %add3A, %dma_start3A_1] : memref<200x32x128xi32, #tpu.memory_space<hbm>> -> memref<200x1x128xi32, #tpu.memory_space<hbm>>
    %dma_start3A_3 = tpu.memref_squeeze %dma_start3A_2 : memref<200x1x128xi32, #tpu.memory_space<hbm>> -> memref<200x128xi32, #tpu.memory_space<hbm>>
    %dma_start3A_4 = arith.constant 0 : i32
    %dma_start3A_5 = arith.constant 0 : i32
    %dma_start3A_6 = tpu.memref_slice %arg3[%dma_start3A_4, %add3A, %dma_start3A_5] : memref<200x32x128xi32, #tpu.memory_space<hbm>> -> memref<200x1x128xi32, #tpu.memory_space<hbm>>
    %dma_start3A_7 = tpu.memref_squeeze %dma_start3A_6 : memref<200x1x128xi32, #tpu.memory_space<hbm>> -> memref<200x128xi32, #tpu.memory_space<hbm>>
    tpu.enqueue_dma source(%dma_start3A_7 : memref<200x128xi32, #tpu.memory_space<hbm>>) target(%arg5 : memref<200x128xi32, #tpu.memory_space<vmem>>) target_semaphore(%arg8 : memref<!tpu.dma_semaphore, #tpu.memory_space<semaphore_mem>>)
    %dma_wait3A = arith.constant 0 : i32
    %dma_wait3A_8 = arith.constant 0 : i32
    %dma_wait3A_9 = tpu.memref_slice %arg3[%dma_wait3A, %add3A, %dma_wait3A_8] : memref<200x32x128xi32, #tpu.memory_space<hbm>> -> memref<200x1x128xi32, #tpu.memory_space<hbm>>
    %dma_wait3A_10 = tpu.memref_squeeze %dma_wait3A_9 : memref<200x1x128xi32, #tpu.memory_space<hbm>> -> memref<200x128xi32, #tpu.memory_space<hbm>>
    %dma_wait3A_11 = arith.constant 0 : i32
    %dma_wait3A_12 = arith.constant 0 : i32
    %dma_wait3A_13 = tpu.memref_slice %arg3[%dma_wait3A_11, %add3A, %dma_wait3A_12] : memref<200x32x128xi32, #tpu.memory_space<hbm>> -> memref<200x1x128xi32, #tpu.memory_space<hbm>>
    %dma_wait3A_14 = tpu.memref_squeeze %dma_wait3A_13 : memref<200x1x128xi32, #tpu.memory_space<hbm>> -> memref<200x128xi32, #tpu.memory_space<hbm>>
    tpu.wait_dma2 semaphore(%arg8 : memref<!tpu.dma_semaphore, #tpu.memory_space<semaphore_mem>>) src(%dma_wait3A_14 : memref<200x128xi32, #tpu.memory_space<hbm>>) dst(%arg5 : memref<200x128xi32, #tpu.memory_space<vmem>>)
    %iota3A = tpu.iota {dimensions = array<i32: 0>} : vector<16xi32>
    %dma_start3A_15 = arith.constant 0 : i32
    %dma_start3A_16 = arith.constant 0 : i32
    %dma_start3A_17 = arith.constant 0 : i32
    %dma_start3A_18 = arith.constant 0 : i32
    %dma_start3A_19 = tpu.memref_slice %arg6[%dma_start3A_17, %dma_start3A_18] : memref<640x64xf32, #tpu.memory_space<vmem>> -> memref<128x64xf32, #tpu.memory_space<vmem>>
    %dma_start3A_20 = arith.constant 0 : i32
    %dma_start3A_21 = tpu.memref_slice %arg5[%dma_start3A_15, %dma_start3A_20] : memref<200x128xi32, #tpu.memory_space<vmem>> -> memref<1x128xi32, #tpu.memory_space<vmem>>
    %dma_start3A_22 = tpu.memref_squeeze %dma_start3A_21 : memref<1x128xi32, #tpu.memory_space<vmem>> -> memref<128xi32, #tpu.memory_space<vmem>>
    %dma_start3A_23 = arith.constant 0 : i32
    %dma_start3A_24 = arith.constant 0 : i32
    %dma_start3A_25 = tpu.memref_slice %arg2[%dma_start3A_23, %dma_start3A_24] : memref<2000002x64xf32, #tpu.memory_space<hbm>> -> memref<2000002x64xf32, #tpu.memory_space<hbm>>
    %dma_start3A_26 = tpu.memref_slice %arg9[%dma_start3A_16] : memref<5x!tpu.dma_semaphore, #tpu.memory_space<semaphore_mem>> -> memref<1x!tpu.dma_semaphore, #tpu.memory_space<semaphore_mem>>
    %dma_start3A_27 = tpu.memref_squeeze %dma_start3A_26 : memref<1x!tpu.dma_semaphore, #tpu.memory_space<semaphore_mem>> -> memref<!tpu.dma_semaphore, #tpu.memory_space<semaphore_mem>>
    tpu.enqueue_indirect_dma source(%dma_start3A_25 : memref<2000002x64xf32, #tpu.memory_space<hbm>>) target(%dma_start3A_19 : memref<128x64xf32, #tpu.memory_space<vmem>>) offsets(%dma_start3A_22 : memref<128xi32, #tpu.memory_space<vmem>>) semaphore(%dma_start3A_27 : memref<!tpu.dma_semaphore, #tpu.memory_space<semaphore_mem>>)
    %dma_start3A_28 = arith.constant 1 : i32
    %dma_start3A_29 = arith.constant 1 : i32
    %dma_start3A_30 = arith.constant 128 : i32
    %dma_start3A_31 = arith.constant 0 : i32
    %dma_start3A_32 = tpu.memref_slice %arg6[%dma_start3A_30, %dma_start3A_31] : memref<640x64xf32, #tpu.memory_space<vmem>> -> memref<128x64xf32, #tpu.memory_space<vmem>>
    %dma_start3A_33 = arith.constant 0 : i32
    %dma_start3A_34 = tpu.memref_slice %arg5[%dma_start3A_28, %dma_start3A_33] : memref<200x128xi32, #tpu.memory_space<vmem>> -> memref<1x128xi32, #tpu.memory_space<vmem>>
    %dma_start3A_35 = tpu.memref_squeeze %dma_start3A_34 : memref<1x128xi32, #tpu.memory_space<vmem>> -> memref<128xi32, #tpu.memory_space<vmem>>
    %dma_start3A_36 = arith.constant 0 : i32
    %dma_start3A_37 = arith.constant 0 : i32
    %dma_start3A_38 = tpu.memref_slice %arg2[%dma_start3A_36, %dma_start3A_37] : memref<2000002x64xf32, #tpu.memory_space<hbm>> -> memref<2000002x64xf32, #tpu.memory_space<hbm>>
    %dma_start3A_39 = tpu.memref_slice %arg9[%dma_start3A_29] : memref<5x!tpu.dma_semaphore, #tpu.memory_space<semaphore_mem>> -> memref<1x!tpu.dma_semaphore, #tpu.memory_space<semaphore_mem>>
    %dma_start3A_40 = tpu.memref_squeeze %dma_start3A_39 : memref<1x!tpu.dma_semaphore, #tpu.memory_space<semaphore_mem>> -> memref<!tpu.dma_semaphore, #tpu.memory_space<semaphore_mem>>
    tpu.enqueue_indirect_dma source(%dma_start3A_38 : memref<2000002x64xf32, #tpu.memory_space<hbm>>) target(%dma_start3A_32 : memref<128x64xf32, #tpu.memory_space<vmem>>) offsets(%dma_start3A_35 : memref<128xi32, #tpu.memory_space<vmem>>) semaphore(%dma_start3A_40 : memref<!tpu.dma_semaphore, #tpu.memory_space<semaphore_mem>>)
    %dma_start3A_41 = arith.constant 2 : i32
    %dma_start3A_42 = arith.constant 2 : i32
    %dma_start3A_43 = arith.constant 256 : i32
    %dma_start3A_44 = arith.constant 0 : i32
    %dma_start3A_45 = tpu.memref_slice %arg6[%dma_start3A_43, %dma_start3A_44] : memref<640x64xf32, #tpu.memory_space<vmem>> -> memref<128x64xf32, #tpu.memory_space<vmem>>
    %dma_start3A_46 = arith.constant 0 : i32
    %dma_start3A_47 = tpu.memref_slice %arg5[%dma_start3A_41, %dma_start3A_46] : memref<200x128xi32, #tpu.memory_space<vmem>> -> memref<1x128xi32, #tpu.memory_space<vmem>>
    %dma_start3A_48 = tpu.memref_squeeze %dma_start3A_47 : memref<1x128xi32, #tpu.memory_space<vmem>> -> memref<128xi32, #tpu.memory_space<vmem>>
    %dma_start3A_49 = arith.constant 0 : i32
    %dma_start3A_50 = arith.constant 0 : i32
    %dma_start3A_51 = tpu.memref_slice %arg2[%dma_start3A_49, %dma_start3A_50] : memref<2000002x64xf32, #tpu.memory_space<hbm>> -> memref<2000002x64xf32, #tpu.memory_space<hbm>>
    %dma_start3A_52 = tpu.memref_slice %arg9[%dma_start3A_42] : memref<5x!tpu.dma_semaphore, #tpu.memory_space<semaphore_mem>> -> memref<1x!tpu.dma_semaphore, #tpu.memory_space<semaphore_mem>>
    %dma_start3A_53 = tpu.memref_squeeze %dma_start3A_52 : memref<1x!tpu.dma_semaphore, #tpu.memory_space<semaphore_mem>> -> memref<!tpu.dma_semaphore, #tpu.memory_space<semaphore_mem>>
    tpu.enqueue_indirect_dma source(%dma_start3A_51 : memref<2000002x64xf32, #tpu.memory_space<hbm>>) target(%dma_start3A_45 : memref<128x64xf32, #tpu.memory_space<vmem>>) offsets(%dma_start3A_48 : memref<128xi32, #tpu.memory_space<vmem>>) semaphore(%dma_start3A_53 : memref<!tpu.dma_semaphore, #tpu.memory_space<semaphore_mem>>)
    %dma_start3A_54 = arith.constant 3 : i32
    %dma_start3A_55 = arith.constant 3 : i32
    %dma_start3A_56 = arith.constant 384 : i32
    %dma_start3A_57 = arith.constant 0 : i32
    %dma_start3A_58 = tpu.memref_slice %arg6[%dma_start3A_56, %dma_start3A_57] : memref<640x64xf32, #tpu.memory_space<vmem>> -> memref<128x64xf32, #tpu.memory_space<vmem>>
    %dma_start3A_59 = arith.constant 0 : i32
    %dma_start3A_60 = tpu.memref_slice %arg5[%dma_start3A_54, %dma_start3A_59] : memref<200x128xi32, #tpu.memory_space<vmem>> -> memref<1x128xi32, #tpu.memory_space<vmem>>
    %dma_start3A_61 = tpu.memref_squeeze %dma_start3A_60 : memref<1x128xi32, #tpu.memory_space<vmem>> -> memref<128xi32, #tpu.memory_space<vmem>>
    %dma_start3A_62 = arith.constant 0 : i32
    %dma_start3A_63 = arith.constant 0 : i32
    %dma_start3A_64 = tpu.memref_slice %arg2[%dma_start3A_62, %dma_start3A_63] : memref<2000002x64xf32, #tpu.memory_space<hbm>> -> memref<2000002x64xf32, #tpu.memory_space<hbm>>
    %dma_start3A_65 = tpu.memref_slice %arg9[%dma_start3A_55] : memref<5x!tpu.dma_semaphore, #tpu.memory_space<semaphore_mem>> -> memref<1x!tpu.dma_semaphore, #tpu.memory_space<semaphore_mem>>
    %dma_start3A_66 = tpu.memref_squeeze %dma_start3A_65 : memref<1x!tpu.dma_semaphore, #tpu.memory_space<semaphore_mem>> -> memref<!tpu.dma_semaphore, #tpu.memory_space<semaphore_mem>>
    tpu.enqueue_indirect_dma source(%dma_start3A_64 : memref<2000002x64xf32, #tpu.memory_space<hbm>>) target(%dma_start3A_58 : memref<128x64xf32, #tpu.memory_space<vmem>>) offsets(%dma_start3A_61 : memref<128xi32, #tpu.memory_space<vmem>>) semaphore(%dma_start3A_66 : memref<!tpu.dma_semaphore, #tpu.memory_space<semaphore_mem>>)
    %dma_start3A_67 = arith.constant 4 : i32
    %dma_start3A_68 = arith.constant 4 : i32
    %dma_start3A_69 = arith.constant 512 : i32
    %dma_start3A_70 = arith.constant 0 : i32
    %dma_start3A_71 = tpu.memref_slice %arg6[%dma_start3A_69, %dma_start3A_70] : memref<640x64xf32, #tpu.memory_space<vmem>> -> memref<128x64xf32, #tpu.memory_space<vmem>>
    %dma_start3A_72 = arith.constant 0 : i32
    %dma_start3A_73 = tpu.memref_slice %arg5[%dma_start3A_67, %dma_start3A_72] : memref<200x128xi32, #tpu.memory_space<vmem>> -> memref<1x128xi32, #tpu.memory_space<vmem>>
    %dma_start3A_74 = tpu.memref_squeeze %dma_start3A_73 : memref<1x128xi32, #tpu.memory_space<vmem>> -> memref<128xi32, #tpu.memory_space<vmem>>
    %dma_start3A_75 = arith.constant 0 : i32
    %dma_start3A_76 = arith.constant 0 : i32
    %dma_start3A_77 = tpu.memref_slice %arg2[%dma_start3A_75, %dma_start3A_76] : memref<2000002x64xf32, #tpu.memory_space<hbm>> -> memref<2000002x64xf32, #tpu.memory_space<hbm>>
    %dma_start3A_78 = tpu.memref_slice %arg9[%dma_start3A_68] : memref<5x!tpu.dma_semaphore, #tpu.memory_space<semaphore_mem>> -> memref<1x!tpu.dma_semaphore, #tpu.memory_space<semaphore_mem>>
    %dma_start3A_79 = tpu.memref_squeeze %dma_start3A_78 : memref<1x!tpu.dma_semaphore, #tpu.memory_space<semaphore_mem>> -> memref<!tpu.dma_semaphore, #tpu.memory_space<semaphore_mem>>
    tpu.enqueue_indirect_dma source(%dma_start3A_77 : memref<2000002x64xf32, #tpu.memory_space<hbm>>) target(%dma_start3A_71 : memref<128x64xf32, #tpu.memory_space<vmem>>) offsets(%dma_start3A_74 : memref<128xi32, #tpu.memory_space<vmem>>) semaphore(%dma_start3A_79 : memref<!tpu.dma_semaphore, #tpu.memory_space<semaphore_mem>>)
    %scan3A = arith.constant 0 : i32
    %scan3A_80 = arith.constant 40 : i32
    %scan3A_81 = arith.addi %scan3A, %scan3A_80 : i32
    %scan3A_82 = arith.constant 1 : i32
    scf.for %scan3A_194 = %scan3A to %scan3A_81 step %scan3A_82  : i32 {
      %mul3A_195 = arith.constant 5 : i32
      %mul3A_196 = arith.muli %scan3A_194, %mul3A_195 : i32
      %add3A_197 = arith.constant 0 : i32
      %add3A_198 = arith.addi %add3A_197, %mul3A_196 : i32
      %add3A_199 = arith.constant 0 : i32
      %add3A_200 = arith.addi %add3A_198, %add3A_199 : i32
      %dma_wait3A_201 = arith.constant 0 : i32
      %dma_wait3A_202 = arith.constant 0 : i32
      %dma_wait3A_203 = arith.constant 0 : i32
      %dma_wait3A_204 = tpu.memref_slice %arg6[%dma_wait3A_202, %dma_wait3A_203] : memref<640x64xf32, #tpu.memory_space<vmem>> -> memref<128x64xf32, #tpu.memory_space<vmem>>
      %dma_wait3A_205 = arith.constant 0 : i32
      %dma_wait3A_206 = tpu.memref_slice %arg5[%add3A_200, %dma_wait3A_205] : memref<200x128xi32, #tpu.memory_space<vmem>> -> memref<1x128xi32, #tpu.memory_space<vmem>>
      %dma_wait3A_207 = tpu.memref_squeeze %dma_wait3A_206 : memref<1x128xi32, #tpu.memory_space<vmem>> -> memref<128xi32, #tpu.memory_space<vmem>>
      %dma_wait3A_208 = arith.constant 0 : i32
      %dma_wait3A_209 = arith.constant 0 : i32
      %dma_wait3A_210 = tpu.memref_slice %arg2[%dma_wait3A_208, %dma_wait3A_209] : memref<2000002x64xf32, #tpu.memory_space<hbm>> -> memref<2000002x64xf32, #tpu.memory_space<hbm>>
      %dma_wait3A_211 = tpu.memref_slice %arg9[%dma_wait3A_201] : memref<5x!tpu.dma_semaphore, #tpu.memory_space<semaphore_mem>> -> memref<1x!tpu.dma_semaphore, #tpu.memory_space<semaphore_mem>>
      %dma_wait3A_212 = tpu.memref_squeeze %dma_wait3A_211 : memref<1x!tpu.dma_semaphore, #tpu.memory_space<semaphore_mem>> -> memref<!tpu.dma_semaphore, #tpu.memory_space<semaphore_mem>>
      tpu.wait_indirect_dma semaphore(%dma_wait3A_212 : memref<!tpu.dma_semaphore, #tpu.memory_space<semaphore_mem>>) src(%dma_wait3A_210 : memref<2000002x64xf32, #tpu.memory_space<hbm>>) dst(%dma_wait3A_204 : memref<128x64xf32, #tpu.memory_space<vmem>>)
      %gt3A = arith.constant 0 : i32
      %gt3A_213 = arith.cmpi sgt, %add3A_198, %gt3A : i32
      %convert_element_type3A = arith.extui %gt3A_213 : i1 to i32
      %cond3A = arith.constant 0 : i32
      %cond3A_214 = arith.cmpi ne, %convert_element_type3A, %cond3A : i32
      scf.if %cond3A_214 {
        %dma_wait3A_1695 = arith.constant 0 : i32
        %dma_wait3A_1696 = arith.constant 0 : i32
        %dma_wait3A_1697 = arith.constant 0 : i32
        %dma_wait3A_1698 = arith.constant 0 : i32
        %dma_wait3A_1699 = arith.constant 0 : i32
        %dma_wait3A_1700 = tpu.memref_slice %arg7[%dma_wait3A_1697, %dma_wait3A_1698, %dma_wait3A_1699] : memref<40x8x129xf32, #tpu.memory_space<vmem>> -> memref<8x8x128xf32, #tpu.memory_space<vmem>>
        %dma_wait3A_1701 = arith.constant 0 : i32
        %dma_wait3A_1702 = arith.constant 0 : i32
        %dma_wait3A_1703 = arith.constant 0 : i32
        %dma_wait3A_1704 = tpu.memref_slice %arg4[%dma_wait3A_1695, %dma_wait3A_1701, %add3A, %dma_wait3A_1702, %dma_wait3A_1703] : memref<200x8x32x8x128xf32, #tpu.memory_space<hbm>> -> memref<1x8x1x8x128xf32, #tpu.memory_space<hbm>>
        %dma_wait3A_1705 = tpu.memref_squeeze %dma_wait3A_1704 : memref<1x8x1x8x128xf32, #tpu.memory_space<hbm>> -> memref<8x8x128xf32, #tpu.memory_space<hbm>>
        %dma_wait3A_1706 = tpu.memref_slice %arg10[%dma_wait3A_1696] : memref<5x!tpu.dma_semaphore, #tpu.memory_space<semaphore_mem>> -> memref<1x!tpu.dma_semaphore, #tpu.memory_space<semaphore_mem>>
        %dma_wait3A_1707 = tpu.memref_squeeze %dma_wait3A_1706 : memref<1x!tpu.dma_semaphore, #tpu.memory_space<semaphore_mem>> -> memref<!tpu.dma_semaphore, #tpu.memory_space<semaphore_mem>>
        %dma_wait3A_1708 = arith.constant 0 : i32
        %dma_wait3A_1709 = arith.constant 0 : i32
        %dma_wait3A_1710 = arith.constant 0 : i32
        %dma_wait3A_1711 = tpu.memref_slice %arg4[%dma_wait3A_1695, %dma_wait3A_1708, %add3A, %dma_wait3A_1709, %dma_wait3A_1710] : memref<200x8x32x8x128xf32, #tpu.memory_space<hbm>> -> memref<1x8x1x8x128xf32, #tpu.memory_space<hbm>>
        %dma_wait3A_1712 = tpu.memref_squeeze %dma_wait3A_1711 : memref<1x8x1x8x128xf32, #tpu.memory_space<hbm>> -> memref<8x8x128xf32, #tpu.memory_space<hbm>>
        %dma_wait3A_1713 = arith.constant 0 : i32
        %dma_wait3A_1714 = arith.constant 0 : i32
        %dma_wait3A_1715 = arith.constant 0 : i32
        %dma_wait3A_1716 = tpu.memref_slice %arg7[%dma_wait3A_1713, %dma_wait3A_1714, %dma_wait3A_1715] : memref<40x8x129xf32, #tpu.memory_space<vmem>> -> memref<8x8x128xf32, #tpu.memory_space<vmem>>
        tpu.wait_dma2 semaphore(%dma_wait3A_1707 : memref<!tpu.dma_semaphore, #tpu.memory_space<semaphore_mem>>) src(%dma_wait3A_1716 : memref<8x8x128xf32, #tpu.memory_space<vmem>>) dst(%dma_wait3A_1712 : memref<8x8x128xf32, #tpu.memory_space<hbm>>)
      } else {
      }
      %add3A_215 = arith.constant 0 : i32
      %add3A_216 = vector.broadcast %add3A_215 : i32 to vector<16xi32>
      %add3A_217 = arith.addi %iota3A, %add3A_216 : vector<16xi32>
      %jit3A = arith.constant 8 : i32
      %div3A = vector.broadcast %jit3A : i32 to vector<16xi32>
      %div3A_218 = arith.divsi %add3A_217, %div3A : vector<16xi32>
      %sign3A = arith.constant 0 : i32
      %sign3A_219 = vector.broadcast %sign3A : i32 to vector<16xi32>
      %sign3A_220 = arith.cmpi sgt, %add3A_217, %sign3A_219 : vector<16xi32>
      %sign3A_221 = arith.extui %sign3A_220 : vector<16xi1> to vector<16xi32>
      %sign3A_222 = arith.constant 0 : i32
      %sign3A_223 = vector.broadcast %sign3A_222 : i32 to vector<16xi32>
      %sign3A_224 = arith.cmpi slt, %add3A_217, %sign3A_223 : vector<16xi32>
      %sign3A_225 = arith.extui %sign3A_224 : vector<16xi1> to vector<16xi32>
      %sign3A_226 = arith.subi %sign3A_221, %sign3A_225 : vector<16xi32>
      %sign3A_227 = arith.constant 0 : i32
      %sign3A_228 = arith.cmpi sgt, %jit3A, %sign3A_227 : i32
      %sign3A_229 = arith.extui %sign3A_228 : i1 to i32
      %sign3A_230 = arith.constant 0 : i32
      %sign3A_231 = arith.cmpi slt, %jit3A, %sign3A_230 : i32
      %sign3A_232 = arith.extui %sign3A_231 : i1 to i32
      %sign3A_233 = arith.subi %sign3A_229, %sign3A_232 : i32
      %ne3A = vector.broadcast %sign3A_233 : i32 to vector<16xi32>
      %ne3A_234 = arith.cmpi ne, %sign3A_226, %ne3A : vector<16xi32>
      %rem3A = vector.broadcast %jit3A : i32 to vector<16xi32>
      %rem3A_235 = arith.remsi %add3A_217, %rem3A : vector<16xi32>
      %ne3A_236 = arith.constant 0 : i32
      %ne3A_237 = vector.broadcast %ne3A_236 : i32 to vector<16xi32>
      %ne3A_238 = arith.cmpi ne, %rem3A_235, %ne3A_237 : vector<16xi32>
      %and3A = arith.andi %ne3A_234, %ne3A_238 : vector<16xi1>
      %sub3A = arith.constant 1 : i32
      %sub3A_239 = vector.broadcast %sub3A : i32 to vector<16xi32>
      %sub3A_240 = arith.subi %div3A_218, %sub3A_239 : vector<16xi32>
      %select_n3A = arith.select %and3A, %sub3A_240, %div3A_218 : vector<16xi1>, vector<16xi32>
      %add3A_241 = arith.constant 0 : i32
      %add3A_242 = vector.broadcast %add3A_241 : i32 to vector<16xi32>
      %add3A_243 = arith.addi %select_n3A, %add3A_242 : vector<16xi32>
      %add3A_244 = arith.constant 16 : i32
      %add3A_245 = vector.broadcast %add3A_244 : i32 to vector<16xi32>
      %add3A_246 = arith.addi %iota3A, %add3A_245 : vector<16xi32>
      %jit3A_247 = arith.constant 8 : i32
      %div3A_248 = vector.broadcast %jit3A_247 : i32 to vector<16xi32>
      %div3A_249 = arith.divsi %add3A_246, %div3A_248 : vector<16xi32>
      %sign3A_250 = arith.constant 0 : i32
      %sign3A_251 = vector.broadcast %sign3A_250 : i32 to vector<16xi32>
      %sign3A_252 = arith.cmpi sgt, %add3A_246, %sign3A_251 : vector<16xi32>
      %sign3A_253 = arith.extui %sign3A_252 : vector<16xi1> to vector<16xi32>
      %sign3A_254 = arith.constant 0 : i32
      %sign3A_255 = vector.broadcast %sign3A_254 : i32 to vector<16xi32>
      %sign3A_256 = arith.cmpi slt, %add3A_246, %sign3A_255 : vector<16xi32>
      %sign3A_257 = arith.extui %sign3A_256 : vector<16xi1> to vector<16xi32>
      %sign3A_258 = arith.subi %sign3A_253, %sign3A_257 : vector<16xi32>
      %sign3A_259 = arith.constant 0 : i32
      %sign3A_260 = arith.cmpi sgt, %jit3A_247, %sign3A_259 : i32
      %sign3A_261 = arith.extui %sign3A_260 : i1 to i32
      %sign3A_262 = arith.constant 0 : i32
      %sign3A_263 = arith.cmpi slt, %jit3A_247, %sign3A_262 : i32
      %sign3A_264 = arith.extui %sign3A_263 : i1 to i32
      %sign3A_265 = arith.subi %sign3A_261, %sign3A_264 : i32
      %ne3A_266 = vector.broadcast %sign3A_265 : i32 to vector<16xi32>
      %ne3A_267 = arith.cmpi ne, %sign3A_258, %ne3A_266 : vector<16xi32>
      %rem3A_268 = vector.broadcast %jit3A_247 : i32 to vector<16xi32>
      %rem3A_269 = arith.remsi %add3A_246, %rem3A_268 : vector<16xi32>
      %ne3A_270 = arith.constant 0 : i32
      %ne3A_271 = vector.broadcast %ne3A_270 : i32 to vector<16xi32>
      %ne3A_272 = arith.cmpi ne, %rem3A_269, %ne3A_271 : vector<16xi32>
      %and3A_273 = arith.andi %ne3A_267, %ne3A_272 : vector<16xi1>
      %sub3A_274 = arith.constant 1 : i32
      %sub3A_275 = vector.broadcast %sub3A_274 : i32 to vector<16xi32>
      %sub3A_276 = arith.subi %div3A_249, %sub3A_275 : vector<16xi32>
      %select_n3A_277 = arith.select %and3A_273, %sub3A_276, %div3A_249 : vector<16xi1>, vector<16xi32>
      %add3A_278 = arith.constant 0 : i32
      %add3A_279 = vector.broadcast %add3A_278 : i32 to vector<16xi32>
      %add3A_280 = arith.addi %select_n3A_277, %add3A_279 : vector<16xi32>
      %add3A_281 = arith.constant 32 : i32
      %add3A_282 = vector.broadcast %add3A_281 : i32 to vector<16xi32>
      %add3A_283 = arith.addi %iota3A, %add3A_282 : vector<16xi32>
      %jit3A_284 = arith.constant 8 : i32
      %div3A_285 = vector.broadcast %jit3A_284 : i32 to vector<16xi32>
      %div3A_286 = arith.divsi %add3A_283, %div3A_285 : vector<16xi32>
      %sign3A_287 = arith.constant 0 : i32
      %sign3A_288 = vector.broadcast %sign3A_287 : i32 to vector<16xi32>
      %sign3A_289 = arith.cmpi sgt, %add3A_283, %sign3A_288 : vector<16xi32>
      %sign3A_290 = arith.extui %sign3A_289 : vector<16xi1> to vector<16xi32>
      %sign3A_291 = arith.constant 0 : i32
      %sign3A_292 = vector.broadcast %sign3A_291 : i32 to vector<16xi32>
      %sign3A_293 = arith.cmpi slt, %add3A_283, %sign3A_292 : vector<16xi32>
      %sign3A_294 = arith.extui %sign3A_293 : vector<16xi1> to vector<16xi32>
      %sign3A_295 = arith.subi %sign3A_290, %sign3A_294 : vector<16xi32>
      %sign3A_296 = arith.constant 0 : i32
      %sign3A_297 = arith.cmpi sgt, %jit3A_284, %sign3A_296 : i32
      %sign3A_298 = arith.extui %sign3A_297 : i1 to i32
      %sign3A_299 = arith.constant 0 : i32
      %sign3A_300 = arith.cmpi slt, %jit3A_284, %sign3A_299 : i32
      %sign3A_301 = arith.extui %sign3A_300 : i1 to i32
      %sign3A_302 = arith.subi %sign3A_298, %sign3A_301 : i32
      %ne3A_303 = vector.broadcast %sign3A_302 : i32 to vector<16xi32>
      %ne3A_304 = arith.cmpi ne, %sign3A_295, %ne3A_303 : vector<16xi32>
      %rem3A_305 = vector.broadcast %jit3A_284 : i32 to vector<16xi32>
      %rem3A_306 = arith.remsi %add3A_283, %rem3A_305 : vector<16xi32>
      %ne3A_307 = arith.constant 0 : i32
      %ne3A_308 = vector.broadcast %ne3A_307 : i32 to vector<16xi32>
      %ne3A_309 = arith.cmpi ne, %rem3A_306, %ne3A_308 : vector<16xi32>
      %and3A_310 = arith.andi %ne3A_304, %ne3A_309 : vector<16xi1>
      %sub3A_311 = arith.constant 1 : i32
      %sub3A_312 = vector.broadcast %sub3A_311 : i32 to vector<16xi32>
      %sub3A_313 = arith.subi %div3A_286, %sub3A_312 : vector<16xi32>
      %select_n3A_314 = arith.select %and3A_310, %sub3A_313, %div3A_286 : vector<16xi1>, vector<16xi32>
      %add3A_315 = arith.constant 0 : i32
      %add3A_316 = vector.broadcast %add3A_315 : i32 to vector<16xi32>
      %add3A_317 = arith.addi %select_n3A_314, %add3A_316 : vector<16xi32>
      %add3A_318 = arith.constant 48 : i32
      %add3A_319 = vector.broadcast %add3A_318 : i32 to vector<16xi32>
      %add3A_320 = arith.addi %iota3A, %add3A_319 : vector<16xi32>
      %jit3A_321 = arith.constant 8 : i32
      %div3A_322 = vector.broadcast %jit3A_321 : i32 to vector<16xi32>
      %div3A_323 = arith.divsi %add3A_320, %div3A_322 : vector<16xi32>
      %sign3A_324 = arith.constant 0 : i32
      %sign3A_325 = vector.broadcast %sign3A_324 : i32 to vector<16xi32>
      %sign3A_326 = arith.cmpi sgt, %add3A_320, %sign3A_325 : vector<16xi32>
      %sign3A_327 = arith.extui %sign3A_326 : vector<16xi1> to vector<16xi32>
      %sign3A_328 = arith.constant 0 : i32
      %sign3A_329 = vector.broadcast %sign3A_328 : i32 to vector<16xi32>
      %sign3A_330 = arith.cmpi slt, %add3A_320, %sign3A_329 : vector<16xi32>
      %sign3A_331 = arith.extui %sign3A_330 : vector<16xi1> to vector<16xi32>
      %sign3A_332 = arith.subi %sign3A_327, %sign3A_331 : vector<16xi32>
      %sign3A_333 = arith.constant 0 : i32
      %sign3A_334 = arith.cmpi sgt, %jit3A_321, %sign3A_333 : i32
      %sign3A_335 = arith.extui %sign3A_334 : i1 to i32
      %sign3A_336 = arith.constant 0 : i32
      %sign3A_337 = arith.cmpi slt, %jit3A_321, %sign3A_336 : i32
      %sign3A_338 = arith.extui %sign3A_337 : i1 to i32
      %sign3A_339 = arith.subi %sign3A_335, %sign3A_338 : i32
      %ne3A_340 = vector.broadcast %sign3A_339 : i32 to vector<16xi32>
      %ne3A_341 = arith.cmpi ne, %sign3A_332, %ne3A_340 : vector<16xi32>
      %rem3A_342 = vector.broadcast %jit3A_321 : i32 to vector<16xi32>
      %rem3A_343 = arith.remsi %add3A_320, %rem3A_342 : vector<16xi32>
      %ne3A_344 = arith.constant 0 : i32
      %ne3A_345 = vector.broadcast %ne3A_344 : i32 to vector<16xi32>
      %ne3A_346 = arith.cmpi ne, %rem3A_343, %ne3A_345 : vector<16xi32>
      %and3A_347 = arith.andi %ne3A_341, %ne3A_346 : vector<16xi1>
      %sub3A_348 = arith.constant 1 : i32
      %sub3A_349 = vector.broadcast %sub3A_348 : i32 to vector<16xi32>
      %sub3A_350 = arith.subi %div3A_323, %sub3A_349 : vector<16xi32>
      %select_n3A_351 = arith.select %and3A_347, %sub3A_350, %div3A_323 : vector<16xi1>, vector<16xi32>
      %add3A_352 = arith.constant 0 : i32
      %add3A_353 = vector.broadcast %add3A_352 : i32 to vector<16xi32>
      %add3A_354 = arith.addi %select_n3A_351, %add3A_353 : vector<16xi32>
      %add3A_355 = arith.constant 0 : i32
      %add3A_356 = vector.broadcast %add3A_355 : i32 to vector<16xi32>
      %add3A_357 = arith.addi %iota3A, %add3A_356 : vector<16xi32>
      %jit3A_358 = arith.constant 8 : i32
      %eq3A = arith.constant 0 : i32
      %eq3A_359 = arith.cmpi eq, %jit3A_358, %eq3A : i32
      %jit3A_360 = arith.constant 1 : i32
      %select_n3A_361 = arith.select %eq3A_359, %jit3A_360, %jit3A_358 : i32
      %rem3A_362 = vector.broadcast %select_n3A_361 : i32 to vector<16xi32>
      %rem3A_363 = arith.remsi %add3A_357, %rem3A_362 : vector<16xi32>
      %ne3A_364 = arith.constant 0 : i32
      %ne3A_365 = vector.broadcast %ne3A_364 : i32 to vector<16xi32>
      %ne3A_366 = arith.cmpi ne, %rem3A_363, %ne3A_365 : vector<16xi32>
      %lt3A = arith.constant 0 : i32
      %lt3A_367 = vector.broadcast %lt3A : i32 to vector<16xi32>
      %lt3A_368 = arith.cmpi slt, %rem3A_363, %lt3A_367 : vector<16xi32>
      %lt3A_369 = arith.constant 0 : i32
      %lt3A_370 = arith.cmpi slt, %select_n3A_361, %lt3A_369 : i32
      %ne3A_371 = vector.broadcast %lt3A_370 : i1 to vector<16xi1>
      %ne3A_372 = vector.broadcast %ne3A_371 : vector<16xi1> to vector<16xi1>
      %ne3A_373 = arith.xori %lt3A_368, %ne3A_372 : vector<16xi1>
      %and3A_374 = arith.andi %ne3A_373, %ne3A_366 : vector<16xi1>
      %add3A_375 = vector.broadcast %select_n3A_361 : i32 to vector<16xi32>
      %add3A_376 = arith.addi %rem3A_363, %add3A_375 : vector<16xi32>
      %select_n3A_377 = arith.select %and3A_374, %add3A_376, %rem3A_363 : vector<16xi1>, vector<16xi32>
      %add3A_378 = arith.constant 16 : i32
      %add3A_379 = vector.broadcast %add3A_378 : i32 to vector<16xi32>
      %add3A_380 = arith.addi %iota3A, %add3A_379 : vector<16xi32>
      %jit3A_381 = arith.constant 8 : i32
      %eq3A_382 = arith.constant 0 : i32
      %eq3A_383 = arith.cmpi eq, %jit3A_381, %eq3A_382 : i32
      %jit3A_384 = arith.constant 1 : i32
      %select_n3A_385 = arith.select %eq3A_383, %jit3A_384, %jit3A_381 : i32
      %rem3A_386 = vector.broadcast %select_n3A_385 : i32 to vector<16xi32>
      %rem3A_387 = arith.remsi %add3A_380, %rem3A_386 : vector<16xi32>
      %ne3A_388 = arith.constant 0 : i32
      %ne3A_389 = vector.broadcast %ne3A_388 : i32 to vector<16xi32>
      %ne3A_390 = arith.cmpi ne, %rem3A_387, %ne3A_389 : vector<16xi32>
      %lt3A_391 = arith.constant 0 : i32
      %lt3A_392 = vector.broadcast %lt3A_391 : i32 to vector<16xi32>
      %lt3A_393 = arith.cmpi slt, %rem3A_387, %lt3A_392 : vector<16xi32>
      %lt3A_394 = arith.constant 0 : i32
      %lt3A_395 = arith.cmpi slt, %select_n3A_385, %lt3A_394 : i32
      %ne3A_396 = vector.broadcast %lt3A_395 : i1 to vector<16xi1>
      %ne3A_397 = vector.broadcast %ne3A_396 : vector<16xi1> to vector<16xi1>
      %ne3A_398 = arith.xori %lt3A_393, %ne3A_397 : vector<16xi1>
      %and3A_399 = arith.andi %ne3A_398, %ne3A_390 : vector<16xi1>
      %add3A_400 = vector.broadcast %select_n3A_385 : i32 to vector<16xi32>
      %add3A_401 = arith.addi %rem3A_387, %add3A_400 : vector<16xi32>
      %select_n3A_402 = arith.select %and3A_399, %add3A_401, %rem3A_387 : vector<16xi1>, vector<16xi32>
      %add3A_403 = arith.constant 32 : i32
      %add3A_404 = vector.broadcast %add3A_403 : i32 to vector<16xi32>
      %add3A_405 = arith.addi %iota3A, %add3A_404 : vector<16xi32>
      %jit3A_406 = arith.constant 8 : i32
      %eq3A_407 = arith.constant 0 : i32
      %eq3A_408 = arith.cmpi eq, %jit3A_406, %eq3A_407 : i32
      %jit3A_409 = arith.constant 1 : i32
      %select_n3A_410 = arith.select %eq3A_408, %jit3A_409, %jit3A_406 : i32
      %rem3A_411 = vector.broadcast %select_n3A_410 : i32 to vector<16xi32>
      %rem3A_412 = arith.remsi %add3A_405, %rem3A_411 : vector<16xi32>
      %ne3A_413 = arith.constant 0 : i32
      %ne3A_414 = vector.broadcast %ne3A_413 : i32 to vector<16xi32>
      %ne3A_415 = arith.cmpi ne, %rem3A_412, %ne3A_414 : vector<16xi32>
      %lt3A_416 = arith.constant 0 : i32
      %lt3A_417 = vector.broadcast %lt3A_416 : i32 to vector<16xi32>
      %lt3A_418 = arith.cmpi slt, %rem3A_412, %lt3A_417 : vector<16xi32>
      %lt3A_419 = arith.constant 0 : i32
      %lt3A_420 = arith.cmpi slt, %select_n3A_410, %lt3A_419 : i32
      %ne3A_421 = vector.broadcast %lt3A_420 : i1 to vector<16xi1>
      %ne3A_422 = vector.broadcast %ne3A_421 : vector<16xi1> to vector<16xi1>
      %ne3A_423 = arith.xori %lt3A_418, %ne3A_422 : vector<16xi1>
      %and3A_424 = arith.andi %ne3A_423, %ne3A_415 : vector<16xi1>
      %add3A_425 = vector.broadcast %select_n3A_410 : i32 to vector<16xi32>
      %add3A_426 = arith.addi %rem3A_412, %add3A_425 : vector<16xi32>
      %select_n3A_427 = arith.select %and3A_424, %add3A_426, %rem3A_412 : vector<16xi1>, vector<16xi32>
      %add3A_428 = arith.constant 48 : i32
      %add3A_429 = vector.broadcast %add3A_428 : i32 to vector<16xi32>
      %add3A_430 = arith.addi %iota3A, %add3A_429 : vector<16xi32>
      %jit3A_431 = arith.constant 8 : i32
      %eq3A_432 = arith.constant 0 : i32
      %eq3A_433 = arith.cmpi eq, %jit3A_431, %eq3A_432 : i32
      %jit3A_434 = arith.constant 1 : i32
      %select_n3A_435 = arith.select %eq3A_433, %jit3A_434, %jit3A_431 : i32
      %rem3A_436 = vector.broadcast %select_n3A_435 : i32 to vector<16xi32>
      %rem3A_437 = arith.remsi %add3A_430, %rem3A_436 : vector<16xi32>
      %ne3A_438 = arith.constant 0 : i32
      %ne3A_439 = vector.broadcast %ne3A_438 : i32 to vector<16xi32>
      %ne3A_440 = arith.cmpi ne, %rem3A_437, %ne3A_439 : vector<16xi32>
      %lt3A_441 = arith.constant 0 : i32
      %lt3A_442 = vector.broadcast %lt3A_441 : i32 to vector<16xi32>
      %lt3A_443 = arith.cmpi slt, %rem3A_437, %lt3A_442 : vector<16xi32>
      %lt3A_444 = arith.constant 0 : i32
      %lt3A_445 = arith.cmpi slt, %select_n3A_435, %lt3A_444 : i32
      %ne3A_446 = vector.broadcast %lt3A_445 : i1 to vector<16xi1>
      %ne3A_447 = vector.broadcast %ne3A_446 : vector<16xi1> to vector<16xi1>
      %ne3A_448 = arith.xori %lt3A_443, %ne3A_447 : vector<16xi1>
      %and3A_449 = arith.andi %ne3A_448, %ne3A_440 : vector<16xi1>
      %add3A_450 = vector.broadcast %select_n3A_435 : i32 to vector<16xi32>
      %add3A_451 = arith.addi %rem3A_437, %add3A_450 : vector<16xi32>
      %select_n3A_452 = arith.select %and3A_449, %add3A_451, %rem3A_437 : vector<16xi1>, vector<16xi32>
      %parallel_loop3A = arith.constant 0 : i32
      %parallel_loop3A_453 = arith.constant 128 : i32
      %parallel_loop3A_454 = arith.constant 1 : i32
      scf.for %parallel_loop3A_1695 = %parallel_loop3A to %parallel_loop3A_453 step %parallel_loop3A_454  : i32 {
        %parallel_loop3A_1696 = vector.broadcast %parallel_loop3A_1695 : i32 to vector<16xi32>
        %parallel_loop3A_1697 = arith.constant 0 : i32
        %parallel_loop3A_1698 = arith.addi %parallel_loop3A_1697, %parallel_loop3A_1695 : i32
        %parallel_loop3A_1699 = arith.index_cast %parallel_loop3A_1698 : i32 to index
        %parallel_loop3A_1700 = arith.constant 0 : index
        %parallel_loop3A_1701 = tpu.vector_load %arg6[%parallel_loop3A_1699, %parallel_loop3A_1700] {strides = array<i32>} : memref<640x64xf32, #tpu.memory_space<vmem>>, vector<16xf32>,
        tpu.vector_store_idx %arg7[%add3A_243, %select_n3A_377, %parallel_loop3A_1696], %parallel_loop3A_1701 : memref<40x8x129xf32, #tpu.memory_space<vmem>>[vector<16xi32>, vector<16xi32>, vector<16xi32>], vector<16xf32>,
        %parallel_loop3A_1702 = arith.constant 0 : i32
        %parallel_loop3A_1703 = arith.addi %parallel_loop3A_1702, %parallel_loop3A_1695 : i32
        %parallel_loop3A_1704 = arith.index_cast %parallel_loop3A_1703 : i32 to index
        %parallel_loop3A_1705 = arith.constant 16 : index
        %parallel_loop3A_1706 = tpu.vector_load %arg6[%parallel_loop3A_1704, %parallel_loop3A_1705] {strides = array<i32>} : memref<640x64xf32, #tpu.memory_space<vmem>>, vector<16xf32>,
        tpu.vector_store_idx %arg7[%add3A_280, %select_n3A_402, %parallel_loop3A_1696], %parallel_loop3A_1706 : memref<40x8x129xf32, #tpu.memory_space<vmem>>[vector<16xi32>, vector<16xi32>, vector<16xi32>], vector<16xf32>,
        %parallel_loop3A_1707 = arith.constant 0 : i32
        %parallel_loop3A_1708 = arith.addi %parallel_loop3A_1707, %parallel_loop3A_1695 : i32
        %parallel_loop3A_1709 = arith.index_cast %parallel_loop3A_1708 : i32 to index
        %parallel_loop3A_1710 = arith.constant 32 : index
        %parallel_loop3A_1711 = tpu.vector_load %arg6[%parallel_loop3A_1709, %parallel_loop3A_1710] {strides = array<i32>} : memref<640x64xf32, #tpu.memory_space<vmem>>, vector<16xf32>,
        tpu.vector_store_idx %arg7[%add3A_317, %select_n3A_427, %parallel_loop3A_1696], %parallel_loop3A_1711 : memref<40x8x129xf32, #tpu.memory_space<vmem>>[vector<16xi32>, vector<16xi32>, vector<16xi32>], vector<16xf32>,
        %parallel_loop3A_1712 = arith.constant 0 : i32
        %parallel_loop3A_1713 = arith.addi %parallel_loop3A_1712, %parallel_loop3A_1695 : i32
        %parallel_loop3A_1714 = arith.index_cast %parallel_loop3A_1713 : i32 to index
        %parallel_loop3A_1715 = arith.constant 48 : index
        %parallel_loop3A_1716 = tpu.vector_load %arg6[%parallel_loop3A_1714, %parallel_loop3A_1715] {strides = array<i32>} : memref<640x64xf32, #tpu.memory_space<vmem>>, vector<16xf32>,
        tpu.vector_store_idx %arg7[%add3A_354, %select_n3A_452, %parallel_loop3A_1696], %parallel_loop3A_1716 : memref<40x8x129xf32, #tpu.memory_space<vmem>>[vector<16xi32>, vector<16xi32>, vector<16xi32>], vector<16xf32>,
      } {sc.loop_unroll_factor = 8 : i64, sc.parallel_access}
      %add3A_455 = arith.constant 5 : i32
      %add3A_456 = arith.addi %add3A_198, %add3A_455 : i32
      %add3A_457 = arith.constant 0 : i32
      %add3A_458 = arith.addi %add3A_456, %add3A_457 : i32
      %lt3A_459 = arith.constant 200 : i32
      %lt3A_460 = arith.cmpi slt, %add3A_458, %lt3A_459 : i32
      %convert_element_type3A_461 = arith.extui %lt3A_460 : i1 to i32
      %cond3A_462 = arith.constant 0 : i32
      %cond3A_463 = arith.cmpi ne, %convert_element_type3A_461, %cond3A_462 : i32
      scf.if %cond3A_463 {
        %add3A_1695 = arith.constant 5 : i32
        %add3A_1696 = arith.addi %add3A_198, %add3A_1695 : i32
        %add3A_1697 = arith.constant 0 : i32
        %add3A_1698 = arith.addi %add3A_1696, %add3A_1697 : i32
        %dma_start3A_1699 = arith.constant 0 : i32
        %dma_start3A_1700 = arith.constant 0 : i32
        %dma_start3A_1701 = arith.constant 0 : i32
        %dma_start3A_1702 = tpu.memref_slice %arg6[%dma_start3A_1700, %dma_start3A_1701] : memref<640x64xf32, #tpu.memory_space<vmem>> -> memref<128x64xf32, #tpu.memory_space<vmem>>
        %dma_start3A_1703 = arith.constant 0 : i32
        %dma_start3A_1704 = tpu.memref_slice %arg5[%add3A_1698, %dma_start3A_1703] : memref<200x128xi32, #tpu.memory_space<vmem>> -> memref<1x128xi32, #tpu.memory_space<vmem>>
        %dma_start3A_1705 = tpu.memref_squeeze %dma_start3A_1704 : memref<1x128xi32, #tpu.memory_space<vmem>> -> memref<128xi32, #tpu.memory_space<vmem>>
        %dma_start3A_1706 = arith.constant 0 : i32
        %dma_start3A_1707 = arith.constant 0 : i32
        %dma_start3A_1708 = tpu.memref_slice %arg2[%dma_start3A_1706, %dma_start3A_1707] : memref<2000002x64xf32, #tpu.memory_space<hbm>> -> memref<2000002x64xf32, #tpu.memory_space<hbm>>
        %dma_start3A_1709 = tpu.memref_slice %arg9[%dma_start3A_1699] : memref<5x!tpu.dma_semaphore, #tpu.memory_space<semaphore_mem>> -> memref<1x!tpu.dma_semaphore, #tpu.memory_space<semaphore_mem>>
        %dma_start3A_1710 = tpu.memref_squeeze %dma_start3A_1709 : memref<1x!tpu.dma_semaphore, #tpu.memory_space<semaphore_mem>> -> memref<!tpu.dma_semaphore, #tpu.memory_space<semaphore_mem>>
        tpu.enqueue_indirect_dma source(%dma_start3A_1708 : memref<2000002x64xf32, #tpu.memory_space<hbm>>) target(%dma_start3A_1702 : memref<128x64xf32, #tpu.memory_space<vmem>>) offsets(%dma_start3A_1705 : memref<128xi32, #tpu.memory_space<vmem>>) semaphore(%dma_start3A_1710 : memref<!tpu.dma_semaphore, #tpu.memory_space<semaphore_mem>>)
      } else {
      }
      %add3A_464 = arith.constant 0 : i32
      %add3A_465 = arith.addi %add3A_198, %add3A_464 : i32
      %dma_start3A_466 = arith.constant 0 : i32
      %dma_start3A_467 = arith.constant 0 : i32
      %dma_start3A_468 = arith.constant 0 : i32
      %dma_start3A_469 = arith.constant 0 : i32
      %dma_start3A_470 = tpu.memref_slice %arg7[%dma_start3A_467, %dma_start3A_468, %dma_start3A_469] : memref<40x8x129xf32, #tpu.memory_space<vmem>> -> memref<8x8x128xf32, #tpu.memory_space<vmem>>
      %dma_start3A_471 = arith.constant 0 : i32
      %dma_start3A_472 = arith.constant 0 : i32
      %dma_start3A_473 = arith.constant 0 : i32
      %dma_start3A_474 = tpu.memref_slice %arg4[%add3A_465, %dma_start3A_471, %add3A, %dma_start3A_472, %dma_start3A_473] : memref<200x8x32x8x128xf32, #tpu.memory_space<hbm>> -> memref<1x8x1x8x128xf32, #tpu.memory_space<hbm>>
      %dma_start3A_475 = tpu.memref_squeeze %dma_start3A_474 : memref<1x8x1x8x128xf32, #tpu.memory_space<hbm>> -> memref<8x8x128xf32, #tpu.memory_space<hbm>>
      %dma_start3A_476 = tpu.memref_slice %arg10[%dma_start3A_466] : memref<5x!tpu.dma_semaphore, #tpu.memory_space<semaphore_mem>> -> memref<1x!tpu.dma_semaphore, #tpu.memory_space<semaphore_mem>>
      %dma_start3A_477 = tpu.memref_squeeze %dma_start3A_476 : memref<1x!tpu.dma_semaphore, #tpu.memory_space<semaphore_mem>> -> memref<!tpu.dma_semaphore, #tpu.memory_space<semaphore_mem>>
      %dma_start3A_478 = arith.constant 0 : i32
      %dma_start3A_479 = arith.constant 0 : i32
      %dma_start3A_480 = arith.constant 0 : i32
      %dma_start3A_481 = tpu.memref_slice %arg4[%add3A_465, %dma_start3A_478, %add3A, %dma_start3A_479, %dma_start3A_480] : memref<200x8x32x8x128xf32, #tpu.memory_space<hbm>> -> memref<1x8x1x8x128xf32, #tpu.memory_space<hbm>>
      %dma_start3A_482 = tpu.memref_squeeze %dma_start3A_481 : memref<1x8x1x8x128xf32, #tpu.memory_space<hbm>> -> memref<8x8x128xf32, #tpu.memory_space<hbm>>
      %dma_start3A_483 = arith.constant 0 : i32
      %dma_start3A_484 = arith.constant 0 : i32
      %dma_start3A_485 = arith.constant 0 : i32
      %dma_start3A_486 = tpu.memref_slice %arg7[%dma_start3A_483, %dma_start3A_484, %dma_start3A_485] : memref<40x8x129xf32, #tpu.memory_space<vmem>> -> memref<8x8x128xf32, #tpu.memory_space<vmem>>
      tpu.enqueue_dma source(%dma_start3A_486 : memref<8x8x128xf32, #tpu.memory_space<vmem>>) target(%dma_start3A_482 : memref<8x8x128xf32, #tpu.memory_space<hbm>>) target_semaphore(%dma_start3A_477 : memref<!tpu.dma_semaphore, #tpu.memory_space<semaphore_mem>>)
      %add3A_487 = arith.constant 1 : i32
      %add3A_488 = arith.addi %add3A_198, %add3A_487 : i32
      %dma_wait3A_489 = arith.constant 1 : i32
      %dma_wait3A_490 = arith.constant 128 : i32
      %dma_wait3A_491 = arith.constant 0 : i32
      %dma_wait3A_492 = tpu.memref_slice %arg6[%dma_wait3A_490, %dma_wait3A_491] : memref<640x64xf32, #tpu.memory_space<vmem>> -> memref<128x64xf32, #tpu.memory_space<vmem>>
      %dma_wait3A_493 = arith.constant 0 : i32
      %dma_wait3A_494 = tpu.memref_slice %arg5[%add3A_488, %dma_wait3A_493] : memref<200x128xi32, #tpu.memory_space<vmem>> -> memref<1x128xi32, #tpu.memory_space<vmem>>
      %dma_wait3A_495 = tpu.memref_squeeze %dma_wait3A_494 : memref<1x128xi32, #tpu.memory_space<vmem>> -> memref<128xi32, #tpu.memory_space<vmem>>
      %dma_wait3A_496 = arith.constant 0 : i32
      %dma_wait3A_497 = arith.constant 0 : i32
      %dma_wait3A_498 = tpu.memref_slice %arg2[%dma_wait3A_496, %dma_wait3A_497] : memref<2000002x64xf32, #tpu.memory_space<hbm>> -> memref<2000002x64xf32, #tpu.memory_space<hbm>>
      %dma_wait3A_499 = tpu.memref_slice %arg9[%dma_wait3A_489] : memref<5x!tpu.dma_semaphore, #tpu.memory_space<semaphore_mem>> -> memref<1x!tpu.dma_semaphore, #tpu.memory_space<semaphore_mem>>
      %dma_wait3A_500 = tpu.memref_squeeze %dma_wait3A_499 : memref<1x!tpu.dma_semaphore, #tpu.memory_space<semaphore_mem>> -> memref<!tpu.dma_semaphore, #tpu.memory_space<semaphore_mem>>
      tpu.wait_indirect_dma semaphore(%dma_wait3A_500 : memref<!tpu.dma_semaphore, #tpu.memory_space<semaphore_mem>>) src(%dma_wait3A_498 : memref<2000002x64xf32, #tpu.memory_space<hbm>>) dst(%dma_wait3A_492 : memref<128x64xf32, #tpu.memory_space<vmem>>)
      %gt3A_501 = arith.constant 0 : i32
      %gt3A_502 = arith.cmpi sgt, %add3A_198, %gt3A_501 : i32
      %convert_element_type3A_503 = arith.extui %gt3A_502 : i1 to i32
      %cond3A_504 = arith.constant 0 : i32
      %cond3A_505 = arith.cmpi ne, %convert_element_type3A_503, %cond3A_504 : i32
      scf.if %cond3A_505 {
        %dma_wait3A_1695 = arith.constant 0 : i32
        %dma_wait3A_1696 = arith.constant 1 : i32
        %dma_wait3A_1697 = arith.constant 8 : i32
        %dma_wait3A_1698 = arith.constant 0 : i32
        %dma_wait3A_1699 = arith.constant 0 : i32
        %dma_wait3A_1700 = tpu.memref_slice %arg7[%dma_wait3A_1697, %dma_wait3A_1698, %dma_wait3A_1699] : memref<40x8x129xf32, #tpu.memory_space<vmem>> -> memref<8x8x128xf32, #tpu.memory_space<vmem>>
        %dma_wait3A_1701 = arith.constant 0 : i32
        %dma_wait3A_1702 = arith.constant 0 : i32
        %dma_wait3A_1703 = arith.constant 0 : i32
        %dma_wait3A_1704 = tpu.memref_slice %arg4[%dma_wait3A_1695, %dma_wait3A_1701, %add3A, %dma_wait3A_1702, %dma_wait3A_1703] : memref<200x8x32x8x128xf32, #tpu.memory_space<hbm>> -> memref<1x8x1x8x128xf32, #tpu.memory_space<hbm>>
        %dma_wait3A_1705 = tpu.memref_squeeze %dma_wait3A_1704 : memref<1x8x1x8x128xf32, #tpu.memory_space<hbm>> -> memref<8x8x128xf32, #tpu.memory_space<hbm>>
        %dma_wait3A_1706 = tpu.memref_slice %arg10[%dma_wait3A_1696] : memref<5x!tpu.dma_semaphore, #tpu.memory_space<semaphore_mem>> -> memref<1x!tpu.dma_semaphore, #tpu.memory_space<semaphore_mem>>
        %dma_wait3A_1707 = tpu.memref_squeeze %dma_wait3A_1706 : memref<1x!tpu.dma_semaphore, #tpu.memory_space<semaphore_mem>> -> memref<!tpu.dma_semaphore, #tpu.memory_space<semaphore_mem>>
        %dma_wait3A_1708 = arith.constant 0 : i32
        %dma_wait3A_1709 = arith.constant 0 : i32
        %dma_wait3A_1710 = arith.constant 0 : i32
        %dma_wait3A_1711 = tpu.memref_slice %arg4[%dma_wait3A_1695, %dma_wait3A_1708, %add3A, %dma_wait3A_1709, %dma_wait3A_1710] : memref<200x8x32x8x128xf32, #tpu.memory_space<hbm>> -> memref<1x8x1x8x128xf32, #tpu.memory_space<hbm>>
        %dma_wait3A_1712 = tpu.memref_squeeze %dma_wait3A_1711 : memref<1x8x1x8x128xf32, #tpu.memory_space<hbm>> -> memref<8x8x128xf32, #tpu.memory_space<hbm>>
        %dma_wait3A_1713 = arith.constant 8 : i32
        %dma_wait3A_1714 = arith.constant 0 : i32
        %dma_wait3A_1715 = arith.constant 0 : i32
        %dma_wait3A_1716 = tpu.memref_slice %arg7[%dma_wait3A_1713, %dma_wait3A_1714, %dma_wait3A_1715] : memref<40x8x129xf32, #tpu.memory_space<vmem>> -> memref<8x8x128xf32, #tpu.memory_space<vmem>>
        tpu.wait_dma2 semaphore(%dma_wait3A_1707 : memref<!tpu.dma_semaphore, #tpu.memory_space<semaphore_mem>>) src(%dma_wait3A_1716 : memref<8x8x128xf32, #tpu.memory_space<vmem>>) dst(%dma_wait3A_1712 : memref<8x8x128xf32, #tpu.memory_space<hbm>>)
      } else {
      }
      %add3A_506 = arith.constant 0 : i32
      %add3A_507 = vector.broadcast %add3A_506 : i32 to vector<16xi32>
      %add3A_508 = arith.addi %iota3A, %add3A_507 : vector<16xi32>
      %jit3A_509 = arith.constant 8 : i32
      %div3A_510 = vector.broadcast %jit3A_509 : i32 to vector<16xi32>
      %div3A_511 = arith.divsi %add3A_508, %div3A_510 : vector<16xi32>
      %sign3A_512 = arith.constant 0 : i32
      %sign3A_513 = vector.broadcast %sign3A_512 : i32 to vector<16xi32>
      %sign3A_514 = arith.cmpi sgt, %add3A_508, %sign3A_513 : vector<16xi32>
      %sign3A_515 = arith.extui %sign3A_514 : vector<16xi1> to vector<16xi32>
      %sign3A_516 = arith.constant 0 : i32
      %sign3A_517 = vector.broadcast %sign3A_516 : i32 to vector<16xi32>
      %sign3A_518 = arith.cmpi slt, %add3A_508, %sign3A_517 : vector<16xi32>
      %sign3A_519 = arith.extui %sign3A_518 : vector<16xi1> to vector<16xi32>
      %sign3A_520 = arith.subi %sign3A_515, %sign3A_519 : vector<16xi32>
      %sign3A_521 = arith.constant 0 : i32
      %sign3A_522 = arith.cmpi sgt, %jit3A_509, %sign3A_521 : i32
      %sign3A_523 = arith.extui %sign3A_522 : i1 to i32
      %sign3A_524 = arith.constant 0 : i32
      %sign3A_525 = arith.cmpi slt, %jit3A_509, %sign3A_524 : i32
      %sign3A_526 = arith.extui %sign3A_525 : i1 to i32
      %sign3A_527 = arith.subi %sign3A_523, %sign3A_526 : i32
      %ne3A_528 = vector.broadcast %sign3A_527 : i32 to vector<16xi32>
      %ne3A_529 = arith.cmpi ne, %sign3A_520, %ne3A_528 : vector<16xi32>
      %rem3A_530 = vector.broadcast %jit3A_509 : i32 to vector<16xi32>
      %rem3A_531 = arith.remsi %add3A_508, %rem3A_530 : vector<16xi32>
      %ne3A_532 = arith.constant 0 : i32
      %ne3A_533 = vector.broadcast %ne3A_532 : i32 to vector<16xi32>
      %ne3A_534 = arith.cmpi ne, %rem3A_531, %ne3A_533 : vector<16xi32>
      %and3A_535 = arith.andi %ne3A_529, %ne3A_534 : vector<16xi1>
      %sub3A_536 = arith.constant 1 : i32
      %sub3A_537 = vector.broadcast %sub3A_536 : i32 to vector<16xi32>
      %sub3A_538 = arith.subi %div3A_511, %sub3A_537 : vector<16xi32>
      %select_n3A_539 = arith.select %and3A_535, %sub3A_538, %div3A_511 : vector<16xi1>, vector<16xi32>
      %add3A_540 = arith.constant 8 : i32
      %add3A_541 = vector.broadcast %add3A_540 : i32 to vector<16xi32>
      %add3A_542 = arith.addi %select_n3A_539, %add3A_541 : vector<16xi32>
      %add3A_543 = arith.constant 16 : i32
      %add3A_544 = vector.broadcast %add3A_543 : i32 to vector<16xi32>
      %add3A_545 = arith.addi %iota3A, %add3A_544 : vector<16xi32>
      %jit3A_546 = arith.constant 8 : i32
      %div3A_547 = vector.broadcast %jit3A_546 : i32 to vector<16xi32>
      %div3A_548 = arith.divsi %add3A_545, %div3A_547 : vector<16xi32>
      %sign3A_549 = arith.constant 0 : i32
      %sign3A_550 = vector.broadcast %sign3A_549 : i32 to vector<16xi32>
      %sign3A_551 = arith.cmpi sgt, %add3A_545, %sign3A_550 : vector<16xi32>
      %sign3A_552 = arith.extui %sign3A_551 : vector<16xi1> to vector<16xi32>
      %sign3A_553 = arith.constant 0 : i32
      %sign3A_554 = vector.broadcast %sign3A_553 : i32 to vector<16xi32>
      %sign3A_555 = arith.cmpi slt, %add3A_545, %sign3A_554 : vector<16xi32>
      %sign3A_556 = arith.extui %sign3A_555 : vector<16xi1> to vector<16xi32>
      %sign3A_557 = arith.subi %sign3A_552, %sign3A_556 : vector<16xi32>
      %sign3A_558 = arith.constant 0 : i32
      %sign3A_559 = arith.cmpi sgt, %jit3A_546, %sign3A_558 : i32
      %sign3A_560 = arith.extui %sign3A_559 : i1 to i32
      %sign3A_561 = arith.constant 0 : i32
      %sign3A_562 = arith.cmpi slt, %jit3A_546, %sign3A_561 : i32
      %sign3A_563 = arith.extui %sign3A_562 : i1 to i32
      %sign3A_564 = arith.subi %sign3A_560, %sign3A_563 : i32
      %ne3A_565 = vector.broadcast %sign3A_564 : i32 to vector<16xi32>
      %ne3A_566 = arith.cmpi ne, %sign3A_557, %ne3A_565 : vector<16xi32>
      %rem3A_567 = vector.broadcast %jit3A_546 : i32 to vector<16xi32>
      %rem3A_568 = arith.remsi %add3A_545, %rem3A_567 : vector<16xi32>
      %ne3A_569 = arith.constant 0 : i32
      %ne3A_570 = vector.broadcast %ne3A_569 : i32 to vector<16xi32>
      %ne3A_571 = arith.cmpi ne, %rem3A_568, %ne3A_570 : vector<16xi32>
      %and3A_572 = arith.andi %ne3A_566, %ne3A_571 : vector<16xi1>
      %sub3A_573 = arith.constant 1 : i32
      %sub3A_574 = vector.broadcast %sub3A_573 : i32 to vector<16xi32>
      %sub3A_575 = arith.subi %div3A_548, %sub3A_574 : vector<16xi32>
      %select_n3A_576 = arith.select %and3A_572, %sub3A_575, %div3A_548 : vector<16xi1>, vector<16xi32>
      %add3A_577 = arith.constant 8 : i32
      %add3A_578 = vector.broadcast %add3A_577 : i32 to vector<16xi32>
      %add3A_579 = arith.addi %select_n3A_576, %add3A_578 : vector<16xi32>
      %add3A_580 = arith.constant 32 : i32
      %add3A_581 = vector.broadcast %add3A_580 : i32 to vector<16xi32>
      %add3A_582 = arith.addi %iota3A, %add3A_581 : vector<16xi32>
      %jit3A_583 = arith.constant 8 : i32
      %div3A_584 = vector.broadcast %jit3A_583 : i32 to vector<16xi32>
      %div3A_585 = arith.divsi %add3A_582, %div3A_584 : vector<16xi32>
      %sign3A_586 = arith.constant 0 : i32
      %sign3A_587 = vector.broadcast %sign3A_586 : i32 to vector<16xi32>
      %sign3A_588 = arith.cmpi sgt, %add3A_582, %sign3A_587 : vector<16xi32>
      %sign3A_589 = arith.extui %sign3A_588 : vector<16xi1> to vector<16xi32>
      %sign3A_590 = arith.constant 0 : i32
      %sign3A_591 = vector.broadcast %sign3A_590 : i32 to vector<16xi32>
      %sign3A_592 = arith.cmpi slt, %add3A_582, %sign3A_591 : vector<16xi32>
      %sign3A_593 = arith.extui %sign3A_592 : vector<16xi1> to vector<16xi32>
      %sign3A_594 = arith.subi %sign3A_589, %sign3A_593 : vector<16xi32>
      %sign3A_595 = arith.constant 0 : i32
      %sign3A_596 = arith.cmpi sgt, %jit3A_583, %sign3A_595 : i32
      %sign3A_597 = arith.extui %sign3A_596 : i1 to i32
      %sign3A_598 = arith.constant 0 : i32
      %sign3A_599 = arith.cmpi slt, %jit3A_583, %sign3A_598 : i32
      %sign3A_600 = arith.extui %sign3A_599 : i1 to i32
      %sign3A_601 = arith.subi %sign3A_597, %sign3A_600 : i32
      %ne3A_602 = vector.broadcast %sign3A_601 : i32 to vector<16xi32>
      %ne3A_603 = arith.cmpi ne, %sign3A_594, %ne3A_602 : vector<16xi32>
      %rem3A_604 = vector.broadcast %jit3A_583 : i32 to vector<16xi32>
      %rem3A_605 = arith.remsi %add3A_582, %rem3A_604 : vector<16xi32>
      %ne3A_606 = arith.constant 0 : i32
      %ne3A_607 = vector.broadcast %ne3A_606 : i32 to vector<16xi32>
      %ne3A_608 = arith.cmpi ne, %rem3A_605, %ne3A_607 : vector<16xi32>
      %and3A_609 = arith.andi %ne3A_603, %ne3A_608 : vector<16xi1>
      %sub3A_610 = arith.constant 1 : i32
      %sub3A_611 = vector.broadcast %sub3A_610 : i32 to vector<16xi32>
      %sub3A_612 = arith.subi %div3A_585, %sub3A_611 : vector<16xi32>
      %select_n3A_613 = arith.select %and3A_609, %sub3A_612, %div3A_585 : vector<16xi1>, vector<16xi32>
      %add3A_614 = arith.constant 8 : i32
      %add3A_615 = vector.broadcast %add3A_614 : i32 to vector<16xi32>
      %add3A_616 = arith.addi %select_n3A_613, %add3A_615 : vector<16xi32>
      %add3A_617 = arith.constant 48 : i32
      %add3A_618 = vector.broadcast %add3A_617 : i32 to vector<16xi32>
      %add3A_619 = arith.addi %iota3A, %add3A_618 : vector<16xi32>
      %jit3A_620 = arith.constant 8 : i32
      %div3A_621 = vector.broadcast %jit3A_620 : i32 to vector<16xi32>
      %div3A_622 = arith.divsi %add3A_619, %div3A_621 : vector<16xi32>
      %sign3A_623 = arith.constant 0 : i32
      %sign3A_624 = vector.broadcast %sign3A_623 : i32 to vector<16xi32>
      %sign3A_625 = arith.cmpi sgt, %add3A_619, %sign3A_624 : vector<16xi32>
      %sign3A_626 = arith.extui %sign3A_625 : vector<16xi1> to vector<16xi32>
      %sign3A_627 = arith.constant 0 : i32
      %sign3A_628 = vector.broadcast %sign3A_627 : i32 to vector<16xi32>
      %sign3A_629 = arith.cmpi slt, %add3A_619, %sign3A_628 : vector<16xi32>
      %sign3A_630 = arith.extui %sign3A_629 : vector<16xi1> to vector<16xi32>
      %sign3A_631 = arith.subi %sign3A_626, %sign3A_630 : vector<16xi32>
      %sign3A_632 = arith.constant 0 : i32
      %sign3A_633 = arith.cmpi sgt, %jit3A_620, %sign3A_632 : i32
      %sign3A_634 = arith.extui %sign3A_633 : i1 to i32
      %sign3A_635 = arith.constant 0 : i32
      %sign3A_636 = arith.cmpi slt, %jit3A_620, %sign3A_635 : i32
      %sign3A_637 = arith.extui %sign3A_636 : i1 to i32
      %sign3A_638 = arith.subi %sign3A_634, %sign3A_637 : i32
      %ne3A_639 = vector.broadcast %sign3A_638 : i32 to vector<16xi32>
      %ne3A_640 = arith.cmpi ne, %sign3A_631, %ne3A_639 : vector<16xi32>
      %rem3A_641 = vector.broadcast %jit3A_620 : i32 to vector<16xi32>
      %rem3A_642 = arith.remsi %add3A_619, %rem3A_641 : vector<16xi32>
      %ne3A_643 = arith.constant 0 : i32
      %ne3A_644 = vector.broadcast %ne3A_643 : i32 to vector<16xi32>
      %ne3A_645 = arith.cmpi ne, %rem3A_642, %ne3A_644 : vector<16xi32>
      %and3A_646 = arith.andi %ne3A_640, %ne3A_645 : vector<16xi1>
      %sub3A_647 = arith.constant 1 : i32
      %sub3A_648 = vector.broadcast %sub3A_647 : i32 to vector<16xi32>
      %sub3A_649 = arith.subi %div3A_622, %sub3A_648 : vector<16xi32>
      %select_n3A_650 = arith.select %and3A_646, %sub3A_649, %div3A_622 : vector<16xi1>, vector<16xi32>
      %add3A_651 = arith.constant 8 : i32
      %add3A_652 = vector.broadcast %add3A_651 : i32 to vector<16xi32>
      %add3A_653 = arith.addi %select_n3A_650, %add3A_652 : vector<16xi32>
      %add3A_654 = arith.constant 0 : i32
      %add3A_655 = vector.broadcast %add3A_654 : i32 to vector<16xi32>
      %add3A_656 = arith.addi %iota3A, %add3A_655 : vector<16xi32>
      %jit3A_657 = arith.constant 8 : i32
      %eq3A_658 = arith.constant 0 : i32
      %eq3A_659 = arith.cmpi eq, %jit3A_657, %eq3A_658 : i32
      %jit3A_660 = arith.constant 1 : i32
      %select_n3A_661 = arith.select %eq3A_659, %jit3A_660, %jit3A_657 : i32
      %rem3A_662 = vector.broadcast %select_n3A_661 : i32 to vector<16xi32>
      %rem3A_663 = arith.remsi %add3A_656, %rem3A_662 : vector<16xi32>
      %ne3A_664 = arith.constant 0 : i32
      %ne3A_665 = vector.broadcast %ne3A_664 : i32 to vector<16xi32>
      %ne3A_666 = arith.cmpi ne, %rem3A_663, %ne3A_665 : vector<16xi32>
      %lt3A_667 = arith.constant 0 : i32
      %lt3A_668 = vector.broadcast %lt3A_667 : i32 to vector<16xi32>
      %lt3A_669 = arith.cmpi slt, %rem3A_663, %lt3A_668 : vector<16xi32>
      %lt3A_670 = arith.constant 0 : i32
      %lt3A_671 = arith.cmpi slt, %select_n3A_661, %lt3A_670 : i32
      %ne3A_672 = vector.broadcast %lt3A_671 : i1 to vector<16xi1>
      %ne3A_673 = vector.broadcast %ne3A_672 : vector<16xi1> to vector<16xi1>
      %ne3A_674 = arith.xori %lt3A_669, %ne3A_673 : vector<16xi1>
      %and3A_675 = arith.andi %ne3A_674, %ne3A_666 : vector<16xi1>
      %add3A_676 = vector.broadcast %select_n3A_661 : i32 to vector<16xi32>
      %add3A_677 = arith.addi %rem3A_663, %add3A_676 : vector<16xi32>
      %select_n3A_678 = arith.select %and3A_675, %add3A_677, %rem3A_663 : vector<16xi1>, vector<16xi32>
      %add3A_679 = arith.constant 16 : i32
      %add3A_680 = vector.broadcast %add3A_679 : i32 to vector<16xi32>
      %add3A_681 = arith.addi %iota3A, %add3A_680 : vector<16xi32>
      %jit3A_682 = arith.constant 8 : i32
      %eq3A_683 = arith.constant 0 : i32
      %eq3A_684 = arith.cmpi eq, %jit3A_682, %eq3A_683 : i32
      %jit3A_685 = arith.constant 1 : i32
      %select_n3A_686 = arith.select %eq3A_684, %jit3A_685, %jit3A_682 : i32
      %rem3A_687 = vector.broadcast %select_n3A_686 : i32 to vector<16xi32>
      %rem3A_688 = arith.remsi %add3A_681, %rem3A_687 : vector<16xi32>
      %ne3A_689 = arith.constant 0 : i32
      %ne3A_690 = vector.broadcast %ne3A_689 : i32 to vector<16xi32>
      %ne3A_691 = arith.cmpi ne, %rem3A_688, %ne3A_690 : vector<16xi32>
      %lt3A_692 = arith.constant 0 : i32
      %lt3A_693 = vector.broadcast %lt3A_692 : i32 to vector<16xi32>
      %lt3A_694 = arith.cmpi slt, %rem3A_688, %lt3A_693 : vector<16xi32>
      %lt3A_695 = arith.constant 0 : i32
      %lt3A_696 = arith.cmpi slt, %select_n3A_686, %lt3A_695 : i32
      %ne3A_697 = vector.broadcast %lt3A_696 : i1 to vector<16xi1>
      %ne3A_698 = vector.broadcast %ne3A_697 : vector<16xi1> to vector<16xi1>
      %ne3A_699 = arith.xori %lt3A_694, %ne3A_698 : vector<16xi1>
      %and3A_700 = arith.andi %ne3A_699, %ne3A_691 : vector<16xi1>
      %add3A_701 = vector.broadcast %select_n3A_686 : i32 to vector<16xi32>
      %add3A_702 = arith.addi %rem3A_688, %add3A_701 : vector<16xi32>
      %select_n3A_703 = arith.select %and3A_700, %add3A_702, %rem3A_688 : vector<16xi1>, vector<16xi32>
      %add3A_704 = arith.constant 32 : i32
      %add3A_705 = vector.broadcast %add3A_704 : i32 to vector<16xi32>
      %add3A_706 = arith.addi %iota3A, %add3A_705 : vector<16xi32>
      %jit3A_707 = arith.constant 8 : i32
      %eq3A_708 = arith.constant 0 : i32
      %eq3A_709 = arith.cmpi eq, %jit3A_707, %eq3A_708 : i32
      %jit3A_710 = arith.constant 1 : i32
      %select_n3A_711 = arith.select %eq3A_709, %jit3A_710, %jit3A_707 : i32
      %rem3A_712 = vector.broadcast %select_n3A_711 : i32 to vector<16xi32>
      %rem3A_713 = arith.remsi %add3A_706, %rem3A_712 : vector<16xi32>
      %ne3A_714 = arith.constant 0 : i32
      %ne3A_715 = vector.broadcast %ne3A_714 : i32 to vector<16xi32>
      %ne3A_716 = arith.cmpi ne, %rem3A_713, %ne3A_715 : vector<16xi32>
      %lt3A_717 = arith.constant 0 : i32
      %lt3A_718 = vector.broadcast %lt3A_717 : i32 to vector<16xi32>
      %lt3A_719 = arith.cmpi slt, %rem3A_713, %lt3A_718 : vector<16xi32>
      %lt3A_720 = arith.constant 0 : i32
      %lt3A_721 = arith.cmpi slt, %select_n3A_711, %lt3A_720 : i32
      %ne3A_722 = vector.broadcast %lt3A_721 : i1 to vector<16xi1>
      %ne3A_723 = vector.broadcast %ne3A_722 : vector<16xi1> to vector<16xi1>
      %ne3A_724 = arith.xori %lt3A_719, %ne3A_723 : vector<16xi1>
      %and3A_725 = arith.andi %ne3A_724, %ne3A_716 : vector<16xi1>
      %add3A_726 = vector.broadcast %select_n3A_711 : i32 to vector<16xi32>
      %add3A_727 = arith.addi %rem3A_713, %add3A_726 : vector<16xi32>
      %select_n3A_728 = arith.select %and3A_725, %add3A_727, %rem3A_713 : vector<16xi1>, vector<16xi32>
      %add3A_729 = arith.constant 48 : i32
      %add3A_730 = vector.broadcast %add3A_729 : i32 to vector<16xi32>
      %add3A_731 = arith.addi %iota3A, %add3A_730 : vector<16xi32>
      %jit3A_732 = arith.constant 8 : i32
      %eq3A_733 = arith.constant 0 : i32
      %eq3A_734 = arith.cmpi eq, %jit3A_732, %eq3A_733 : i32
      %jit3A_735 = arith.constant 1 : i32
      %select_n3A_736 = arith.select %eq3A_734, %jit3A_735, %jit3A_732 : i32
      %rem3A_737 = vector.broadcast %select_n3A_736 : i32 to vector<16xi32>
      %rem3A_738 = arith.remsi %add3A_731, %rem3A_737 : vector<16xi32>
      %ne3A_739 = arith.constant 0 : i32
      %ne3A_740 = vector.broadcast %ne3A_739 : i32 to vector<16xi32>
      %ne3A_741 = arith.cmpi ne, %rem3A_738, %ne3A_740 : vector<16xi32>
      %lt3A_742 = arith.constant 0 : i32
      %lt3A_743 = vector.broadcast %lt3A_742 : i32 to vector<16xi32>
      %lt3A_744 = arith.cmpi slt, %rem3A_738, %lt3A_743 : vector<16xi32>
      %lt3A_745 = arith.constant 0 : i32
      %lt3A_746 = arith.cmpi slt, %select_n3A_736, %lt3A_745 : i32
      %ne3A_747 = vector.broadcast %lt3A_746 : i1 to vector<16xi1>
      %ne3A_748 = vector.broadcast %ne3A_747 : vector<16xi1> to vector<16xi1>
      %ne3A_749 = arith.xori %lt3A_744, %ne3A_748 : vector<16xi1>
      %and3A_750 = arith.andi %ne3A_749, %ne3A_741 : vector<16xi1>
      %add3A_751 = vector.broadcast %select_n3A_736 : i32 to vector<16xi32>
      %add3A_752 = arith.addi %rem3A_738, %add3A_751 : vector<16xi32>
      %select_n3A_753 = arith.select %and3A_750, %add3A_752, %rem3A_738 : vector<16xi1>, vector<16xi32>
      %parallel_loop3A_754 = arith.constant 0 : i32
      %parallel_loop3A_755 = arith.constant 128 : i32
      %parallel_loop3A_756 = arith.constant 1 : i32
      scf.for %parallel_loop3A_1695 = %parallel_loop3A_754 to %parallel_loop3A_755 step %parallel_loop3A_756  : i32 {
        %parallel_loop3A_1696 = vector.broadcast %parallel_loop3A_1695 : i32 to vector<16xi32>
        %parallel_loop3A_1697 = arith.constant 128 : i32
        %parallel_loop3A_1698 = arith.addi %parallel_loop3A_1697, %parallel_loop3A_1695 : i32
        %parallel_loop3A_1699 = arith.index_cast %parallel_loop3A_1698 : i32 to index
        %parallel_loop3A_1700 = arith.constant 0 : index
        %parallel_loop3A_1701 = tpu.vector_load %arg6[%parallel_loop3A_1699, %parallel_loop3A_1700] {strides = array<i32>} : memref<640x64xf32, #tpu.memory_space<vmem>>, vector<16xf32>,
        tpu.vector_store_idx %arg7[%add3A_542, %select_n3A_678, %parallel_loop3A_1696], %parallel_loop3A_1701 : memref<40x8x129xf32, #tpu.memory_space<vmem>>[vector<16xi32>, vector<16xi32>, vector<16xi32>], vector<16xf32>,
        %parallel_loop3A_1702 = arith.constant 128 : i32
        %parallel_loop3A_1703 = arith.addi %parallel_loop3A_1702, %parallel_loop3A_1695 : i32
        %parallel_loop3A_1704 = arith.index_cast %parallel_loop3A_1703 : i32 to index
        %parallel_loop3A_1705 = arith.constant 16 : index
        %parallel_loop3A_1706 = tpu.vector_load %arg6[%parallel_loop3A_1704, %parallel_loop3A_1705] {strides = array<i32>} : memref<640x64xf32, #tpu.memory_space<vmem>>, vector<16xf32>,
        tpu.vector_store_idx %arg7[%add3A_579, %select_n3A_703, %parallel_loop3A_1696], %parallel_loop3A_1706 : memref<40x8x129xf32, #tpu.memory_space<vmem>>[vector<16xi32>, vector<16xi32>, vector<16xi32>], vector<16xf32>,
        %parallel_loop3A_1707 = arith.constant 128 : i32
        %parallel_loop3A_1708 = arith.addi %parallel_loop3A_1707, %parallel_loop3A_1695 : i32
        %parallel_loop3A_1709 = arith.index_cast %parallel_loop3A_1708 : i32 to index
        %parallel_loop3A_1710 = arith.constant 32 : index
        %parallel_loop3A_1711 = tpu.vector_load %arg6[%parallel_loop3A_1709, %parallel_loop3A_1710] {strides = array<i32>} : memref<640x64xf32, #tpu.memory_space<vmem>>, vector<16xf32>,
        tpu.vector_store_idx %arg7[%add3A_616, %select_n3A_728, %parallel_loop3A_1696], %parallel_loop3A_1711 : memref<40x8x129xf32, #tpu.memory_space<vmem>>[vector<16xi32>, vector<16xi32>, vector<16xi32>], vector<16xf32>,
        %parallel_loop3A_1712 = arith.constant 128 : i32
        %parallel_loop3A_1713 = arith.addi %parallel_loop3A_1712, %parallel_loop3A_1695 : i32
        %parallel_loop3A_1714 = arith.index_cast %parallel_loop3A_1713 : i32 to index
        %parallel_loop3A_1715 = arith.constant 48 : index
        %parallel_loop3A_1716 = tpu.vector_load %arg6[%parallel_loop3A_1714, %parallel_loop3A_1715] {strides = array<i32>} : memref<640x64xf32, #tpu.memory_space<vmem>>, vector<16xf32>,
        tpu.vector_store_idx %arg7[%add3A_653, %select_n3A_753, %parallel_loop3A_1696], %parallel_loop3A_1716 : memref<40x8x129xf32, #tpu.memory_space<vmem>>[vector<16xi32>, vector<16xi32>, vector<16xi32>], vector<16xf32>,
      } {sc.loop_unroll_factor = 8 : i64, sc.parallel_access}
      %add3A_757 = arith.constant 5 : i32
      %add3A_758 = arith.addi %add3A_198, %add3A_757 : i32
      %add3A_759 = arith.constant 1 : i32
      %add3A_760 = arith.addi %add3A_758, %add3A_759 : i32
      %lt3A_761 = arith.constant 200 : i32
      %lt3A_762 = arith.cmpi slt, %add3A_760, %lt3A_761 : i32
      %convert_element_type3A_763 = arith.extui %lt3A_762 : i1 to i32
      %cond3A_764 = arith.constant 0 : i32
      %cond3A_765 = arith.cmpi ne, %convert_element_type3A_763, %cond3A_764 : i32
      scf.if %cond3A_765 {
        %add3A_1695 = arith.constant 5 : i32
        %add3A_1696 = arith.addi %add3A_198, %add3A_1695 : i32
        %add3A_1697 = arith.constant 1 : i32
        %add3A_1698 = arith.addi %add3A_1696, %add3A_1697 : i32
        %dma_start3A_1699 = arith.constant 1 : i32
        %dma_start3A_1700 = arith.constant 128 : i32
        %dma_start3A_1701 = arith.constant 0 : i32
        %dma_start3A_1702 = tpu.memref_slice %arg6[%dma_start3A_1700, %dma_start3A_1701] : memref<640x64xf32, #tpu.memory_space<vmem>> -> memref<128x64xf32, #tpu.memory_space<vmem>>
        %dma_start3A_1703 = arith.constant 0 : i32
        %dma_start3A_1704 = tpu.memref_slice %arg5[%add3A_1698, %dma_start3A_1703] : memref<200x128xi32, #tpu.memory_space<vmem>> -> memref<1x128xi32, #tpu.memory_space<vmem>>
        %dma_start3A_1705 = tpu.memref_squeeze %dma_start3A_1704 : memref<1x128xi32, #tpu.memory_space<vmem>> -> memref<128xi32, #tpu.memory_space<vmem>>
        %dma_start3A_1706 = arith.constant 0 : i32
        %dma_start3A_1707 = arith.constant 0 : i32
        %dma_start3A_1708 = tpu.memref_slice %arg2[%dma_start3A_1706, %dma_start3A_1707] : memref<2000002x64xf32, #tpu.memory_space<hbm>> -> memref<2000002x64xf32, #tpu.memory_space<hbm>>
        %dma_start3A_1709 = tpu.memref_slice %arg9[%dma_start3A_1699] : memref<5x!tpu.dma_semaphore, #tpu.memory_space<semaphore_mem>> -> memref<1x!tpu.dma_semaphore, #tpu.memory_space<semaphore_mem>>
        %dma_start3A_1710 = tpu.memref_squeeze %dma_start3A_1709 : memref<1x!tpu.dma_semaphore, #tpu.memory_space<semaphore_mem>> -> memref<!tpu.dma_semaphore, #tpu.memory_space<semaphore_mem>>
        tpu.enqueue_indirect_dma source(%dma_start3A_1708 : memref<2000002x64xf32, #tpu.memory_space<hbm>>) target(%dma_start3A_1702 : memref<128x64xf32, #tpu.memory_space<vmem>>) offsets(%dma_start3A_1705 : memref<128xi32, #tpu.memory_space<vmem>>) semaphore(%dma_start3A_1710 : memref<!tpu.dma_semaphore, #tpu.memory_space<semaphore_mem>>)
      } else {
      }
      %add3A_766 = arith.constant 1 : i32
      %add3A_767 = arith.addi %add3A_198, %add3A_766 : i32
      %dma_start3A_768 = arith.constant 1 : i32
      %dma_start3A_769 = arith.constant 8 : i32
      %dma_start3A_770 = arith.constant 0 : i32
      %dma_start3A_771 = arith.constant 0 : i32
      %dma_start3A_772 = tpu.memref_slice %arg7[%dma_start3A_769, %dma_start3A_770, %dma_start3A_771] : memref<40x8x129xf32, #tpu.memory_space<vmem>> -> memref<8x8x128xf32, #tpu.memory_space<vmem>>
      %dma_start3A_773 = arith.constant 0 : i32
      %dma_start3A_774 = arith.constant 0 : i32
      %dma_start3A_775 = arith.constant 0 : i32
      %dma_start3A_776 = tpu.memref_slice %arg4[%add3A_767, %dma_start3A_773, %add3A, %dma_start3A_774, %dma_start3A_775] : memref<200x8x32x8x128xf32, #tpu.memory_space<hbm>> -> memref<1x8x1x8x128xf32, #tpu.memory_space<hbm>>
      %dma_start3A_777 = tpu.memref_squeeze %dma_start3A_776 : memref<1x8x1x8x128xf32, #tpu.memory_space<hbm>> -> memref<8x8x128xf32, #tpu.memory_space<hbm>>
      %dma_start3A_778 = tpu.memref_slice %arg10[%dma_start3A_768] : memref<5x!tpu.dma_semaphore, #tpu.memory_space<semaphore_mem>> -> memref<1x!tpu.dma_semaphore, #tpu.memory_space<semaphore_mem>>
      %dma_start3A_779 = tpu.memref_squeeze %dma_start3A_778 : memref<1x!tpu.dma_semaphore, #tpu.memory_space<semaphore_mem>> -> memref<!tpu.dma_semaphore, #tpu.memory_space<semaphore_mem>>
      %dma_start3A_780 = arith.constant 0 : i32
      %dma_start3A_781 = arith.constant 0 : i32
      %dma_start3A_782 = arith.constant 0 : i32
      %dma_start3A_783 = tpu.memref_slice %arg4[%add3A_767, %dma_start3A_780, %add3A, %dma_start3A_781, %dma_start3A_782] : memref<200x8x32x8x128xf32, #tpu.memory_space<hbm>> -> memref<1x8x1x8x128xf32, #tpu.memory_space<hbm>>
      %dma_start3A_784 = tpu.memref_squeeze %dma_start3A_783 : memref<1x8x1x8x128xf32, #tpu.memory_space<hbm>> -> memref<8x8x128xf32, #tpu.memory_space<hbm>>
      %dma_start3A_785 = arith.constant 8 : i32
      %dma_start3A_786 = arith.constant 0 : i32
      %dma_start3A_787 = arith.constant 0 : i32
      %dma_start3A_788 = tpu.memref_slice %arg7[%dma_start3A_785, %dma_start3A_786, %dma_start3A_787] : memref<40x8x129xf32, #tpu.memory_space<vmem>> -> memref<8x8x128xf32, #tpu.memory_space<vmem>>
      tpu.enqueue_dma source(%dma_start3A_788 : memref<8x8x128xf32, #tpu.memory_space<vmem>>) target(%dma_start3A_784 : memref<8x8x128xf32, #tpu.memory_space<hbm>>) target_semaphore(%dma_start3A_779 : memref<!tpu.dma_semaphore, #tpu.memory_space<semaphore_mem>>)
      %add3A_789 = arith.constant 2 : i32
      %add3A_790 = arith.addi %add3A_198, %add3A_789 : i32
      %dma_wait3A_791 = arith.constant 2 : i32
      %dma_wait3A_792 = arith.constant 256 : i32
      %dma_wait3A_793 = arith.constant 0 : i32
      %dma_wait3A_794 = tpu.memref_slice %arg6[%dma_wait3A_792, %dma_wait3A_793] : memref<640x64xf32, #tpu.memory_space<vmem>> -> memref<128x64xf32, #tpu.memory_space<vmem>>
      %dma_wait3A_795 = arith.constant 0 : i32
      %dma_wait3A_796 = tpu.memref_slice %arg5[%add3A_790, %dma_wait3A_795] : memref<200x128xi32, #tpu.memory_space<vmem>> -> memref<1x128xi32, #tpu.memory_space<vmem>>
      %dma_wait3A_797 = tpu.memref_squeeze %dma_wait3A_796 : memref<1x128xi32, #tpu.memory_space<vmem>> -> memref<128xi32, #tpu.memory_space<vmem>>
      %dma_wait3A_798 = arith.constant 0 : i32
      %dma_wait3A_799 = arith.constant 0 : i32
      %dma_wait3A_800 = tpu.memref_slice %arg2[%dma_wait3A_798, %dma_wait3A_799] : memref<2000002x64xf32, #tpu.memory_space<hbm>> -> memref<2000002x64xf32, #tpu.memory_space<hbm>>
      %dma_wait3A_801 = tpu.memref_slice %arg9[%dma_wait3A_791] : memref<5x!tpu.dma_semaphore, #tpu.memory_space<semaphore_mem>> -> memref<1x!tpu.dma_semaphore, #tpu.memory_space<semaphore_mem>>
      %dma_wait3A_802 = tpu.memref_squeeze %dma_wait3A_801 : memref<1x!tpu.dma_semaphore, #tpu.memory_space<semaphore_mem>> -> memref<!tpu.dma_semaphore, #tpu.memory_space<semaphore_mem>>
      tpu.wait_indirect_dma semaphore(%dma_wait3A_802 : memref<!tpu.dma_semaphore, #tpu.memory_space<semaphore_mem>>) src(%dma_wait3A_800 : memref<2000002x64xf32, #tpu.memory_space<hbm>>) dst(%dma_wait3A_794 : memref<128x64xf32, #tpu.memory_space<vmem>>)
      %gt3A_803 = arith.constant 0 : i32
      %gt3A_804 = arith.cmpi sgt, %add3A_198, %gt3A_803 : i32
      %convert_element_type3A_805 = arith.extui %gt3A_804 : i1 to i32
      %cond3A_806 = arith.constant 0 : i32
      %cond3A_807 = arith.cmpi ne, %convert_element_type3A_805, %cond3A_806 : i32
      scf.if %cond3A_807 {
        %dma_wait3A_1695 = arith.constant 0 : i32
        %dma_wait3A_1696 = arith.constant 2 : i32
        %dma_wait3A_1697 = arith.constant 16 : i32
        %dma_wait3A_1698 = arith.constant 0 : i32
        %dma_wait3A_1699 = arith.constant 0 : i32
        %dma_wait3A_1700 = tpu.memref_slice %arg7[%dma_wait3A_1697, %dma_wait3A_1698, %dma_wait3A_1699] : memref<40x8x129xf32, #tpu.memory_space<vmem>> -> memref<8x8x128xf32, #tpu.memory_space<vmem>>
        %dma_wait3A_1701 = arith.constant 0 : i32
        %dma_wait3A_1702 = arith.constant 0 : i32
        %dma_wait3A_1703 = arith.constant 0 : i32
        %dma_wait3A_1704 = tpu.memref_slice %arg4[%dma_wait3A_1695, %dma_wait3A_1701, %add3A, %dma_wait3A_1702, %dma_wait3A_1703] : memref<200x8x32x8x128xf32, #tpu.memory_space<hbm>> -> memref<1x8x1x8x128xf32, #tpu.memory_space<hbm>>
        %dma_wait3A_1705 = tpu.memref_squeeze %dma_wait3A_1704 : memref<1x8x1x8x128xf32, #tpu.memory_space<hbm>> -> memref<8x8x128xf32, #tpu.memory_space<hbm>>
        %dma_wait3A_1706 = tpu.memref_slice %arg10[%dma_wait3A_1696] : memref<5x!tpu.dma_semaphore, #tpu.memory_space<semaphore_mem>> -> memref<1x!tpu.dma_semaphore, #tpu.memory_space<semaphore_mem>>
        %dma_wait3A_1707 = tpu.memref_squeeze %dma_wait3A_1706 : memref<1x!tpu.dma_semaphore, #tpu.memory_space<semaphore_mem>> -> memref<!tpu.dma_semaphore, #tpu.memory_space<semaphore_mem>>
        %dma_wait3A_1708 = arith.constant 0 : i32
        %dma_wait3A_1709 = arith.constant 0 : i32
        %dma_wait3A_1710 = arith.constant 0 : i32
        %dma_wait3A_1711 = tpu.memref_slice %arg4[%dma_wait3A_1695, %dma_wait3A_1708, %add3A, %dma_wait3A_1709, %dma_wait3A_1710] : memref<200x8x32x8x128xf32, #tpu.memory_space<hbm>> -> memref<1x8x1x8x128xf32, #tpu.memory_space<hbm>>
        %dma_wait3A_1712 = tpu.memref_squeeze %dma_wait3A_1711 : memref<1x8x1x8x128xf32, #tpu.memory_space<hbm>> -> memref<8x8x128xf32, #tpu.memory_space<hbm>>
        %dma_wait3A_1713 = arith.constant 16 : i32
        %dma_wait3A_1714 = arith.constant 0 : i32
        %dma_wait3A_1715 = arith.constant 0 : i32
        %dma_wait3A_1716 = tpu.memref_slice %arg7[%dma_wait3A_1713, %dma_wait3A_1714, %dma_wait3A_1715] : memref<40x8x129xf32, #tpu.memory_space<vmem>> -> memref<8x8x128xf32, #tpu.memory_space<vmem>>
        tpu.wait_dma2 semaphore(%dma_wait3A_1707 : memref<!tpu.dma_semaphore, #tpu.memory_space<semaphore_mem>>) src(%dma_wait3A_1716 : memref<8x8x128xf32, #tpu.memory_space<vmem>>) dst(%dma_wait3A_1712 : memref<8x8x128xf32, #tpu.memory_space<hbm>>)
      } else {
      }
      %add3A_808 = arith.constant 0 : i32
      %add3A_809 = vector.broadcast %add3A_808 : i32 to vector<16xi32>
      %add3A_810 = arith.addi %iota3A, %add3A_809 : vector<16xi32>
      %jit3A_811 = arith.constant 8 : i32
      %div3A_812 = vector.broadcast %jit3A_811 : i32 to vector<16xi32>
      %div3A_813 = arith.divsi %add3A_810, %div3A_812 : vector<16xi32>
      %sign3A_814 = arith.constant 0 : i32
      %sign3A_815 = vector.broadcast %sign3A_814 : i32 to vector<16xi32>
      %sign3A_816 = arith.cmpi sgt, %add3A_810, %sign3A_815 : vector<16xi32>
      %sign3A_817 = arith.extui %sign3A_816 : vector<16xi1> to vector<16xi32>
      %sign3A_818 = arith.constant 0 : i32
      %sign3A_819 = vector.broadcast %sign3A_818 : i32 to vector<16xi32>
      %sign3A_820 = arith.cmpi slt, %add3A_810, %sign3A_819 : vector<16xi32>
      %sign3A_821 = arith.extui %sign3A_820 : vector<16xi1> to vector<16xi32>
      %sign3A_822 = arith.subi %sign3A_817, %sign3A_821 : vector<16xi32>
      %sign3A_823 = arith.constant 0 : i32
      %sign3A_824 = arith.cmpi sgt, %jit3A_811, %sign3A_823 : i32
      %sign3A_825 = arith.extui %sign3A_824 : i1 to i32
      %sign3A_826 = arith.constant 0 : i32
      %sign3A_827 = arith.cmpi slt, %jit3A_811, %sign3A_826 : i32
      %sign3A_828 = arith.extui %sign3A_827 : i1 to i32
      %sign3A_829 = arith.subi %sign3A_825, %sign3A_828 : i32
      %ne3A_830 = vector.broadcast %sign3A_829 : i32 to vector<16xi32>
      %ne3A_831 = arith.cmpi ne, %sign3A_822, %ne3A_830 : vector<16xi32>
      %rem3A_832 = vector.broadcast %jit3A_811 : i32 to vector<16xi32>
      %rem3A_833 = arith.remsi %add3A_810, %rem3A_832 : vector<16xi32>
      %ne3A_834 = arith.constant 0 : i32
      %ne3A_835 = vector.broadcast %ne3A_834 : i32 to vector<16xi32>
      %ne3A_836 = arith.cmpi ne, %rem3A_833, %ne3A_835 : vector<16xi32>
      %and3A_837 = arith.andi %ne3A_831, %ne3A_836 : vector<16xi1>
      %sub3A_838 = arith.constant 1 : i32
      %sub3A_839 = vector.broadcast %sub3A_838 : i32 to vector<16xi32>
      %sub3A_840 = arith.subi %div3A_813, %sub3A_839 : vector<16xi32>
      %select_n3A_841 = arith.select %and3A_837, %sub3A_840, %div3A_813 : vector<16xi1>, vector<16xi32>
      %add3A_842 = arith.constant 16 : i32
      %add3A_843 = vector.broadcast %add3A_842 : i32 to vector<16xi32>
      %add3A_844 = arith.addi %select_n3A_841, %add3A_843 : vector<16xi32>
      %add3A_845 = arith.constant 16 : i32
      %add3A_846 = vector.broadcast %add3A_845 : i32 to vector<16xi32>
      %add3A_847 = arith.addi %iota3A, %add3A_846 : vector<16xi32>
      %jit3A_848 = arith.constant 8 : i32
      %div3A_849 = vector.broadcast %jit3A_848 : i32 to vector<16xi32>
      %div3A_850 = arith.divsi %add3A_847, %div3A_849 : vector<16xi32>
      %sign3A_851 = arith.constant 0 : i32
      %sign3A_852 = vector.broadcast %sign3A_851 : i32 to vector<16xi32>
      %sign3A_853 = arith.cmpi sgt, %add3A_847, %sign3A_852 : vector<16xi32>
      %sign3A_854 = arith.extui %sign3A_853 : vector<16xi1> to vector<16xi32>
      %sign3A_855 = arith.constant 0 : i32
      %sign3A_856 = vector.broadcast %sign3A_855 : i32 to vector<16xi32>
      %sign3A_857 = arith.cmpi slt, %add3A_847, %sign3A_856 : vector<16xi32>
      %sign3A_858 = arith.extui %sign3A_857 : vector<16xi1> to vector<16xi32>
      %sign3A_859 = arith.subi %sign3A_854, %sign3A_858 : vector<16xi32>
      %sign3A_860 = arith.constant 0 : i32
      %sign3A_861 = arith.cmpi sgt, %jit3A_848, %sign3A_860 : i32
      %sign3A_862 = arith.extui %sign3A_861 : i1 to i32
      %sign3A_863 = arith.constant 0 : i32
      %sign3A_864 = arith.cmpi slt, %jit3A_848, %sign3A_863 : i32
      %sign3A_865 = arith.extui %sign3A_864 : i1 to i32
      %sign3A_866 = arith.subi %sign3A_862, %sign3A_865 : i32
      %ne3A_867 = vector.broadcast %sign3A_866 : i32 to vector<16xi32>
      %ne3A_868 = arith.cmpi ne, %sign3A_859, %ne3A_867 : vector<16xi32>
      %rem3A_869 = vector.broadcast %jit3A_848 : i32 to vector<16xi32>
      %rem3A_870 = arith.remsi %add3A_847, %rem3A_869 : vector<16xi32>
      %ne3A_871 = arith.constant 0 : i32
      %ne3A_872 = vector.broadcast %ne3A_871 : i32 to vector<16xi32>
      %ne3A_873 = arith.cmpi ne, %rem3A_870, %ne3A_872 : vector<16xi32>
      %and3A_874 = arith.andi %ne3A_868, %ne3A_873 : vector<16xi1>
      %sub3A_875 = arith.constant 1 : i32
      %sub3A_876 = vector.broadcast %sub3A_875 : i32 to vector<16xi32>
      %sub3A_877 = arith.subi %div3A_850, %sub3A_876 : vector<16xi32>
      %select_n3A_878 = arith.select %and3A_874, %sub3A_877, %div3A_850 : vector<16xi1>, vector<16xi32>
      %add3A_879 = arith.constant 16 : i32
      %add3A_880 = vector.broadcast %add3A_879 : i32 to vector<16xi32>
      %add3A_881 = arith.addi %select_n3A_878, %add3A_880 : vector<16xi32>
      %add3A_882 = arith.constant 32 : i32
      %add3A_883 = vector.broadcast %add3A_882 : i32 to vector<16xi32>
      %add3A_884 = arith.addi %iota3A, %add3A_883 : vector<16xi32>
      %jit3A_885 = arith.constant 8 : i32
      %div3A_886 = vector.broadcast %jit3A_885 : i32 to vector<16xi32>
      %div3A_887 = arith.divsi %add3A_884, %div3A_886 : vector<16xi32>
      %sign3A_888 = arith.constant 0 : i32
      %sign3A_889 = vector.broadcast %sign3A_888 : i32 to vector<16xi32>
      %sign3A_890 = arith.cmpi sgt, %add3A_884, %sign3A_889 : vector<16xi32>
      %sign3A_891 = arith.extui %sign3A_890 : vector<16xi1> to vector<16xi32>
      %sign3A_892 = arith.constant 0 : i32
      %sign3A_893 = vector.broadcast %sign3A_892 : i32 to vector<16xi32>
      %sign3A_894 = arith.cmpi slt, %add3A_884, %sign3A_893 : vector<16xi32>
      %sign3A_895 = arith.extui %sign3A_894 : vector<16xi1> to vector<16xi32>
      %sign3A_896 = arith.subi %sign3A_891, %sign3A_895 : vector<16xi32>
      %sign3A_897 = arith.constant 0 : i32
      %sign3A_898 = arith.cmpi sgt, %jit3A_885, %sign3A_897 : i32
      %sign3A_899 = arith.extui %sign3A_898 : i1 to i32
      %sign3A_900 = arith.constant 0 : i32
      %sign3A_901 = arith.cmpi slt, %jit3A_885, %sign3A_900 : i32
      %sign3A_902 = arith.extui %sign3A_901 : i1 to i32
      %sign3A_903 = arith.subi %sign3A_899, %sign3A_902 : i32
      %ne3A_904 = vector.broadcast %sign3A_903 : i32 to vector<16xi32>
      %ne3A_905 = arith.cmpi ne, %sign3A_896, %ne3A_904 : vector<16xi32>
      %rem3A_906 = vector.broadcast %jit3A_885 : i32 to vector<16xi32>
      %rem3A_907 = arith.remsi %add3A_884, %rem3A_906 : vector<16xi32>
      %ne3A_908 = arith.constant 0 : i32
      %ne3A_909 = vector.broadcast %ne3A_908 : i32 to vector<16xi32>
      %ne3A_910 = arith.cmpi ne, %rem3A_907, %ne3A_909 : vector<16xi32>
      %and3A_911 = arith.andi %ne3A_905, %ne3A_910 : vector<16xi1>
      %sub3A_912 = arith.constant 1 : i32
      %sub3A_913 = vector.broadcast %sub3A_912 : i32 to vector<16xi32>
      %sub3A_914 = arith.subi %div3A_887, %sub3A_913 : vector<16xi32>
      %select_n3A_915 = arith.select %and3A_911, %sub3A_914, %div3A_887 : vector<16xi1>, vector<16xi32>
      %add3A_916 = arith.constant 16 : i32
      %add3A_917 = vector.broadcast %add3A_916 : i32 to vector<16xi32>
      %add3A_918 = arith.addi %select_n3A_915, %add3A_917 : vector<16xi32>
      %add3A_919 = arith.constant 48 : i32
      %add3A_920 = vector.broadcast %add3A_919 : i32 to vector<16xi32>
      %add3A_921 = arith.addi %iota3A, %add3A_920 : vector<16xi32>
      %jit3A_922 = arith.constant 8 : i32
      %div3A_923 = vector.broadcast %jit3A_922 : i32 to vector<16xi32>
      %div3A_924 = arith.divsi %add3A_921, %div3A_923 : vector<16xi32>
      %sign3A_925 = arith.constant 0 : i32
      %sign3A_926 = vector.broadcast %sign3A_925 : i32 to vector<16xi32>
      %sign3A_927 = arith.cmpi sgt, %add3A_921, %sign3A_926 : vector<16xi32>
      %sign3A_928 = arith.extui %sign3A_927 : vector<16xi1> to vector<16xi32>
      %sign3A_929 = arith.constant 0 : i32
      %sign3A_930 = vector.broadcast %sign3A_929 : i32 to vector<16xi32>
      %sign3A_931 = arith.cmpi slt, %add3A_921, %sign3A_930 : vector<16xi32>
      %sign3A_932 = arith.extui %sign3A_931 : vector<16xi1> to vector<16xi32>
      %sign3A_933 = arith.subi %sign3A_928, %sign3A_932 : vector<16xi32>
      %sign3A_934 = arith.constant 0 : i32
      %sign3A_935 = arith.cmpi sgt, %jit3A_922, %sign3A_934 : i32
      %sign3A_936 = arith.extui %sign3A_935 : i1 to i32
      %sign3A_937 = arith.constant 0 : i32
      %sign3A_938 = arith.cmpi slt, %jit3A_922, %sign3A_937 : i32
      %sign3A_939 = arith.extui %sign3A_938 : i1 to i32
      %sign3A_940 = arith.subi %sign3A_936, %sign3A_939 : i32
      %ne3A_941 = vector.broadcast %sign3A_940 : i32 to vector<16xi32>
      %ne3A_942 = arith.cmpi ne, %sign3A_933, %ne3A_941 : vector<16xi32>
      %rem3A_943 = vector.broadcast %jit3A_922 : i32 to vector<16xi32>
      %rem3A_944 = arith.remsi %add3A_921, %rem3A_943 : vector<16xi32>
      %ne3A_945 = arith.constant 0 : i32
      %ne3A_946 = vector.broadcast %ne3A_945 : i32 to vector<16xi32>
      %ne3A_947 = arith.cmpi ne, %rem3A_944, %ne3A_946 : vector<16xi32>
      %and3A_948 = arith.andi %ne3A_942, %ne3A_947 : vector<16xi1>
      %sub3A_949 = arith.constant 1 : i32
      %sub3A_950 = vector.broadcast %sub3A_949 : i32 to vector<16xi32>
      %sub3A_951 = arith.subi %div3A_924, %sub3A_950 : vector<16xi32>
      %select_n3A_952 = arith.select %and3A_948, %sub3A_951, %div3A_924 : vector<16xi1>, vector<16xi32>
      %add3A_953 = arith.constant 16 : i32
      %add3A_954 = vector.broadcast %add3A_953 : i32 to vector<16xi32>
      %add3A_955 = arith.addi %select_n3A_952, %add3A_954 : vector<16xi32>
      %add3A_956 = arith.constant 0 : i32
      %add3A_957 = vector.broadcast %add3A_956 : i32 to vector<16xi32>
      %add3A_958 = arith.addi %iota3A, %add3A_957 : vector<16xi32>
      %jit3A_959 = arith.constant 8 : i32
      %eq3A_960 = arith.constant 0 : i32
      %eq3A_961 = arith.cmpi eq, %jit3A_959, %eq3A_960 : i32
      %jit3A_962 = arith.constant 1 : i32
      %select_n3A_963 = arith.select %eq3A_961, %jit3A_962, %jit3A_959 : i32
      %rem3A_964 = vector.broadcast %select_n3A_963 : i32 to vector<16xi32>
      %rem3A_965 = arith.remsi %add3A_958, %rem3A_964 : vector<16xi32>
      %ne3A_966 = arith.constant 0 : i32
      %ne3A_967 = vector.broadcast %ne3A_966 : i32 to vector<16xi32>
      %ne3A_968 = arith.cmpi ne, %rem3A_965, %ne3A_967 : vector<16xi32>
      %lt3A_969 = arith.constant 0 : i32
      %lt3A_970 = vector.broadcast %lt3A_969 : i32 to vector<16xi32>
      %lt3A_971 = arith.cmpi slt, %rem3A_965, %lt3A_970 : vector<16xi32>
      %lt3A_972 = arith.constant 0 : i32
      %lt3A_973 = arith.cmpi slt, %select_n3A_963, %lt3A_972 : i32
      %ne3A_974 = vector.broadcast %lt3A_973 : i1 to vector<16xi1>
      %ne3A_975 = vector.broadcast %ne3A_974 : vector<16xi1> to vector<16xi1>
      %ne3A_976 = arith.xori %lt3A_971, %ne3A_975 : vector<16xi1>
      %and3A_977 = arith.andi %ne3A_976, %ne3A_968 : vector<16xi1>
      %add3A_978 = vector.broadcast %select_n3A_963 : i32 to vector<16xi32>
      %add3A_979 = arith.addi %rem3A_965, %add3A_978 : vector<16xi32>
      %select_n3A_980 = arith.select %and3A_977, %add3A_979, %rem3A_965 : vector<16xi1>, vector<16xi32>
      %add3A_981 = arith.constant 16 : i32
      %add3A_982 = vector.broadcast %add3A_981 : i32 to vector<16xi32>
      %add3A_983 = arith.addi %iota3A, %add3A_982 : vector<16xi32>
      %jit3A_984 = arith.constant 8 : i32
      %eq3A_985 = arith.constant 0 : i32
      %eq3A_986 = arith.cmpi eq, %jit3A_984, %eq3A_985 : i32
      %jit3A_987 = arith.constant 1 : i32
      %select_n3A_988 = arith.select %eq3A_986, %jit3A_987, %jit3A_984 : i32
      %rem3A_989 = vector.broadcast %select_n3A_988 : i32 to vector<16xi32>
      %rem3A_990 = arith.remsi %add3A_983, %rem3A_989 : vector<16xi32>
      %ne3A_991 = arith.constant 0 : i32
      %ne3A_992 = vector.broadcast %ne3A_991 : i32 to vector<16xi32>
      %ne3A_993 = arith.cmpi ne, %rem3A_990, %ne3A_992 : vector<16xi32>
      %lt3A_994 = arith.constant 0 : i32
      %lt3A_995 = vector.broadcast %lt3A_994 : i32 to vector<16xi32>
      %lt3A_996 = arith.cmpi slt, %rem3A_990, %lt3A_995 : vector<16xi32>
      %lt3A_997 = arith.constant 0 : i32
      %lt3A_998 = arith.cmpi slt, %select_n3A_988, %lt3A_997 : i32
      %ne3A_999 = vector.broadcast %lt3A_998 : i1 to vector<16xi1>
      %ne3A_1000 = vector.broadcast %ne3A_999 : vector<16xi1> to vector<16xi1>
      %ne3A_1001 = arith.xori %lt3A_996, %ne3A_1000 : vector<16xi1>
      %and3A_1002 = arith.andi %ne3A_1001, %ne3A_993 : vector<16xi1>
      %add3A_1003 = vector.broadcast %select_n3A_988 : i32 to vector<16xi32>
      %add3A_1004 = arith.addi %rem3A_990, %add3A_1003 : vector<16xi32>
      %select_n3A_1005 = arith.select %and3A_1002, %add3A_1004, %rem3A_990 : vector<16xi1>, vector<16xi32>
      %add3A_1006 = arith.constant 32 : i32
      %add3A_1007 = vector.broadcast %add3A_1006 : i32 to vector<16xi32>
      %add3A_1008 = arith.addi %iota3A, %add3A_1007 : vector<16xi32>
      %jit3A_1009 = arith.constant 8 : i32
      %eq3A_1010 = arith.constant 0 : i32
      %eq3A_1011 = arith.cmpi eq, %jit3A_1009, %eq3A_1010 : i32
      %jit3A_1012 = arith.constant 1 : i32
      %select_n3A_1013 = arith.select %eq3A_1011, %jit3A_1012, %jit3A_1009 : i32
      %rem3A_1014 = vector.broadcast %select_n3A_1013 : i32 to vector<16xi32>
      %rem3A_1015 = arith.remsi %add3A_1008, %rem3A_1014 : vector<16xi32>
      %ne3A_1016 = arith.constant 0 : i32
      %ne3A_1017 = vector.broadcast %ne3A_1016 : i32 to vector<16xi32>
      %ne3A_1018 = arith.cmpi ne, %rem3A_1015, %ne3A_1017 : vector<16xi32>
      %lt3A_1019 = arith.constant 0 : i32
      %lt3A_1020 = vector.broadcast %lt3A_1019 : i32 to vector<16xi32>
      %lt3A_1021 = arith.cmpi slt, %rem3A_1015, %lt3A_1020 : vector<16xi32>
      %lt3A_1022 = arith.constant 0 : i32
      %lt3A_1023 = arith.cmpi slt, %select_n3A_1013, %lt3A_1022 : i32
      %ne3A_1024 = vector.broadcast %lt3A_1023 : i1 to vector<16xi1>
      %ne3A_1025 = vector.broadcast %ne3A_1024 : vector<16xi1> to vector<16xi1>
      %ne3A_1026 = arith.xori %lt3A_1021, %ne3A_1025 : vector<16xi1>
      %and3A_1027 = arith.andi %ne3A_1026, %ne3A_1018 : vector<16xi1>
      %add3A_1028 = vector.broadcast %select_n3A_1013 : i32 to vector<16xi32>
      %add3A_1029 = arith.addi %rem3A_1015, %add3A_1028 : vector<16xi32>
      %select_n3A_1030 = arith.select %and3A_1027, %add3A_1029, %rem3A_1015 : vector<16xi1>, vector<16xi32>
      %add3A_1031 = arith.constant 48 : i32
      %add3A_1032 = vector.broadcast %add3A_1031 : i32 to vector<16xi32>
      %add3A_1033 = arith.addi %iota3A, %add3A_1032 : vector<16xi32>
      %jit3A_1034 = arith.constant 8 : i32
      %eq3A_1035 = arith.constant 0 : i32
      %eq3A_1036 = arith.cmpi eq, %jit3A_1034, %eq3A_1035 : i32
      %jit3A_1037 = arith.constant 1 : i32
      %select_n3A_1038 = arith.select %eq3A_1036, %jit3A_1037, %jit3A_1034 : i32
      %rem3A_1039 = vector.broadcast %select_n3A_1038 : i32 to vector<16xi32>
      %rem3A_1040 = arith.remsi %add3A_1033, %rem3A_1039 : vector<16xi32>
      %ne3A_1041 = arith.constant 0 : i32
      %ne3A_1042 = vector.broadcast %ne3A_1041 : i32 to vector<16xi32>
      %ne3A_1043 = arith.cmpi ne, %rem3A_1040, %ne3A_1042 : vector<16xi32>
      %lt3A_1044 = arith.constant 0 : i32
      %lt3A_1045 = vector.broadcast %lt3A_1044 : i32 to vector<16xi32>
      %lt3A_1046 = arith.cmpi slt, %rem3A_1040, %lt3A_1045 : vector<16xi32>
      %lt3A_1047 = arith.constant 0 : i32
      %lt3A_1048 = arith.cmpi slt, %select_n3A_1038, %lt3A_1047 : i32
      %ne3A_1049 = vector.broadcast %lt3A_1048 : i1 to vector<16xi1>
      %ne3A_1050 = vector.broadcast %ne3A_1049 : vector<16xi1> to vector<16xi1>
      %ne3A_1051 = arith.xori %lt3A_1046, %ne3A_1050 : vector<16xi1>
      %and3A_1052 = arith.andi %ne3A_1051, %ne3A_1043 : vector<16xi1>
      %add3A_1053 = vector.broadcast %select_n3A_1038 : i32 to vector<16xi32>
      %add3A_1054 = arith.addi %rem3A_1040, %add3A_1053 : vector<16xi32>
      %select_n3A_1055 = arith.select %and3A_1052, %add3A_1054, %rem3A_1040 : vector<16xi1>, vector<16xi32>
      %parallel_loop3A_1056 = arith.constant 0 : i32
      %parallel_loop3A_1057 = arith.constant 128 : i32
      %parallel_loop3A_1058 = arith.constant 1 : i32
      scf.for %parallel_loop3A_1695 = %parallel_loop3A_1056 to %parallel_loop3A_1057 step %parallel_loop3A_1058  : i32 {
        %parallel_loop3A_1696 = vector.broadcast %parallel_loop3A_1695 : i32 to vector<16xi32>
        %parallel_loop3A_1697 = arith.constant 256 : i32
        %parallel_loop3A_1698 = arith.addi %parallel_loop3A_1697, %parallel_loop3A_1695 : i32
        %parallel_loop3A_1699 = arith.index_cast %parallel_loop3A_1698 : i32 to index
        %parallel_loop3A_1700 = arith.constant 0 : index
        %parallel_loop3A_1701 = tpu.vector_load %arg6[%parallel_loop3A_1699, %parallel_loop3A_1700] {strides = array<i32>} : memref<640x64xf32, #tpu.memory_space<vmem>>, vector<16xf32>,
        tpu.vector_store_idx %arg7[%add3A_844, %select_n3A_980, %parallel_loop3A_1696], %parallel_loop3A_1701 : memref<40x8x129xf32, #tpu.memory_space<vmem>>[vector<16xi32>, vector<16xi32>, vector<16xi32>], vector<16xf32>,
        %parallel_loop3A_1702 = arith.constant 256 : i32
        %parallel_loop3A_1703 = arith.addi %parallel_loop3A_1702, %parallel_loop3A_1695 : i32
        %parallel_loop3A_1704 = arith.index_cast %parallel_loop3A_1703 : i32 to index
        %parallel_loop3A_1705 = arith.constant 16 : index
        %parallel_loop3A_1706 = tpu.vector_load %arg6[%parallel_loop3A_1704, %parallel_loop3A_1705] {strides = array<i32>} : memref<640x64xf32, #tpu.memory_space<vmem>>, vector<16xf32>,
        tpu.vector_store_idx %arg7[%add3A_881, %select_n3A_1005, %parallel_loop3A_1696], %parallel_loop3A_1706 : memref<40x8x129xf32, #tpu.memory_space<vmem>>[vector<16xi32>, vector<16xi32>, vector<16xi32>], vector<16xf32>,
        %parallel_loop3A_1707 = arith.constant 256 : i32
        %parallel_loop3A_1708 = arith.addi %parallel_loop3A_1707, %parallel_loop3A_1695 : i32
        %parallel_loop3A_1709 = arith.index_cast %parallel_loop3A_1708 : i32 to index
        %parallel_loop3A_1710 = arith.constant 32 : index
        %parallel_loop3A_1711 = tpu.vector_load %arg6[%parallel_loop3A_1709, %parallel_loop3A_1710] {strides = array<i32>} : memref<640x64xf32, #tpu.memory_space<vmem>>, vector<16xf32>,
        tpu.vector_store_idx %arg7[%add3A_918, %select_n3A_1030, %parallel_loop3A_1696], %parallel_loop3A_1711 : memref<40x8x129xf32, #tpu.memory_space<vmem>>[vector<16xi32>, vector<16xi32>, vector<16xi32>], vector<16xf32>,
        %parallel_loop3A_1712 = arith.constant 256 : i32
        %parallel_loop3A_1713 = arith.addi %parallel_loop3A_1712, %parallel_loop3A_1695 : i32
        %parallel_loop3A_1714 = arith.index_cast %parallel_loop3A_1713 : i32 to index
        %parallel_loop3A_1715 = arith.constant 48 : index
        %parallel_loop3A_1716 = tpu.vector_load %arg6[%parallel_loop3A_1714, %parallel_loop3A_1715] {strides = array<i32>} : memref<640x64xf32, #tpu.memory_space<vmem>>, vector<16xf32>,
        tpu.vector_store_idx %arg7[%add3A_955, %select_n3A_1055, %parallel_loop3A_1696], %parallel_loop3A_1716 : memref<40x8x129xf32, #tpu.memory_space<vmem>>[vector<16xi32>, vector<16xi32>, vector<16xi32>], vector<16xf32>,
      } {sc.loop_unroll_factor = 8 : i64, sc.parallel_access}
      %add3A_1059 = arith.constant 5 : i32
      %add3A_1060 = arith.addi %add3A_198, %add3A_1059 : i32
      %add3A_1061 = arith.constant 2 : i32
      %add3A_1062 = arith.addi %add3A_1060, %add3A_1061 : i32
      %lt3A_1063 = arith.constant 200 : i32
      %lt3A_1064 = arith.cmpi slt, %add3A_1062, %lt3A_1063 : i32
      %convert_element_type3A_1065 = arith.extui %lt3A_1064 : i1 to i32
      %cond3A_1066 = arith.constant 0 : i32
      %cond3A_1067 = arith.cmpi ne, %convert_element_type3A_1065, %cond3A_1066 : i32
      scf.if %cond3A_1067 {
        %add3A_1695 = arith.constant 5 : i32
        %add3A_1696 = arith.addi %add3A_198, %add3A_1695 : i32
        %add3A_1697 = arith.constant 2 : i32
        %add3A_1698 = arith.addi %add3A_1696, %add3A_1697 : i32
        %dma_start3A_1699 = arith.constant 2 : i32
        %dma_start3A_1700 = arith.constant 256 : i32
        %dma_start3A_1701 = arith.constant 0 : i32
        %dma_start3A_1702 = tpu.memref_slice %arg6[%dma_start3A_1700, %dma_start3A_1701] : memref<640x64xf32, #tpu.memory_space<vmem>> -> memref<128x64xf32, #tpu.memory_space<vmem>>
        %dma_start3A_1703 = arith.constant 0 : i32
        %dma_start3A_1704 = tpu.memref_slice %arg5[%add3A_1698, %dma_start3A_1703] : memref<200x128xi32, #tpu.memory_space<vmem>> -> memref<1x128xi32, #tpu.memory_space<vmem>>
        %dma_start3A_1705 = tpu.memref_squeeze %dma_start3A_1704 : memref<1x128xi32, #tpu.memory_space<vmem>> -> memref<128xi32, #tpu.memory_space<vmem>>
        %dma_start3A_1706 = arith.constant 0 : i32
        %dma_start3A_1707 = arith.constant 0 : i32
        %dma_start3A_1708 = tpu.memref_slice %arg2[%dma_start3A_1706, %dma_start3A_1707] : memref<2000002x64xf32, #tpu.memory_space<hbm>> -> memref<2000002x64xf32, #tpu.memory_space<hbm>>
        %dma_start3A_1709 = tpu.memref_slice %arg9[%dma_start3A_1699] : memref<5x!tpu.dma_semaphore, #tpu.memory_space<semaphore_mem>> -> memref<1x!tpu.dma_semaphore, #tpu.memory_space<semaphore_mem>>
        %dma_start3A_1710 = tpu.memref_squeeze %dma_start3A_1709 : memref<1x!tpu.dma_semaphore, #tpu.memory_space<semaphore_mem>> -> memref<!tpu.dma_semaphore, #tpu.memory_space<semaphore_mem>>
        tpu.enqueue_indirect_dma source(%dma_start3A_1708 : memref<2000002x64xf32, #tpu.memory_space<hbm>>) target(%dma_start3A_1702 : memref<128x64xf32, #tpu.memory_space<vmem>>) offsets(%dma_start3A_1705 : memref<128xi32, #tpu.memory_space<vmem>>) semaphore(%dma_start3A_1710 : memref<!tpu.dma_semaphore, #tpu.memory_space<semaphore_mem>>)
      } else {
      }
      %add3A_1068 = arith.constant 2 : i32
      %add3A_1069 = arith.addi %add3A_198, %add3A_1068 : i32
      %dma_start3A_1070 = arith.constant 2 : i32
      %dma_start3A_1071 = arith.constant 16 : i32
      %dma_start3A_1072 = arith.constant 0 : i32
      %dma_start3A_1073 = arith.constant 0 : i32
      %dma_start3A_1074 = tpu.memref_slice %arg7[%dma_start3A_1071, %dma_start3A_1072, %dma_start3A_1073] : memref<40x8x129xf32, #tpu.memory_space<vmem>> -> memref<8x8x128xf32, #tpu.memory_space<vmem>>
      %dma_start3A_1075 = arith.constant 0 : i32
      %dma_start3A_1076 = arith.constant 0 : i32
      %dma_start3A_1077 = arith.constant 0 : i32
      %dma_start3A_1078 = tpu.memref_slice %arg4[%add3A_1069, %dma_start3A_1075, %add3A, %dma_start3A_1076, %dma_start3A_1077] : memref<200x8x32x8x128xf32, #tpu.memory_space<hbm>> -> memref<1x8x1x8x128xf32, #tpu.memory_space<hbm>>
      %dma_start3A_1079 = tpu.memref_squeeze %dma_start3A_1078 : memref<1x8x1x8x128xf32, #tpu.memory_space<hbm>> -> memref<8x8x128xf32, #tpu.memory_space<hbm>>
      %dma_start3A_1080 = tpu.memref_slice %arg10[%dma_start3A_1070] : memref<5x!tpu.dma_semaphore, #tpu.memory_space<semaphore_mem>> -> memref<1x!tpu.dma_semaphore, #tpu.memory_space<semaphore_mem>>
      %dma_start3A_1081 = tpu.memref_squeeze %dma_start3A_1080 : memref<1x!tpu.dma_semaphore, #tpu.memory_space<semaphore_mem>> -> memref<!tpu.dma_semaphore, #tpu.memory_space<semaphore_mem>>
      %dma_start3A_1082 = arith.constant 0 : i32
      %dma_start3A_1083 = arith.constant 0 : i32
      %dma_start3A_1084 = arith.constant 0 : i32
      %dma_start3A_1085 = tpu.memref_slice %arg4[%add3A_1069, %dma_start3A_1082, %add3A, %dma_start3A_1083, %dma_start3A_1084] : memref<200x8x32x8x128xf32, #tpu.memory_space<hbm>> -> memref<1x8x1x8x128xf32, #tpu.memory_space<hbm>>
      %dma_start3A_1086 = tpu.memref_squeeze %dma_start3A_1085 : memref<1x8x1x8x128xf32, #tpu.memory_space<hbm>> -> memref<8x8x128xf32, #tpu.memory_space<hbm>>
      %dma_start3A_1087 = arith.constant 16 : i32
      %dma_start3A_1088 = arith.constant 0 : i32
      %dma_start3A_1089 = arith.constant 0 : i32
      %dma_start3A_1090 = tpu.memref_slice %arg7[%dma_start3A_1087, %dma_start3A_1088, %dma_start3A_1089] : memref<40x8x129xf32, #tpu.memory_space<vmem>> -> memref<8x8x128xf32, #tpu.memory_space<vmem>>
      tpu.enqueue_dma source(%dma_start3A_1090 : memref<8x8x128xf32, #tpu.memory_space<vmem>>) target(%dma_start3A_1086 : memref<8x8x128xf32, #tpu.memory_space<hbm>>) target_semaphore(%dma_start3A_1081 : memref<!tpu.dma_semaphore, #tpu.memory_space<semaphore_mem>>)
      %add3A_1091 = arith.constant 3 : i32
      %add3A_1092 = arith.addi %add3A_198, %add3A_1091 : i32
      %dma_wait3A_1093 = arith.constant 3 : i32
      %dma_wait3A_1094 = arith.constant 384 : i32
      %dma_wait3A_1095 = arith.constant 0 : i32
      %dma_wait3A_1096 = tpu.memref_slice %arg6[%dma_wait3A_1094, %dma_wait3A_1095] : memref<640x64xf32, #tpu.memory_space<vmem>> -> memref<128x64xf32, #tpu.memory_space<vmem>>
      %dma_wait3A_1097 = arith.constant 0 : i32
      %dma_wait3A_1098 = tpu.memref_slice %arg5[%add3A_1092, %dma_wait3A_1097] : memref<200x128xi32, #tpu.memory_space<vmem>> -> memref<1x128xi32, #tpu.memory_space<vmem>>
      %dma_wait3A_1099 = tpu.memref_squeeze %dma_wait3A_1098 : memref<1x128xi32, #tpu.memory_space<vmem>> -> memref<128xi32, #tpu.memory_space<vmem>>
      %dma_wait3A_1100 = arith.constant 0 : i32
      %dma_wait3A_1101 = arith.constant 0 : i32
      %dma_wait3A_1102 = tpu.memref_slice %arg2[%dma_wait3A_1100, %dma_wait3A_1101] : memref<2000002x64xf32, #tpu.memory_space<hbm>> -> memref<2000002x64xf32, #tpu.memory_space<hbm>>
      %dma_wait3A_1103 = tpu.memref_slice %arg9[%dma_wait3A_1093] : memref<5x!tpu.dma_semaphore, #tpu.memory_space<semaphore_mem>> -> memref<1x!tpu.dma_semaphore, #tpu.memory_space<semaphore_mem>>
      %dma_wait3A_1104 = tpu.memref_squeeze %dma_wait3A_1103 : memref<1x!tpu.dma_semaphore, #tpu.memory_space<semaphore_mem>> -> memref<!tpu.dma_semaphore, #tpu.memory_space<semaphore_mem>>
      tpu.wait_indirect_dma semaphore(%dma_wait3A_1104 : memref<!tpu.dma_semaphore, #tpu.memory_space<semaphore_mem>>) src(%dma_wait3A_1102 : memref<2000002x64xf32, #tpu.memory_space<hbm>>) dst(%dma_wait3A_1096 : memref<128x64xf32, #tpu.memory_space<vmem>>)
      %gt3A_1105 = arith.constant 0 : i32
      %gt3A_1106 = arith.cmpi sgt, %add3A_198, %gt3A_1105 : i32
      %convert_element_type3A_1107 = arith.extui %gt3A_1106 : i1 to i32
      %cond3A_1108 = arith.constant 0 : i32
      %cond3A_1109 = arith.cmpi ne, %convert_element_type3A_1107, %cond3A_1108 : i32
      scf.if %cond3A_1109 {
        %dma_wait3A_1695 = arith.constant 0 : i32
        %dma_wait3A_1696 = arith.constant 3 : i32
        %dma_wait3A_1697 = arith.constant 24 : i32
        %dma_wait3A_1698 = arith.constant 0 : i32
        %dma_wait3A_1699 = arith.constant 0 : i32
        %dma_wait3A_1700 = tpu.memref_slice %arg7[%dma_wait3A_1697, %dma_wait3A_1698, %dma_wait3A_1699] : memref<40x8x129xf32, #tpu.memory_space<vmem>> -> memref<8x8x128xf32, #tpu.memory_space<vmem>>
        %dma_wait3A_1701 = arith.constant 0 : i32
        %dma_wait3A_1702 = arith.constant 0 : i32
        %dma_wait3A_1703 = arith.constant 0 : i32
        %dma_wait3A_1704 = tpu.memref_slice %arg4[%dma_wait3A_1695, %dma_wait3A_1701, %add3A, %dma_wait3A_1702, %dma_wait3A_1703] : memref<200x8x32x8x128xf32, #tpu.memory_space<hbm>> -> memref<1x8x1x8x128xf32, #tpu.memory_space<hbm>>
        %dma_wait3A_1705 = tpu.memref_squeeze %dma_wait3A_1704 : memref<1x8x1x8x128xf32, #tpu.memory_space<hbm>> -> memref<8x8x128xf32, #tpu.memory_space<hbm>>
        %dma_wait3A_1706 = tpu.memref_slice %arg10[%dma_wait3A_1696] : memref<5x!tpu.dma_semaphore, #tpu.memory_space<semaphore_mem>> -> memref<1x!tpu.dma_semaphore, #tpu.memory_space<semaphore_mem>>
        %dma_wait3A_1707 = tpu.memref_squeeze %dma_wait3A_1706 : memref<1x!tpu.dma_semaphore, #tpu.memory_space<semaphore_mem>> -> memref<!tpu.dma_semaphore, #tpu.memory_space<semaphore_mem>>
        %dma_wait3A_1708 = arith.constant 0 : i32
        %dma_wait3A_1709 = arith.constant 0 : i32
        %dma_wait3A_1710 = arith.constant 0 : i32
        %dma_wait3A_1711 = tpu.memref_slice %arg4[%dma_wait3A_1695, %dma_wait3A_1708, %add3A, %dma_wait3A_1709, %dma_wait3A_1710] : memref<200x8x32x8x128xf32, #tpu.memory_space<hbm>> -> memref<1x8x1x8x128xf32, #tpu.memory_space<hbm>>
        %dma_wait3A_1712 = tpu.memref_squeeze %dma_wait3A_1711 : memref<1x8x1x8x128xf32, #tpu.memory_space<hbm>> -> memref<8x8x128xf32, #tpu.memory_space<hbm>>
        %dma_wait3A_1713 = arith.constant 24 : i32
        %dma_wait3A_1714 = arith.constant 0 : i32
        %dma_wait3A_1715 = arith.constant 0 : i32
        %dma_wait3A_1716 = tpu.memref_slice %arg7[%dma_wait3A_1713, %dma_wait3A_1714, %dma_wait3A_1715] : memref<40x8x129xf32, #tpu.memory_space<vmem>> -> memref<8x8x128xf32, #tpu.memory_space<vmem>>
        tpu.wait_dma2 semaphore(%dma_wait3A_1707 : memref<!tpu.dma_semaphore, #tpu.memory_space<semaphore_mem>>) src(%dma_wait3A_1716 : memref<8x8x128xf32, #tpu.memory_space<vmem>>) dst(%dma_wait3A_1712 : memref<8x8x128xf32, #tpu.memory_space<hbm>>)
      } else {
      }
      %add3A_1110 = arith.constant 0 : i32
      %add3A_1111 = vector.broadcast %add3A_1110 : i32 to vector<16xi32>
      %add3A_1112 = arith.addi %iota3A, %add3A_1111 : vector<16xi32>
      %jit3A_1113 = arith.constant 8 : i32
      %div3A_1114 = vector.broadcast %jit3A_1113 : i32 to vector<16xi32>
      %div3A_1115 = arith.divsi %add3A_1112, %div3A_1114 : vector<16xi32>
      %sign3A_1116 = arith.constant 0 : i32
      %sign3A_1117 = vector.broadcast %sign3A_1116 : i32 to vector<16xi32>
      %sign3A_1118 = arith.cmpi sgt, %add3A_1112, %sign3A_1117 : vector<16xi32>
      %sign3A_1119 = arith.extui %sign3A_1118 : vector<16xi1> to vector<16xi32>
      %sign3A_1120 = arith.constant 0 : i32
      %sign3A_1121 = vector.broadcast %sign3A_1120 : i32 to vector<16xi32>
      %sign3A_1122 = arith.cmpi slt, %add3A_1112, %sign3A_1121 : vector<16xi32>
      %sign3A_1123 = arith.extui %sign3A_1122 : vector<16xi1> to vector<16xi32>
      %sign3A_1124 = arith.subi %sign3A_1119, %sign3A_1123 : vector<16xi32>
      %sign3A_1125 = arith.constant 0 : i32
      %sign3A_1126 = arith.cmpi sgt, %jit3A_1113, %sign3A_1125 : i32
      %sign3A_1127 = arith.extui %sign3A_1126 : i1 to i32
      %sign3A_1128 = arith.constant 0 : i32
      %sign3A_1129 = arith.cmpi slt, %jit3A_1113, %sign3A_1128 : i32
      %sign3A_1130 = arith.extui %sign3A_1129 : i1 to i32
      %sign3A_1131 = arith.subi %sign3A_1127, %sign3A_1130 : i32
      %ne3A_1132 = vector.broadcast %sign3A_1131 : i32 to vector<16xi32>
      %ne3A_1133 = arith.cmpi ne, %sign3A_1124, %ne3A_1132 : vector<16xi32>
      %rem3A_1134 = vector.broadcast %jit3A_1113 : i32 to vector<16xi32>
      %rem3A_1135 = arith.remsi %add3A_1112, %rem3A_1134 : vector<16xi32>
      %ne3A_1136 = arith.constant 0 : i32
      %ne3A_1137 = vector.broadcast %ne3A_1136 : i32 to vector<16xi32>
      %ne3A_1138 = arith.cmpi ne, %rem3A_1135, %ne3A_1137 : vector<16xi32>
      %and3A_1139 = arith.andi %ne3A_1133, %ne3A_1138 : vector<16xi1>
      %sub3A_1140 = arith.constant 1 : i32
      %sub3A_1141 = vector.broadcast %sub3A_1140 : i32 to vector<16xi32>
      %sub3A_1142 = arith.subi %div3A_1115, %sub3A_1141 : vector<16xi32>
      %select_n3A_1143 = arith.select %and3A_1139, %sub3A_1142, %div3A_1115 : vector<16xi1>, vector<16xi32>
      %add3A_1144 = arith.constant 24 : i32
      %add3A_1145 = vector.broadcast %add3A_1144 : i32 to vector<16xi32>
      %add3A_1146 = arith.addi %select_n3A_1143, %add3A_1145 : vector<16xi32>
      %add3A_1147 = arith.constant 16 : i32
      %add3A_1148 = vector.broadcast %add3A_1147 : i32 to vector<16xi32>
      %add3A_1149 = arith.addi %iota3A, %add3A_1148 : vector<16xi32>
      %jit3A_1150 = arith.constant 8 : i32
      %div3A_1151 = vector.broadcast %jit3A_1150 : i32 to vector<16xi32>
      %div3A_1152 = arith.divsi %add3A_1149, %div3A_1151 : vector<16xi32>
      %sign3A_1153 = arith.constant 0 : i32
      %sign3A_1154 = vector.broadcast %sign3A_1153 : i32 to vector<16xi32>
      %sign3A_1155 = arith.cmpi sgt, %add3A_1149, %sign3A_1154 : vector<16xi32>
      %sign3A_1156 = arith.extui %sign3A_1155 : vector<16xi1> to vector<16xi32>
      %sign3A_1157 = arith.constant 0 : i32
      %sign3A_1158 = vector.broadcast %sign3A_1157 : i32 to vector<16xi32>
      %sign3A_1159 = arith.cmpi slt, %add3A_1149, %sign3A_1158 : vector<16xi32>
      %sign3A_1160 = arith.extui %sign3A_1159 : vector<16xi1> to vector<16xi32>
      %sign3A_1161 = arith.subi %sign3A_1156, %sign3A_1160 : vector<16xi32>
      %sign3A_1162 = arith.constant 0 : i32
      %sign3A_1163 = arith.cmpi sgt, %jit3A_1150, %sign3A_1162 : i32
      %sign3A_1164 = arith.extui %sign3A_1163 : i1 to i32
      %sign3A_1165 = arith.constant 0 : i32
      %sign3A_1166 = arith.cmpi slt, %jit3A_1150, %sign3A_1165 : i32
      %sign3A_1167 = arith.extui %sign3A_1166 : i1 to i32
      %sign3A_1168 = arith.subi %sign3A_1164, %sign3A_1167 : i32
      %ne3A_1169 = vector.broadcast %sign3A_1168 : i32 to vector<16xi32>
      %ne3A_1170 = arith.cmpi ne, %sign3A_1161, %ne3A_1169 : vector<16xi32>
      %rem3A_1171 = vector.broadcast %jit3A_1150 : i32 to vector<16xi32>
      %rem3A_1172 = arith.remsi %add3A_1149, %rem3A_1171 : vector<16xi32>
      %ne3A_1173 = arith.constant 0 : i32
      %ne3A_1174 = vector.broadcast %ne3A_1173 : i32 to vector<16xi32>
      %ne3A_1175 = arith.cmpi ne, %rem3A_1172, %ne3A_1174 : vector<16xi32>
      %and3A_1176 = arith.andi %ne3A_1170, %ne3A_1175 : vector<16xi1>
      %sub3A_1177 = arith.constant 1 : i32
      %sub3A_1178 = vector.broadcast %sub3A_1177 : i32 to vector<16xi32>
      %sub3A_1179 = arith.subi %div3A_1152, %sub3A_1178 : vector<16xi32>
      %select_n3A_1180 = arith.select %and3A_1176, %sub3A_1179, %div3A_1152 : vector<16xi1>, vector<16xi32>
      %add3A_1181 = arith.constant 24 : i32
      %add3A_1182 = vector.broadcast %add3A_1181 : i32 to vector<16xi32>
      %add3A_1183 = arith.addi %select_n3A_1180, %add3A_1182 : vector<16xi32>
      %add3A_1184 = arith.constant 32 : i32
      %add3A_1185 = vector.broadcast %add3A_1184 : i32 to vector<16xi32>
      %add3A_1186 = arith.addi %iota3A, %add3A_1185 : vector<16xi32>
      %jit3A_1187 = arith.constant 8 : i32
      %div3A_1188 = vector.broadcast %jit3A_1187 : i32 to vector<16xi32>
      %div3A_1189 = arith.divsi %add3A_1186, %div3A_1188 : vector<16xi32>
      %sign3A_1190 = arith.constant 0 : i32
      %sign3A_1191 = vector.broadcast %sign3A_1190 : i32 to vector<16xi32>
      %sign3A_1192 = arith.cmpi sgt, %add3A_1186, %sign3A_1191 : vector<16xi32>
      %sign3A_1193 = arith.extui %sign3A_1192 : vector<16xi1> to vector<16xi32>
      %sign3A_1194 = arith.constant 0 : i32
      %sign3A_1195 = vector.broadcast %sign3A_1194 : i32 to vector<16xi32>
      %sign3A_1196 = arith.cmpi slt, %add3A_1186, %sign3A_1195 : vector<16xi32>
      %sign3A_1197 = arith.extui %sign3A_1196 : vector<16xi1> to vector<16xi32>
      %sign3A_1198 = arith.subi %sign3A_1193, %sign3A_1197 : vector<16xi32>
      %sign3A_1199 = arith.constant 0 : i32
      %sign3A_1200 = arith.cmpi sgt, %jit3A_1187, %sign3A_1199 : i32
      %sign3A_1201 = arith.extui %sign3A_1200 : i1 to i32
      %sign3A_1202 = arith.constant 0 : i32
      %sign3A_1203 = arith.cmpi slt, %jit3A_1187, %sign3A_1202 : i32
      %sign3A_1204 = arith.extui %sign3A_1203 : i1 to i32
      %sign3A_1205 = arith.subi %sign3A_1201, %sign3A_1204 : i32
      %ne3A_1206 = vector.broadcast %sign3A_1205 : i32 to vector<16xi32>
      %ne3A_1207 = arith.cmpi ne, %sign3A_1198, %ne3A_1206 : vector<16xi32>
      %rem3A_1208 = vector.broadcast %jit3A_1187 : i32 to vector<16xi32>
      %rem3A_1209 = arith.remsi %add3A_1186, %rem3A_1208 : vector<16xi32>
      %ne3A_1210 = arith.constant 0 : i32
      %ne3A_1211 = vector.broadcast %ne3A_1210 : i32 to vector<16xi32>
      %ne3A_1212 = arith.cmpi ne, %rem3A_1209, %ne3A_1211 : vector<16xi32>
      %and3A_1213 = arith.andi %ne3A_1207, %ne3A_1212 : vector<16xi1>
      %sub3A_1214 = arith.constant 1 : i32
      %sub3A_1215 = vector.broadcast %sub3A_1214 : i32 to vector<16xi32>
      %sub3A_1216 = arith.subi %div3A_1189, %sub3A_1215 : vector<16xi32>
      %select_n3A_1217 = arith.select %and3A_1213, %sub3A_1216, %div3A_1189 : vector<16xi1>, vector<16xi32>
      %add3A_1218 = arith.constant 24 : i32
      %add3A_1219 = vector.broadcast %add3A_1218 : i32 to vector<16xi32>
      %add3A_1220 = arith.addi %select_n3A_1217, %add3A_1219 : vector<16xi32>
      %add3A_1221 = arith.constant 48 : i32
      %add3A_1222 = vector.broadcast %add3A_1221 : i32 to vector<16xi32>
      %add3A_1223 = arith.addi %iota3A, %add3A_1222 : vector<16xi32>
      %jit3A_1224 = arith.constant 8 : i32
      %div3A_1225 = vector.broadcast %jit3A_1224 : i32 to vector<16xi32>
      %div3A_1226 = arith.divsi %add3A_1223, %div3A_1225 : vector<16xi32>
      %sign3A_1227 = arith.constant 0 : i32
      %sign3A_1228 = vector.broadcast %sign3A_1227 : i32 to vector<16xi32>
      %sign3A_1229 = arith.cmpi sgt, %add3A_1223, %sign3A_1228 : vector<16xi32>
      %sign3A_1230 = arith.extui %sign3A_1229 : vector<16xi1> to vector<16xi32>
      %sign3A_1231 = arith.constant 0 : i32
      %sign3A_1232 = vector.broadcast %sign3A_1231 : i32 to vector<16xi32>
      %sign3A_1233 = arith.cmpi slt, %add3A_1223, %sign3A_1232 : vector<16xi32>
      %sign3A_1234 = arith.extui %sign3A_1233 : vector<16xi1> to vector<16xi32>
      %sign3A_1235 = arith.subi %sign3A_1230, %sign3A_1234 : vector<16xi32>
      %sign3A_1236 = arith.constant 0 : i32
      %sign3A_1237 = arith.cmpi sgt, %jit3A_1224, %sign3A_1236 : i32
      %sign3A_1238 = arith.extui %sign3A_1237 : i1 to i32
      %sign3A_1239 = arith.constant 0 : i32
      %sign3A_1240 = arith.cmpi slt, %jit3A_1224, %sign3A_1239 : i32
      %sign3A_1241 = arith.extui %sign3A_1240 : i1 to i32
      %sign3A_1242 = arith.subi %sign3A_1238, %sign3A_1241 : i32
      %ne3A_1243 = vector.broadcast %sign3A_1242 : i32 to vector<16xi32>
      %ne3A_1244 = arith.cmpi ne, %sign3A_1235, %ne3A_1243 : vector<16xi32>
      %rem3A_1245 = vector.broadcast %jit3A_1224 : i32 to vector<16xi32>
      %rem3A_1246 = arith.remsi %add3A_1223, %rem3A_1245 : vector<16xi32>
      %ne3A_1247 = arith.constant 0 : i32
      %ne3A_1248 = vector.broadcast %ne3A_1247 : i32 to vector<16xi32>
      %ne3A_1249 = arith.cmpi ne, %rem3A_1246, %ne3A_1248 : vector<16xi32>
      %and3A_1250 = arith.andi %ne3A_1244, %ne3A_1249 : vector<16xi1>
      %sub3A_1251 = arith.constant 1 : i32
      %sub3A_1252 = vector.broadcast %sub3A_1251 : i32 to vector<16xi32>
      %sub3A_1253 = arith.subi %div3A_1226, %sub3A_1252 : vector<16xi32>
      %select_n3A_1254 = arith.select %and3A_1250, %sub3A_1253, %div3A_1226 : vector<16xi1>, vector<16xi32>
      %add3A_1255 = arith.constant 24 : i32
      %add3A_1256 = vector.broadcast %add3A_1255 : i32 to vector<16xi32>
      %add3A_1257 = arith.addi %select_n3A_1254, %add3A_1256 : vector<16xi32>
      %add3A_1258 = arith.constant 0 : i32
      %add3A_1259 = vector.broadcast %add3A_1258 : i32 to vector<16xi32>
      %add3A_1260 = arith.addi %iota3A, %add3A_1259 : vector<16xi32>
      %jit3A_1261 = arith.constant 8 : i32
      %eq3A_1262 = arith.constant 0 : i32
      %eq3A_1263 = arith.cmpi eq, %jit3A_1261, %eq3A_1262 : i32
      %jit3A_1264 = arith.constant 1 : i32
      %select_n3A_1265 = arith.select %eq3A_1263, %jit3A_1264, %jit3A_1261 : i32
      %rem3A_1266 = vector.broadcast %select_n3A_1265 : i32 to vector<16xi32>
      %rem3A_1267 = arith.remsi %add3A_1260, %rem3A_1266 : vector<16xi32>
      %ne3A_1268 = arith.constant 0 : i32
      %ne3A_1269 = vector.broadcast %ne3A_1268 : i32 to vector<16xi32>
      %ne3A_1270 = arith.cmpi ne, %rem3A_1267, %ne3A_1269 : vector<16xi32>
      %lt3A_1271 = arith.constant 0 : i32
      %lt3A_1272 = vector.broadcast %lt3A_1271 : i32 to vector<16xi32>
      %lt3A_1273 = arith.cmpi slt, %rem3A_1267, %lt3A_1272 : vector<16xi32>
      %lt3A_1274 = arith.constant 0 : i32
      %lt3A_1275 = arith.cmpi slt, %select_n3A_1265, %lt3A_1274 : i32
      %ne3A_1276 = vector.broadcast %lt3A_1275 : i1 to vector<16xi1>
      %ne3A_1277 = vector.broadcast %ne3A_1276 : vector<16xi1> to vector<16xi1>
      %ne3A_1278 = arith.xori %lt3A_1273, %ne3A_1277 : vector<16xi1>
      %and3A_1279 = arith.andi %ne3A_1278, %ne3A_1270 : vector<16xi1>
      %add3A_1280 = vector.broadcast %select_n3A_1265 : i32 to vector<16xi32>
      %add3A_1281 = arith.addi %rem3A_1267, %add3A_1280 : vector<16xi32>
      %select_n3A_1282 = arith.select %and3A_1279, %add3A_1281, %rem3A_1267 : vector<16xi1>, vector<16xi32>
      %add3A_1283 = arith.constant 16 : i32
      %add3A_1284 = vector.broadcast %add3A_1283 : i32 to vector<16xi32>
      %add3A_1285 = arith.addi %iota3A, %add3A_1284 : vector<16xi32>
      %jit3A_1286 = arith.constant 8 : i32
      %eq3A_1287 = arith.constant 0 : i32
      %eq3A_1288 = arith.cmpi eq, %jit3A_1286, %eq3A_1287 : i32
      %jit3A_1289 = arith.constant 1 : i32
      %select_n3A_1290 = arith.select %eq3A_1288, %jit3A_1289, %jit3A_1286 : i32
      %rem3A_1291 = vector.broadcast %select_n3A_1290 : i32 to vector<16xi32>
      %rem3A_1292 = arith.remsi %add3A_1285, %rem3A_1291 : vector<16xi32>
      %ne3A_1293 = arith.constant 0 : i32
      %ne3A_1294 = vector.broadcast %ne3A_1293 : i32 to vector<16xi32>
      %ne3A_1295 = arith.cmpi ne, %rem3A_1292, %ne3A_1294 : vector<16xi32>
      %lt3A_1296 = arith.constant 0 : i32
      %lt3A_1297 = vector.broadcast %lt3A_1296 : i32 to vector<16xi32>
      %lt3A_1298 = arith.cmpi slt, %rem3A_1292, %lt3A_1297 : vector<16xi32>
      %lt3A_1299 = arith.constant 0 : i32
      %lt3A_1300 = arith.cmpi slt, %select_n3A_1290, %lt3A_1299 : i32
      %ne3A_1301 = vector.broadcast %lt3A_1300 : i1 to vector<16xi1>
      %ne3A_1302 = vector.broadcast %ne3A_1301 : vector<16xi1> to vector<16xi1>
      %ne3A_1303 = arith.xori %lt3A_1298, %ne3A_1302 : vector<16xi1>
      %and3A_1304 = arith.andi %ne3A_1303, %ne3A_1295 : vector<16xi1>
      %add3A_1305 = vector.broadcast %select_n3A_1290 : i32 to vector<16xi32>
      %add3A_1306 = arith.addi %rem3A_1292, %add3A_1305 : vector<16xi32>
      %select_n3A_1307 = arith.select %and3A_1304, %add3A_1306, %rem3A_1292 : vector<16xi1>, vector<16xi32>
      %add3A_1308 = arith.constant 32 : i32
      %add3A_1309 = vector.broadcast %add3A_1308 : i32 to vector<16xi32>
      %add3A_1310 = arith.addi %iota3A, %add3A_1309 : vector<16xi32>
      %jit3A_1311 = arith.constant 8 : i32
      %eq3A_1312 = arith.constant 0 : i32
      %eq3A_1313 = arith.cmpi eq, %jit3A_1311, %eq3A_1312 : i32
      %jit3A_1314 = arith.constant 1 : i32
      %select_n3A_1315 = arith.select %eq3A_1313, %jit3A_1314, %jit3A_1311 : i32
      %rem3A_1316 = vector.broadcast %select_n3A_1315 : i32 to vector<16xi32>
      %rem3A_1317 = arith.remsi %add3A_1310, %rem3A_1316 : vector<16xi32>
      %ne3A_1318 = arith.constant 0 : i32
      %ne3A_1319 = vector.broadcast %ne3A_1318 : i32 to vector<16xi32>
      %ne3A_1320 = arith.cmpi ne, %rem3A_1317, %ne3A_1319 : vector<16xi32>
      %lt3A_1321 = arith.constant 0 : i32
      %lt3A_1322 = vector.broadcast %lt3A_1321 : i32 to vector<16xi32>
      %lt3A_1323 = arith.cmpi slt, %rem3A_1317, %lt3A_1322 : vector<16xi32>
      %lt3A_1324 = arith.constant 0 : i32
      %lt3A_1325 = arith.cmpi slt, %select_n3A_1315, %lt3A_1324 : i32
      %ne3A_1326 = vector.broadcast %lt3A_1325 : i1 to vector<16xi1>
      %ne3A_1327 = vector.broadcast %ne3A_1326 : vector<16xi1> to vector<16xi1>
      %ne3A_1328 = arith.xori %lt3A_1323, %ne3A_1327 : vector<16xi1>
      %and3A_1329 = arith.andi %ne3A_1328, %ne3A_1320 : vector<16xi1>
      %add3A_1330 = vector.broadcast %select_n3A_1315 : i32 to vector<16xi32>
      %add3A_1331 = arith.addi %rem3A_1317, %add3A_1330 : vector<16xi32>
      %select_n3A_1332 = arith.select %and3A_1329, %add3A_1331, %rem3A_1317 : vector<16xi1>, vector<16xi32>
      %add3A_1333 = arith.constant 48 : i32
      %add3A_1334 = vector.broadcast %add3A_1333 : i32 to vector<16xi32>
      %add3A_1335 = arith.addi %iota3A, %add3A_1334 : vector<16xi32>
      %jit3A_1336 = arith.constant 8 : i32
      %eq3A_1337 = arith.constant 0 : i32
      %eq3A_1338 = arith.cmpi eq, %jit3A_1336, %eq3A_1337 : i32
      %jit3A_1339 = arith.constant 1 : i32
      %select_n3A_1340 = arith.select %eq3A_1338, %jit3A_1339, %jit3A_1336 : i32
      %rem3A_1341 = vector.broadcast %select_n3A_1340 : i32 to vector<16xi32>
      %rem3A_1342 = arith.remsi %add3A_1335, %rem3A_1341 : vector<16xi32>
      %ne3A_1343 = arith.constant 0 : i32
      %ne3A_1344 = vector.broadcast %ne3A_1343 : i32 to vector<16xi32>
      %ne3A_1345 = arith.cmpi ne, %rem3A_1342, %ne3A_1344 : vector<16xi32>
      %lt3A_1346 = arith.constant 0 : i32
      %lt3A_1347 = vector.broadcast %lt3A_1346 : i32 to vector<16xi32>
      %lt3A_1348 = arith.cmpi slt, %rem3A_1342, %lt3A_1347 : vector<16xi32>
      %lt3A_1349 = arith.constant 0 : i32
      %lt3A_1350 = arith.cmpi slt, %select_n3A_1340, %lt3A_1349 : i32
      %ne3A_1351 = vector.broadcast %lt3A_1350 : i1 to vector<16xi1>
      %ne3A_1352 = vector.broadcast %ne3A_1351 : vector<16xi1> to vector<16xi1>
      %ne3A_1353 = arith.xori %lt3A_1348, %ne3A_1352 : vector<16xi1>
      %and3A_1354 = arith.andi %ne3A_1353, %ne3A_1345 : vector<16xi1>
      %add3A_1355 = vector.broadcast %select_n3A_1340 : i32 to vector<16xi32>
      %add3A_1356 = arith.addi %rem3A_1342, %add3A_1355 : vector<16xi32>
      %select_n3A_1357 = arith.select %and3A_1354, %add3A_1356, %rem3A_1342 : vector<16xi1>, vector<16xi32>
      %parallel_loop3A_1358 = arith.constant 0 : i32
      %parallel_loop3A_1359 = arith.constant 128 : i32
      %parallel_loop3A_1360 = arith.constant 1 : i32
      scf.for %parallel_loop3A_1695 = %parallel_loop3A_1358 to %parallel_loop3A_1359 step %parallel_loop3A_1360  : i32 {
        %parallel_loop3A_1696 = vector.broadcast %parallel_loop3A_1695 : i32 to vector<16xi32>
        %parallel_loop3A_1697 = arith.constant 384 : i32
        %parallel_loop3A_1698 = arith.addi %parallel_loop3A_1697, %parallel_loop3A_1695 : i32
        %parallel_loop3A_1699 = arith.index_cast %parallel_loop3A_1698 : i32 to index
        %parallel_loop3A_1700 = arith.constant 0 : index
        %parallel_loop3A_1701 = tpu.vector_load %arg6[%parallel_loop3A_1699, %parallel_loop3A_1700] {strides = array<i32>} : memref<640x64xf32, #tpu.memory_space<vmem>>, vector<16xf32>,
        tpu.vector_store_idx %arg7[%add3A_1146, %select_n3A_1282, %parallel_loop3A_1696], %parallel_loop3A_1701 : memref<40x8x129xf32, #tpu.memory_space<vmem>>[vector<16xi32>, vector<16xi32>, vector<16xi32>], vector<16xf32>,
        %parallel_loop3A_1702 = arith.constant 384 : i32
        %parallel_loop3A_1703 = arith.addi %parallel_loop3A_1702, %parallel_loop3A_1695 : i32
        %parallel_loop3A_1704 = arith.index_cast %parallel_loop3A_1703 : i32 to index
        %parallel_loop3A_1705 = arith.constant 16 : index
        %parallel_loop3A_1706 = tpu.vector_load %arg6[%parallel_loop3A_1704, %parallel_loop3A_1705] {strides = array<i32>} : memref<640x64xf32, #tpu.memory_space<vmem>>, vector<16xf32>,
        tpu.vector_store_idx %arg7[%add3A_1183, %select_n3A_1307, %parallel_loop3A_1696], %parallel_loop3A_1706 : memref<40x8x129xf32, #tpu.memory_space<vmem>>[vector<16xi32>, vector<16xi32>, vector<16xi32>], vector<16xf32>,
        %parallel_loop3A_1707 = arith.constant 384 : i32
        %parallel_loop3A_1708 = arith.addi %parallel_loop3A_1707, %parallel_loop3A_1695 : i32
        %parallel_loop3A_1709 = arith.index_cast %parallel_loop3A_1708 : i32 to index
        %parallel_loop3A_1710 = arith.constant 32 : index
        %parallel_loop3A_1711 = tpu.vector_load %arg6[%parallel_loop3A_1709, %parallel_loop3A_1710] {strides = array<i32>} : memref<640x64xf32, #tpu.memory_space<vmem>>, vector<16xf32>,
        tpu.vector_store_idx %arg7[%add3A_1220, %select_n3A_1332, %parallel_loop3A_1696], %parallel_loop3A_1711 : memref<40x8x129xf32, #tpu.memory_space<vmem>>[vector<16xi32>, vector<16xi32>, vector<16xi32>], vector<16xf32>,
        %parallel_loop3A_1712 = arith.constant 384 : i32
        %parallel_loop3A_1713 = arith.addi %parallel_loop3A_1712, %parallel_loop3A_1695 : i32
        %parallel_loop3A_1714 = arith.index_cast %parallel_loop3A_1713 : i32 to index
        %parallel_loop3A_1715 = arith.constant 48 : index
        %parallel_loop3A_1716 = tpu.vector_load %arg6[%parallel_loop3A_1714, %parallel_loop3A_1715] {strides = array<i32>} : memref<640x64xf32, #tpu.memory_space<vmem>>, vector<16xf32>,
        tpu.vector_store_idx %arg7[%add3A_1257, %select_n3A_1357, %parallel_loop3A_1696], %parallel_loop3A_1716 : memref<40x8x129xf32, #tpu.memory_space<vmem>>[vector<16xi32>, vector<16xi32>, vector<16xi32>], vector<16xf32>,
      } {sc.loop_unroll_factor = 8 : i64, sc.parallel_access}
      %add3A_1361 = arith.constant 5 : i32
      %add3A_1362 = arith.addi %add3A_198, %add3A_1361 : i32
      %add3A_1363 = arith.constant 3 : i32
      %add3A_1364 = arith.addi %add3A_1362, %add3A_1363 : i32
      %lt3A_1365 = arith.constant 200 : i32
      %lt3A_1366 = arith.cmpi slt, %add3A_1364, %lt3A_1365 : i32
      %convert_element_type3A_1367 = arith.extui %lt3A_1366 : i1 to i32
      %cond3A_1368 = arith.constant 0 : i32
      %cond3A_1369 = arith.cmpi ne, %convert_element_type3A_1367, %cond3A_1368 : i32
      scf.if %cond3A_1369 {
        %add3A_1695 = arith.constant 5 : i32
        %add3A_1696 = arith.addi %add3A_198, %add3A_1695 : i32
        %add3A_1697 = arith.constant 3 : i32
        %add3A_1698 = arith.addi %add3A_1696, %add3A_1697 : i32
        %dma_start3A_1699 = arith.constant 3 : i32
        %dma_start3A_1700 = arith.constant 384 : i32
        %dma_start3A_1701 = arith.constant 0 : i32
        %dma_start3A_1702 = tpu.memref_slice %arg6[%dma_start3A_1700, %dma_start3A_1701] : memref<640x64xf32, #tpu.memory_space<vmem>> -> memref<128x64xf32, #tpu.memory_space<vmem>>
        %dma_start3A_1703 = arith.constant 0 : i32
        %dma_start3A_1704 = tpu.memref_slice %arg5[%add3A_1698, %dma_start3A_1703] : memref<200x128xi32, #tpu.memory_space<vmem>> -> memref<1x128xi32, #tpu.memory_space<vmem>>
        %dma_start3A_1705 = tpu.memref_squeeze %dma_start3A_1704 : memref<1x128xi32, #tpu.memory_space<vmem>> -> memref<128xi32, #tpu.memory_space<vmem>>
        %dma_start3A_1706 = arith.constant 0 : i32
        %dma_start3A_1707 = arith.constant 0 : i32
        %dma_start3A_1708 = tpu.memref_slice %arg2[%dma_start3A_1706, %dma_start3A_1707] : memref<2000002x64xf32, #tpu.memory_space<hbm>> -> memref<2000002x64xf32, #tpu.memory_space<hbm>>
        %dma_start3A_1709 = tpu.memref_slice %arg9[%dma_start3A_1699] : memref<5x!tpu.dma_semaphore, #tpu.memory_space<semaphore_mem>> -> memref<1x!tpu.dma_semaphore, #tpu.memory_space<semaphore_mem>>
        %dma_start3A_1710 = tpu.memref_squeeze %dma_start3A_1709 : memref<1x!tpu.dma_semaphore, #tpu.memory_space<semaphore_mem>> -> memref<!tpu.dma_semaphore, #tpu.memory_space<semaphore_mem>>
        tpu.enqueue_indirect_dma source(%dma_start3A_1708 : memref<2000002x64xf32, #tpu.memory_space<hbm>>) target(%dma_start3A_1702 : memref<128x64xf32, #tpu.memory_space<vmem>>) offsets(%dma_start3A_1705 : memref<128xi32, #tpu.memory_space<vmem>>) semaphore(%dma_start3A_1710 : memref<!tpu.dma_semaphore, #tpu.memory_space<semaphore_mem>>)
      } else {
      }
      %add3A_1370 = arith.constant 3 : i32
      %add3A_1371 = arith.addi %add3A_198, %add3A_1370 : i32
      %dma_start3A_1372 = arith.constant 3 : i32
      %dma_start3A_1373 = arith.constant 24 : i32
      %dma_start3A_1374 = arith.constant 0 : i32
      %dma_start3A_1375 = arith.constant 0 : i32
      %dma_start3A_1376 = tpu.memref_slice %arg7[%dma_start3A_1373, %dma_start3A_1374, %dma_start3A_1375] : memref<40x8x129xf32, #tpu.memory_space<vmem>> -> memref<8x8x128xf32, #tpu.memory_space<vmem>>
      %dma_start3A_1377 = arith.constant 0 : i32
      %dma_start3A_1378 = arith.constant 0 : i32
      %dma_start3A_1379 = arith.constant 0 : i32
      %dma_start3A_1380 = tpu.memref_slice %arg4[%add3A_1371, %dma_start3A_1377, %add3A, %dma_start3A_1378, %dma_start3A_1379] : memref<200x8x32x8x128xf32, #tpu.memory_space<hbm>> -> memref<1x8x1x8x128xf32, #tpu.memory_space<hbm>>
      %dma_start3A_1381 = tpu.memref_squeeze %dma_start3A_1380 : memref<1x8x1x8x128xf32, #tpu.memory_space<hbm>> -> memref<8x8x128xf32, #tpu.memory_space<hbm>>
      %dma_start3A_1382 = tpu.memref_slice %arg10[%dma_start3A_1372] : memref<5x!tpu.dma_semaphore, #tpu.memory_space<semaphore_mem>> -> memref<1x!tpu.dma_semaphore, #tpu.memory_space<semaphore_mem>>
      %dma_start3A_1383 = tpu.memref_squeeze %dma_start3A_1382 : memref<1x!tpu.dma_semaphore, #tpu.memory_space<semaphore_mem>> -> memref<!tpu.dma_semaphore, #tpu.memory_space<semaphore_mem>>
      %dma_start3A_1384 = arith.constant 0 : i32
      %dma_start3A_1385 = arith.constant 0 : i32
      %dma_start3A_1386 = arith.constant 0 : i32
      %dma_start3A_1387 = tpu.memref_slice %arg4[%add3A_1371, %dma_start3A_1384, %add3A, %dma_start3A_1385, %dma_start3A_1386] : memref<200x8x32x8x128xf32, #tpu.memory_space<hbm>> -> memref<1x8x1x8x128xf32, #tpu.memory_space<hbm>>
      %dma_start3A_1388 = tpu.memref_squeeze %dma_start3A_1387 : memref<1x8x1x8x128xf32, #tpu.memory_space<hbm>> -> memref<8x8x128xf32, #tpu.memory_space<hbm>>
      %dma_start3A_1389 = arith.constant 24 : i32
      %dma_start3A_1390 = arith.constant 0 : i32
      %dma_start3A_1391 = arith.constant 0 : i32
      %dma_start3A_1392 = tpu.memref_slice %arg7[%dma_start3A_1389, %dma_start3A_1390, %dma_start3A_1391] : memref<40x8x129xf32, #tpu.memory_space<vmem>> -> memref<8x8x128xf32, #tpu.memory_space<vmem>>
      tpu.enqueue_dma source(%dma_start3A_1392 : memref<8x8x128xf32, #tpu.memory_space<vmem>>) target(%dma_start3A_1388 : memref<8x8x128xf32, #tpu.memory_space<hbm>>) target_semaphore(%dma_start3A_1383 : memref<!tpu.dma_semaphore, #tpu.memory_space<semaphore_mem>>)
      %add3A_1393 = arith.constant 4 : i32
      %add3A_1394 = arith.addi %add3A_198, %add3A_1393 : i32
      %dma_wait3A_1395 = arith.constant 4 : i32
      %dma_wait3A_1396 = arith.constant 512 : i32
      %dma_wait3A_1397 = arith.constant 0 : i32
      %dma_wait3A_1398 = tpu.memref_slice %arg6[%dma_wait3A_1396, %dma_wait3A_1397] : memref<640x64xf32, #tpu.memory_space<vmem>> -> memref<128x64xf32, #tpu.memory_space<vmem>>
      %dma_wait3A_1399 = arith.constant 0 : i32
      %dma_wait3A_1400 = tpu.memref_slice %arg5[%add3A_1394, %dma_wait3A_1399] : memref<200x128xi32, #tpu.memory_space<vmem>> -> memref<1x128xi32, #tpu.memory_space<vmem>>
      %dma_wait3A_1401 = tpu.memref_squeeze %dma_wait3A_1400 : memref<1x128xi32, #tpu.memory_space<vmem>> -> memref<128xi32, #tpu.memory_space<vmem>>
      %dma_wait3A_1402 = arith.constant 0 : i32
      %dma_wait3A_1403 = arith.constant 0 : i32
      %dma_wait3A_1404 = tpu.memref_slice %arg2[%dma_wait3A_1402, %dma_wait3A_1403] : memref<2000002x64xf32, #tpu.memory_space<hbm>> -> memref<2000002x64xf32, #tpu.memory_space<hbm>>
      %dma_wait3A_1405 = tpu.memref_slice %arg9[%dma_wait3A_1395] : memref<5x!tpu.dma_semaphore, #tpu.memory_space<semaphore_mem>> -> memref<1x!tpu.dma_semaphore, #tpu.memory_space<semaphore_mem>>
      %dma_wait3A_1406 = tpu.memref_squeeze %dma_wait3A_1405 : memref<1x!tpu.dma_semaphore, #tpu.memory_space<semaphore_mem>> -> memref<!tpu.dma_semaphore, #tpu.memory_space<semaphore_mem>>
      tpu.wait_indirect_dma semaphore(%dma_wait3A_1406 : memref<!tpu.dma_semaphore, #tpu.memory_space<semaphore_mem>>) src(%dma_wait3A_1404 : memref<2000002x64xf32, #tpu.memory_space<hbm>>) dst(%dma_wait3A_1398 : memref<128x64xf32, #tpu.memory_space<vmem>>)
      %gt3A_1407 = arith.constant 0 : i32
      %gt3A_1408 = arith.cmpi sgt, %add3A_198, %gt3A_1407 : i32
      %convert_element_type3A_1409 = arith.extui %gt3A_1408 : i1 to i32
      %cond3A_1410 = arith.constant 0 : i32
      %cond3A_1411 = arith.cmpi ne, %convert_element_type3A_1409, %cond3A_1410 : i32
      scf.if %cond3A_1411 {
        %dma_wait3A_1695 = arith.constant 0 : i32
        %dma_wait3A_1696 = arith.constant 4 : i32
        %dma_wait3A_1697 = arith.constant 32 : i32
        %dma_wait3A_1698 = arith.constant 0 : i32
        %dma_wait3A_1699 = arith.constant 0 : i32
        %dma_wait3A_1700 = tpu.memref_slice %arg7[%dma_wait3A_1697, %dma_wait3A_1698, %dma_wait3A_1699] : memref<40x8x129xf32, #tpu.memory_space<vmem>> -> memref<8x8x128xf32, #tpu.memory_space<vmem>>
        %dma_wait3A_1701 = arith.constant 0 : i32
        %dma_wait3A_1702 = arith.constant 0 : i32
        %dma_wait3A_1703 = arith.constant 0 : i32
        %dma_wait3A_1704 = tpu.memref_slice %arg4[%dma_wait3A_1695, %dma_wait3A_1701, %add3A, %dma_wait3A_1702, %dma_wait3A_1703] : memref<200x8x32x8x128xf32, #tpu.memory_space<hbm>> -> memref<1x8x1x8x128xf32, #tpu.memory_space<hbm>>
        %dma_wait3A_1705 = tpu.memref_squeeze %dma_wait3A_1704 : memref<1x8x1x8x128xf32, #tpu.memory_space<hbm>> -> memref<8x8x128xf32, #tpu.memory_space<hbm>>
        %dma_wait3A_1706 = tpu.memref_slice %arg10[%dma_wait3A_1696] : memref<5x!tpu.dma_semaphore, #tpu.memory_space<semaphore_mem>> -> memref<1x!tpu.dma_semaphore, #tpu.memory_space<semaphore_mem>>
        %dma_wait3A_1707 = tpu.memref_squeeze %dma_wait3A_1706 : memref<1x!tpu.dma_semaphore, #tpu.memory_space<semaphore_mem>> -> memref<!tpu.dma_semaphore, #tpu.memory_space<semaphore_mem>>
        %dma_wait3A_1708 = arith.constant 0 : i32
        %dma_wait3A_1709 = arith.constant 0 : i32
        %dma_wait3A_1710 = arith.constant 0 : i32
        %dma_wait3A_1711 = tpu.memref_slice %arg4[%dma_wait3A_1695, %dma_wait3A_1708, %add3A, %dma_wait3A_1709, %dma_wait3A_1710] : memref<200x8x32x8x128xf32, #tpu.memory_space<hbm>> -> memref<1x8x1x8x128xf32, #tpu.memory_space<hbm>>
        %dma_wait3A_1712 = tpu.memref_squeeze %dma_wait3A_1711 : memref<1x8x1x8x128xf32, #tpu.memory_space<hbm>> -> memref<8x8x128xf32, #tpu.memory_space<hbm>>
        %dma_wait3A_1713 = arith.constant 32 : i32
        %dma_wait3A_1714 = arith.constant 0 : i32
        %dma_wait3A_1715 = arith.constant 0 : i32
        %dma_wait3A_1716 = tpu.memref_slice %arg7[%dma_wait3A_1713, %dma_wait3A_1714, %dma_wait3A_1715] : memref<40x8x129xf32, #tpu.memory_space<vmem>> -> memref<8x8x128xf32, #tpu.memory_space<vmem>>
        tpu.wait_dma2 semaphore(%dma_wait3A_1707 : memref<!tpu.dma_semaphore, #tpu.memory_space<semaphore_mem>>) src(%dma_wait3A_1716 : memref<8x8x128xf32, #tpu.memory_space<vmem>>) dst(%dma_wait3A_1712 : memref<8x8x128xf32, #tpu.memory_space<hbm>>)
      } else {
      }
      %add3A_1412 = arith.constant 0 : i32
      %add3A_1413 = vector.broadcast %add3A_1412 : i32 to vector<16xi32>
      %add3A_1414 = arith.addi %iota3A, %add3A_1413 : vector<16xi32>
      %jit3A_1415 = arith.constant 8 : i32
      %div3A_1416 = vector.broadcast %jit3A_1415 : i32 to vector<16xi32>
      %div3A_1417 = arith.divsi %add3A_1414, %div3A_1416 : vector<16xi32>
      %sign3A_1418 = arith.constant 0 : i32
      %sign3A_1419 = vector.broadcast %sign3A_1418 : i32 to vector<16xi32>
      %sign3A_1420 = arith.cmpi sgt, %add3A_1414, %sign3A_1419 : vector<16xi32>
      %sign3A_1421 = arith.extui %sign3A_1420 : vector<16xi1> to vector<16xi32>
      %sign3A_1422 = arith.constant 0 : i32
      %sign3A_1423 = vector.broadcast %sign3A_1422 : i32 to vector<16xi32>
      %sign3A_1424 = arith.cmpi slt, %add3A_1414, %sign3A_1423 : vector<16xi32>
      %sign3A_1425 = arith.extui %sign3A_1424 : vector<16xi1> to vector<16xi32>
      %sign3A_1426 = arith.subi %sign3A_1421, %sign3A_1425 : vector<16xi32>
      %sign3A_1427 = arith.constant 0 : i32
      %sign3A_1428 = arith.cmpi sgt, %jit3A_1415, %sign3A_1427 : i32
      %sign3A_1429 = arith.extui %sign3A_1428 : i1 to i32
      %sign3A_1430 = arith.constant 0 : i32
      %sign3A_1431 = arith.cmpi slt, %jit3A_1415, %sign3A_1430 : i32
      %sign3A_1432 = arith.extui %sign3A_1431 : i1 to i32
      %sign3A_1433 = arith.subi %sign3A_1429, %sign3A_1432 : i32
      %ne3A_1434 = vector.broadcast %sign3A_1433 : i32 to vector<16xi32>
      %ne3A_1435 = arith.cmpi ne, %sign3A_1426, %ne3A_1434 : vector<16xi32>
      %rem3A_1436 = vector.broadcast %jit3A_1415 : i32 to vector<16xi32>
      %rem3A_1437 = arith.remsi %add3A_1414, %rem3A_1436 : vector<16xi32>
      %ne3A_1438 = arith.constant 0 : i32
      %ne3A_1439 = vector.broadcast %ne3A_1438 : i32 to vector<16xi32>
      %ne3A_1440 = arith.cmpi ne, %rem3A_1437, %ne3A_1439 : vector<16xi32>
      %and3A_1441 = arith.andi %ne3A_1435, %ne3A_1440 : vector<16xi1>
      %sub3A_1442 = arith.constant 1 : i32
      %sub3A_1443 = vector.broadcast %sub3A_1442 : i32 to vector<16xi32>
      %sub3A_1444 = arith.subi %div3A_1417, %sub3A_1443 : vector<16xi32>
      %select_n3A_1445 = arith.select %and3A_1441, %sub3A_1444, %div3A_1417 : vector<16xi1>, vector<16xi32>
      %add3A_1446 = arith.constant 32 : i32
      %add3A_1447 = vector.broadcast %add3A_1446 : i32 to vector<16xi32>
      %add3A_1448 = arith.addi %select_n3A_1445, %add3A_1447 : vector<16xi32>
      %add3A_1449 = arith.constant 16 : i32
      %add3A_1450 = vector.broadcast %add3A_1449 : i32 to vector<16xi32>
      %add3A_1451 = arith.addi %iota3A, %add3A_1450 : vector<16xi32>
      %jit3A_1452 = arith.constant 8 : i32
      %div3A_1453 = vector.broadcast %jit3A_1452 : i32 to vector<16xi32>
      %div3A_1454 = arith.divsi %add3A_1451, %div3A_1453 : vector<16xi32>
      %sign3A_1455 = arith.constant 0 : i32
      %sign3A_1456 = vector.broadcast %sign3A_1455 : i32 to vector<16xi32>
      %sign3A_1457 = arith.cmpi sgt, %add3A_1451, %sign3A_1456 : vector<16xi32>
      %sign3A_1458 = arith.extui %sign3A_1457 : vector<16xi1> to vector<16xi32>
      %sign3A_1459 = arith.constant 0 : i32
      %sign3A_1460 = vector.broadcast %sign3A_1459 : i32 to vector<16xi32>
      %sign3A_1461 = arith.cmpi slt, %add3A_1451, %sign3A_1460 : vector<16xi32>
      %sign3A_1462 = arith.extui %sign3A_1461 : vector<16xi1> to vector<16xi32>
      %sign3A_1463 = arith.subi %sign3A_1458, %sign3A_1462 : vector<16xi32>
      %sign3A_1464 = arith.constant 0 : i32
      %sign3A_1465 = arith.cmpi sgt, %jit3A_1452, %sign3A_1464 : i32
      %sign3A_1466 = arith.extui %sign3A_1465 : i1 to i32
      %sign3A_1467 = arith.constant 0 : i32
      %sign3A_1468 = arith.cmpi slt, %jit3A_1452, %sign3A_1467 : i32
      %sign3A_1469 = arith.extui %sign3A_1468 : i1 to i32
      %sign3A_1470 = arith.subi %sign3A_1466, %sign3A_1469 : i32
      %ne3A_1471 = vector.broadcast %sign3A_1470 : i32 to vector<16xi32>
      %ne3A_1472 = arith.cmpi ne, %sign3A_1463, %ne3A_1471 : vector<16xi32>
      %rem3A_1473 = vector.broadcast %jit3A_1452 : i32 to vector<16xi32>
      %rem3A_1474 = arith.remsi %add3A_1451, %rem3A_1473 : vector<16xi32>
      %ne3A_1475 = arith.constant 0 : i32
      %ne3A_1476 = vector.broadcast %ne3A_1475 : i32 to vector<16xi32>
      %ne3A_1477 = arith.cmpi ne, %rem3A_1474, %ne3A_1476 : vector<16xi32>
      %and3A_1478 = arith.andi %ne3A_1472, %ne3A_1477 : vector<16xi1>
      %sub3A_1479 = arith.constant 1 : i32
      %sub3A_1480 = vector.broadcast %sub3A_1479 : i32 to vector<16xi32>
      %sub3A_1481 = arith.subi %div3A_1454, %sub3A_1480 : vector<16xi32>
      %select_n3A_1482 = arith.select %and3A_1478, %sub3A_1481, %div3A_1454 : vector<16xi1>, vector<16xi32>
      %add3A_1483 = arith.constant 32 : i32
      %add3A_1484 = vector.broadcast %add3A_1483 : i32 to vector<16xi32>
      %add3A_1485 = arith.addi %select_n3A_1482, %add3A_1484 : vector<16xi32>
      %add3A_1486 = arith.constant 32 : i32
      %add3A_1487 = vector.broadcast %add3A_1486 : i32 to vector<16xi32>
      %add3A_1488 = arith.addi %iota3A, %add3A_1487 : vector<16xi32>
      %jit3A_1489 = arith.constant 8 : i32
      %div3A_1490 = vector.broadcast %jit3A_1489 : i32 to vector<16xi32>
      %div3A_1491 = arith.divsi %add3A_1488, %div3A_1490 : vector<16xi32>
      %sign3A_1492 = arith.constant 0 : i32
      %sign3A_1493 = vector.broadcast %sign3A_1492 : i32 to vector<16xi32>
      %sign3A_1494 = arith.cmpi sgt, %add3A_1488, %sign3A_1493 : vector<16xi32>
      %sign3A_1495 = arith.extui %sign3A_1494 : vector<16xi1> to vector<16xi32>
      %sign3A_1496 = arith.constant 0 : i32
      %sign3A_1497 = vector.broadcast %sign3A_1496 : i32 to vector<16xi32>
      %sign3A_1498 = arith.cmpi slt, %add3A_1488, %sign3A_1497 : vector<16xi32>
      %sign3A_1499 = arith.extui %sign3A_1498 : vector<16xi1> to vector<16xi32>
      %sign3A_1500 = arith.subi %sign3A_1495, %sign3A_1499 : vector<16xi32>
      %sign3A_1501 = arith.constant 0 : i32
      %sign3A_1502 = arith.cmpi sgt, %jit3A_1489, %sign3A_1501 : i32
      %sign3A_1503 = arith.extui %sign3A_1502 : i1 to i32
      %sign3A_1504 = arith.constant 0 : i32
      %sign3A_1505 = arith.cmpi slt, %jit3A_1489, %sign3A_1504 : i32
      %sign3A_1506 = arith.extui %sign3A_1505 : i1 to i32
      %sign3A_1507 = arith.subi %sign3A_1503, %sign3A_1506 : i32
      %ne3A_1508 = vector.broadcast %sign3A_1507 : i32 to vector<16xi32>
      %ne3A_1509 = arith.cmpi ne, %sign3A_1500, %ne3A_1508 : vector<16xi32>
      %rem3A_1510 = vector.broadcast %jit3A_1489 : i32 to vector<16xi32>
      %rem3A_1511 = arith.remsi %add3A_1488, %rem3A_1510 : vector<16xi32>
      %ne3A_1512 = arith.constant 0 : i32
      %ne3A_1513 = vector.broadcast %ne3A_1512 : i32 to vector<16xi32>
      %ne3A_1514 = arith.cmpi ne, %rem3A_1511, %ne3A_1513 : vector<16xi32>
      %and3A_1515 = arith.andi %ne3A_1509, %ne3A_1514 : vector<16xi1>
      %sub3A_1516 = arith.constant 1 : i32
      %sub3A_1517 = vector.broadcast %sub3A_1516 : i32 to vector<16xi32>
      %sub3A_1518 = arith.subi %div3A_1491, %sub3A_1517 : vector<16xi32>
      %select_n3A_1519 = arith.select %and3A_1515, %sub3A_1518, %div3A_1491 : vector<16xi1>, vector<16xi32>
      %add3A_1520 = arith.constant 32 : i32
      %add3A_1521 = vector.broadcast %add3A_1520 : i32 to vector<16xi32>
      %add3A_1522 = arith.addi %select_n3A_1519, %add3A_1521 : vector<16xi32>
      %add3A_1523 = arith.constant 48 : i32
      %add3A_1524 = vector.broadcast %add3A_1523 : i32 to vector<16xi32>
      %add3A_1525 = arith.addi %iota3A, %add3A_1524 : vector<16xi32>
      %jit3A_1526 = arith.constant 8 : i32
      %div3A_1527 = vector.broadcast %jit3A_1526 : i32 to vector<16xi32>
      %div3A_1528 = arith.divsi %add3A_1525, %div3A_1527 : vector<16xi32>
      %sign3A_1529 = arith.constant 0 : i32
      %sign3A_1530 = vector.broadcast %sign3A_1529 : i32 to vector<16xi32>
      %sign3A_1531 = arith.cmpi sgt, %add3A_1525, %sign3A_1530 : vector<16xi32>
      %sign3A_1532 = arith.extui %sign3A_1531 : vector<16xi1> to vector<16xi32>
      %sign3A_1533 = arith.constant 0 : i32
      %sign3A_1534 = vector.broadcast %sign3A_1533 : i32 to vector<16xi32>
      %sign3A_1535 = arith.cmpi slt, %add3A_1525, %sign3A_1534 : vector<16xi32>
      %sign3A_1536 = arith.extui %sign3A_1535 : vector<16xi1> to vector<16xi32>
      %sign3A_1537 = arith.subi %sign3A_1532, %sign3A_1536 : vector<16xi32>
      %sign3A_1538 = arith.constant 0 : i32
      %sign3A_1539 = arith.cmpi sgt, %jit3A_1526, %sign3A_1538 : i32
      %sign3A_1540 = arith.extui %sign3A_1539 : i1 to i32
      %sign3A_1541 = arith.constant 0 : i32
      %sign3A_1542 = arith.cmpi slt, %jit3A_1526, %sign3A_1541 : i32
      %sign3A_1543 = arith.extui %sign3A_1542 : i1 to i32
      %sign3A_1544 = arith.subi %sign3A_1540, %sign3A_1543 : i32
      %ne3A_1545 = vector.broadcast %sign3A_1544 : i32 to vector<16xi32>
      %ne3A_1546 = arith.cmpi ne, %sign3A_1537, %ne3A_1545 : vector<16xi32>
      %rem3A_1547 = vector.broadcast %jit3A_1526 : i32 to vector<16xi32>
      %rem3A_1548 = arith.remsi %add3A_1525, %rem3A_1547 : vector<16xi32>
      %ne3A_1549 = arith.constant 0 : i32
      %ne3A_1550 = vector.broadcast %ne3A_1549 : i32 to vector<16xi32>
      %ne3A_1551 = arith.cmpi ne, %rem3A_1548, %ne3A_1550 : vector<16xi32>
      %and3A_1552 = arith.andi %ne3A_1546, %ne3A_1551 : vector<16xi1>
      %sub3A_1553 = arith.constant 1 : i32
      %sub3A_1554 = vector.broadcast %sub3A_1553 : i32 to vector<16xi32>
      %sub3A_1555 = arith.subi %div3A_1528, %sub3A_1554 : vector<16xi32>
      %select_n3A_1556 = arith.select %and3A_1552, %sub3A_1555, %div3A_1528 : vector<16xi1>, vector<16xi32>
      %add3A_1557 = arith.constant 32 : i32
      %add3A_1558 = vector.broadcast %add3A_1557 : i32 to vector<16xi32>
      %add3A_1559 = arith.addi %select_n3A_1556, %add3A_1558 : vector<16xi32>
      %add3A_1560 = arith.constant 0 : i32
      %add3A_1561 = vector.broadcast %add3A_1560 : i32 to vector<16xi32>
      %add3A_1562 = arith.addi %iota3A, %add3A_1561 : vector<16xi32>
      %jit3A_1563 = arith.constant 8 : i32
      %eq3A_1564 = arith.constant 0 : i32
      %eq3A_1565 = arith.cmpi eq, %jit3A_1563, %eq3A_1564 : i32
      %jit3A_1566 = arith.constant 1 : i32
      %select_n3A_1567 = arith.select %eq3A_1565, %jit3A_1566, %jit3A_1563 : i32
      %rem3A_1568 = vector.broadcast %select_n3A_1567 : i32 to vector<16xi32>
      %rem3A_1569 = arith.remsi %add3A_1562, %rem3A_1568 : vector<16xi32>
      %ne3A_1570 = arith.constant 0 : i32
      %ne3A_1571 = vector.broadcast %ne3A_1570 : i32 to vector<16xi32>
      %ne3A_1572 = arith.cmpi ne, %rem3A_1569, %ne3A_1571 : vector<16xi32>
      %lt3A_1573 = arith.constant 0 : i32
      %lt3A_1574 = vector.broadcast %lt3A_1573 : i32 to vector<16xi32>
      %lt3A_1575 = arith.cmpi slt, %rem3A_1569, %lt3A_1574 : vector<16xi32>
      %lt3A_1576 = arith.constant 0 : i32
      %lt3A_1577 = arith.cmpi slt, %select_n3A_1567, %lt3A_1576 : i32
      %ne3A_1578 = vector.broadcast %lt3A_1577 : i1 to vector<16xi1>
      %ne3A_1579 = vector.broadcast %ne3A_1578 : vector<16xi1> to vector<16xi1>
      %ne3A_1580 = arith.xori %lt3A_1575, %ne3A_1579 : vector<16xi1>
      %and3A_1581 = arith.andi %ne3A_1580, %ne3A_1572 : vector<16xi1>
      %add3A_1582 = vector.broadcast %select_n3A_1567 : i32 to vector<16xi32>
      %add3A_1583 = arith.addi %rem3A_1569, %add3A_1582 : vector<16xi32>
      %select_n3A_1584 = arith.select %and3A_1581, %add3A_1583, %rem3A_1569 : vector<16xi1>, vector<16xi32>
      %add3A_1585 = arith.constant 16 : i32
      %add3A_1586 = vector.broadcast %add3A_1585 : i32 to vector<16xi32>
      %add3A_1587 = arith.addi %iota3A, %add3A_1586 : vector<16xi32>
      %jit3A_1588 = arith.constant 8 : i32
      %eq3A_1589 = arith.constant 0 : i32
      %eq3A_1590 = arith.cmpi eq, %jit3A_1588, %eq3A_1589 : i32
      %jit3A_1591 = arith.constant 1 : i32
      %select_n3A_1592 = arith.select %eq3A_1590, %jit3A_1591, %jit3A_1588 : i32
      %rem3A_1593 = vector.broadcast %select_n3A_1592 : i32 to vector<16xi32>
      %rem3A_1594 = arith.remsi %add3A_1587, %rem3A_1593 : vector<16xi32>
      %ne3A_1595 = arith.constant 0 : i32
      %ne3A_1596 = vector.broadcast %ne3A_1595 : i32 to vector<16xi32>
      %ne3A_1597 = arith.cmpi ne, %rem3A_1594, %ne3A_1596 : vector<16xi32>
      %lt3A_1598 = arith.constant 0 : i32
      %lt3A_1599 = vector.broadcast %lt3A_1598 : i32 to vector<16xi32>
      %lt3A_1600 = arith.cmpi slt, %rem3A_1594, %lt3A_1599 : vector<16xi32>
      %lt3A_1601 = arith.constant 0 : i32
      %lt3A_1602 = arith.cmpi slt, %select_n3A_1592, %lt3A_1601 : i32
      %ne3A_1603 = vector.broadcast %lt3A_1602 : i1 to vector<16xi1>
      %ne3A_1604 = vector.broadcast %ne3A_1603 : vector<16xi1> to vector<16xi1>
      %ne3A_1605 = arith.xori %lt3A_1600, %ne3A_1604 : vector<16xi1>
      %and3A_1606 = arith.andi %ne3A_1605, %ne3A_1597 : vector<16xi1>
      %add3A_1607 = vector.broadcast %select_n3A_1592 : i32 to vector<16xi32>
      %add3A_1608 = arith.addi %rem3A_1594, %add3A_1607 : vector<16xi32>
      %select_n3A_1609 = arith.select %and3A_1606, %add3A_1608, %rem3A_1594 : vector<16xi1>, vector<16xi32>
      %add3A_1610 = arith.constant 32 : i32
      %add3A_1611 = vector.broadcast %add3A_1610 : i32 to vector<16xi32>
      %add3A_1612 = arith.addi %iota3A, %add3A_1611 : vector<16xi32>
      %jit3A_1613 = arith.constant 8 : i32
      %eq3A_1614 = arith.constant 0 : i32
      %eq3A_1615 = arith.cmpi eq, %jit3A_1613, %eq3A_1614 : i32
      %jit3A_1616 = arith.constant 1 : i32
      %select_n3A_1617 = arith.select %eq3A_1615, %jit3A_1616, %jit3A_1613 : i32
      %rem3A_1618 = vector.broadcast %select_n3A_1617 : i32 to vector<16xi32>
      %rem3A_1619 = arith.remsi %add3A_1612, %rem3A_1618 : vector<16xi32>
      %ne3A_1620 = arith.constant 0 : i32
      %ne3A_1621 = vector.broadcast %ne3A_1620 : i32 to vector<16xi32>
      %ne3A_1622 = arith.cmpi ne, %rem3A_1619, %ne3A_1621 : vector<16xi32>
      %lt3A_1623 = arith.constant 0 : i32
      %lt3A_1624 = vector.broadcast %lt3A_1623 : i32 to vector<16xi32>
      %lt3A_1625 = arith.cmpi slt, %rem3A_1619, %lt3A_1624 : vector<16xi32>
      %lt3A_1626 = arith.constant 0 : i32
      %lt3A_1627 = arith.cmpi slt, %select_n3A_1617, %lt3A_1626 : i32
      %ne3A_1628 = vector.broadcast %lt3A_1627 : i1 to vector<16xi1>
      %ne3A_1629 = vector.broadcast %ne3A_1628 : vector<16xi1> to vector<16xi1>
      %ne3A_1630 = arith.xori %lt3A_1625, %ne3A_1629 : vector<16xi1>
      %and3A_1631 = arith.andi %ne3A_1630, %ne3A_1622 : vector<16xi1>
      %add3A_1632 = vector.broadcast %select_n3A_1617 : i32 to vector<16xi32>
      %add3A_1633 = arith.addi %rem3A_1619, %add3A_1632 : vector<16xi32>
      %select_n3A_1634 = arith.select %and3A_1631, %add3A_1633, %rem3A_1619 : vector<16xi1>, vector<16xi32>
      %add3A_1635 = arith.constant 48 : i32
      %add3A_1636 = vector.broadcast %add3A_1635 : i32 to vector<16xi32>
      %add3A_1637 = arith.addi %iota3A, %add3A_1636 : vector<16xi32>
      %jit3A_1638 = arith.constant 8 : i32
      %eq3A_1639 = arith.constant 0 : i32
      %eq3A_1640 = arith.cmpi eq, %jit3A_1638, %eq3A_1639 : i32
      %jit3A_1641 = arith.constant 1 : i32
      %select_n3A_1642 = arith.select %eq3A_1640, %jit3A_1641, %jit3A_1638 : i32
      %rem3A_1643 = vector.broadcast %select_n3A_1642 : i32 to vector<16xi32>
      %rem3A_1644 = arith.remsi %add3A_1637, %rem3A_1643 : vector<16xi32>
      %ne3A_1645 = arith.constant 0 : i32
      %ne3A_1646 = vector.broadcast %ne3A_1645 : i32 to vector<16xi32>
      %ne3A_1647 = arith.cmpi ne, %rem3A_1644, %ne3A_1646 : vector<16xi32>
      %lt3A_1648 = arith.constant 0 : i32
      %lt3A_1649 = vector.broadcast %lt3A_1648 : i32 to vector<16xi32>
      %lt3A_1650 = arith.cmpi slt, %rem3A_1644, %lt3A_1649 : vector<16xi32>
      %lt3A_1651 = arith.constant 0 : i32
      %lt3A_1652 = arith.cmpi slt, %select_n3A_1642, %lt3A_1651 : i32
      %ne3A_1653 = vector.broadcast %lt3A_1652 : i1 to vector<16xi1>
      %ne3A_1654 = vector.broadcast %ne3A_1653 : vector<16xi1> to vector<16xi1>
      %ne3A_1655 = arith.xori %lt3A_1650, %ne3A_1654 : vector<16xi1>
      %and3A_1656 = arith.andi %ne3A_1655, %ne3A_1647 : vector<16xi1>
      %add3A_1657 = vector.broadcast %select_n3A_1642 : i32 to vector<16xi32>
      %add3A_1658 = arith.addi %rem3A_1644, %add3A_1657 : vector<16xi32>
      %select_n3A_1659 = arith.select %and3A_1656, %add3A_1658, %rem3A_1644 : vector<16xi1>, vector<16xi32>
      %parallel_loop3A_1660 = arith.constant 0 : i32
      %parallel_loop3A_1661 = arith.constant 128 : i32
      %parallel_loop3A_1662 = arith.constant 1 : i32
      scf.for %parallel_loop3A_1695 = %parallel_loop3A_1660 to %parallel_loop3A_1661 step %parallel_loop3A_1662  : i32 {
        %parallel_loop3A_1696 = vector.broadcast %parallel_loop3A_1695 : i32 to vector<16xi32>
        %parallel_loop3A_1697 = arith.constant 512 : i32
        %parallel_loop3A_1698 = arith.addi %parallel_loop3A_1697, %parallel_loop3A_1695 : i32
        %parallel_loop3A_1699 = arith.index_cast %parallel_loop3A_1698 : i32 to index
        %parallel_loop3A_1700 = arith.constant 0 : index
        %parallel_loop3A_1701 = tpu.vector_load %arg6[%parallel_loop3A_1699, %parallel_loop3A_1700] {strides = array<i32>} : memref<640x64xf32, #tpu.memory_space<vmem>>, vector<16xf32>,
        tpu.vector_store_idx %arg7[%add3A_1448, %select_n3A_1584, %parallel_loop3A_1696], %parallel_loop3A_1701 : memref<40x8x129xf32, #tpu.memory_space<vmem>>[vector<16xi32>, vector<16xi32>, vector<16xi32>], vector<16xf32>,
        %parallel_loop3A_1702 = arith.constant 512 : i32
        %parallel_loop3A_1703 = arith.addi %parallel_loop3A_1702, %parallel_loop3A_1695 : i32
        %parallel_loop3A_1704 = arith.index_cast %parallel_loop3A_1703 : i32 to index
        %parallel_loop3A_1705 = arith.constant 16 : index
        %parallel_loop3A_1706 = tpu.vector_load %arg6[%parallel_loop3A_1704, %parallel_loop3A_1705] {strides = array<i32>} : memref<640x64xf32, #tpu.memory_space<vmem>>, vector<16xf32>,
        tpu.vector_store_idx %arg7[%add3A_1485, %select_n3A_1609, %parallel_loop3A_1696], %parallel_loop3A_1706 : memref<40x8x129xf32, #tpu.memory_space<vmem>>[vector<16xi32>, vector<16xi32>, vector<16xi32>], vector<16xf32>,
        %parallel_loop3A_1707 = arith.constant 512 : i32
        %parallel_loop3A_1708 = arith.addi %parallel_loop3A_1707, %parallel_loop3A_1695 : i32
        %parallel_loop3A_1709 = arith.index_cast %parallel_loop3A_1708 : i32 to index
        %parallel_loop3A_1710 = arith.constant 32 : index
        %parallel_loop3A_1711 = tpu.vector_load %arg6[%parallel_loop3A_1709, %parallel_loop3A_1710] {strides = array<i32>} : memref<640x64xf32, #tpu.memory_space<vmem>>, vector<16xf32>,
        tpu.vector_store_idx %arg7[%add3A_1522, %select_n3A_1634, %parallel_loop3A_1696], %parallel_loop3A_1711 : memref<40x8x129xf32, #tpu.memory_space<vmem>>[vector<16xi32>, vector<16xi32>, vector<16xi32>], vector<16xf32>,
        %parallel_loop3A_1712 = arith.constant 512 : i32
        %parallel_loop3A_1713 = arith.addi %parallel_loop3A_1712, %parallel_loop3A_1695 : i32
        %parallel_loop3A_1714 = arith.index_cast %parallel_loop3A_1713 : i32 to index
        %parallel_loop3A_1715 = arith.constant 48 : index
        %parallel_loop3A_1716 = tpu.vector_load %arg6[%parallel_loop3A_1714, %parallel_loop3A_1715] {strides = array<i32>} : memref<640x64xf32, #tpu.memory_space<vmem>>, vector<16xf32>,
        tpu.vector_store_idx %arg7[%add3A_1559, %select_n3A_1659, %parallel_loop3A_1696], %parallel_loop3A_1716 : memref<40x8x129xf32, #tpu.memory_space<vmem>>[vector<16xi32>, vector<16xi32>, vector<16xi32>], vector<16xf32>,
      } {sc.loop_unroll_factor = 8 : i64, sc.parallel_access}
      %add3A_1663 = arith.constant 5 : i32
      %add3A_1664 = arith.addi %add3A_198, %add3A_1663 : i32
      %add3A_1665 = arith.constant 4 : i32
      %add3A_1666 = arith.addi %add3A_1664, %add3A_1665 : i32
      %lt3A_1667 = arith.constant 200 : i32
      %lt3A_1668 = arith.cmpi slt, %add3A_1666, %lt3A_1667 : i32
      %convert_element_type3A_1669 = arith.extui %lt3A_1668 : i1 to i32
      %cond3A_1670 = arith.constant 0 : i32
      %cond3A_1671 = arith.cmpi ne, %convert_element_type3A_1669, %cond3A_1670 : i32
      scf.if %cond3A_1671 {
        %add3A_1695 = arith.constant 5 : i32
        %add3A_1696 = arith.addi %add3A_198, %add3A_1695 : i32
        %add3A_1697 = arith.constant 4 : i32
        %add3A_1698 = arith.addi %add3A_1696, %add3A_1697 : i32
        %dma_start3A_1699 = arith.constant 4 : i32
        %dma_start3A_1700 = arith.constant 512 : i32
        %dma_start3A_1701 = arith.constant 0 : i32
        %dma_start3A_1702 = tpu.memref_slice %arg6[%dma_start3A_1700, %dma_start3A_1701] : memref<640x64xf32, #tpu.memory_space<vmem>> -> memref<128x64xf32, #tpu.memory_space<vmem>>
        %dma_start3A_1703 = arith.constant 0 : i32
        %dma_start3A_1704 = tpu.memref_slice %arg5[%add3A_1698, %dma_start3A_1703] : memref<200x128xi32, #tpu.memory_space<vmem>> -> memref<1x128xi32, #tpu.memory_space<vmem>>
        %dma_start3A_1705 = tpu.memref_squeeze %dma_start3A_1704 : memref<1x128xi32, #tpu.memory_space<vmem>> -> memref<128xi32, #tpu.memory_space<vmem>>
        %dma_start3A_1706 = arith.constant 0 : i32
        %dma_start3A_1707 = arith.constant 0 : i32
        %dma_start3A_1708 = tpu.memref_slice %arg2[%dma_start3A_1706, %dma_start3A_1707] : memref<2000002x64xf32, #tpu.memory_space<hbm>> -> memref<2000002x64xf32, #tpu.memory_space<hbm>>
        %dma_start3A_1709 = tpu.memref_slice %arg9[%dma_start3A_1699] : memref<5x!tpu.dma_semaphore, #tpu.memory_space<semaphore_mem>> -> memref<1x!tpu.dma_semaphore, #tpu.memory_space<semaphore_mem>>
        %dma_start3A_1710 = tpu.memref_squeeze %dma_start3A_1709 : memref<1x!tpu.dma_semaphore, #tpu.memory_space<semaphore_mem>> -> memref<!tpu.dma_semaphore, #tpu.memory_space<semaphore_mem>>
        tpu.enqueue_indirect_dma source(%dma_start3A_1708 : memref<2000002x64xf32, #tpu.memory_space<hbm>>) target(%dma_start3A_1702 : memref<128x64xf32, #tpu.memory_space<vmem>>) offsets(%dma_start3A_1705 : memref<128xi32, #tpu.memory_space<vmem>>) semaphore(%dma_start3A_1710 : memref<!tpu.dma_semaphore, #tpu.memory_space<semaphore_mem>>)
      } else {
      }
      %add3A_1672 = arith.constant 4 : i32
      %add3A_1673 = arith.addi %add3A_198, %add3A_1672 : i32
      %dma_start3A_1674 = arith.constant 4 : i32
      %dma_start3A_1675 = arith.constant 32 : i32
      %dma_start3A_1676 = arith.constant 0 : i32
      %dma_start3A_1677 = arith.constant 0 : i32
      %dma_start3A_1678 = tpu.memref_slice %arg7[%dma_start3A_1675, %dma_start3A_1676, %dma_start3A_1677] : memref<40x8x129xf32, #tpu.memory_space<vmem>> -> memref<8x8x128xf32, #tpu.memory_space<vmem>>
      %dma_start3A_1679 = arith.constant 0 : i32
      %dma_start3A_1680 = arith.constant 0 : i32
      %dma_start3A_1681 = arith.constant 0 : i32
      %dma_start3A_1682 = tpu.memref_slice %arg4[%add3A_1673, %dma_start3A_1679, %add3A, %dma_start3A_1680, %dma_start3A_1681] : memref<200x8x32x8x128xf32, #tpu.memory_space<hbm>> -> memref<1x8x1x8x128xf32, #tpu.memory_space<hbm>>
      %dma_start3A_1683 = tpu.memref_squeeze %dma_start3A_1682 : memref<1x8x1x8x128xf32, #tpu.memory_space<hbm>> -> memref<8x8x128xf32, #tpu.memory_space<hbm>>
      %dma_start3A_1684 = tpu.memref_slice %arg10[%dma_start3A_1674] : memref<5x!tpu.dma_semaphore, #tpu.memory_space<semaphore_mem>> -> memref<1x!tpu.dma_semaphore, #tpu.memory_space<semaphore_mem>>
      %dma_start3A_1685 = tpu.memref_squeeze %dma_start3A_1684 : memref<1x!tpu.dma_semaphore, #tpu.memory_space<semaphore_mem>> -> memref<!tpu.dma_semaphore, #tpu.memory_space<semaphore_mem>>
      %dma_start3A_1686 = arith.constant 0 : i32
      %dma_start3A_1687 = arith.constant 0 : i32
      %dma_start3A_1688 = arith.constant 0 : i32
      %dma_start3A_1689 = tpu.memref_slice %arg4[%add3A_1673, %dma_start3A_1686, %add3A, %dma_start3A_1687, %dma_start3A_1688] : memref<200x8x32x8x128xf32, #tpu.memory_space<hbm>> -> memref<1x8x1x8x128xf32, #tpu.memory_space<hbm>>
      %dma_start3A_1690 = tpu.memref_squeeze %dma_start3A_1689 : memref<1x8x1x8x128xf32, #tpu.memory_space<hbm>> -> memref<8x8x128xf32, #tpu.memory_space<hbm>>
      %dma_start3A_1691 = arith.constant 32 : i32
      %dma_start3A_1692 = arith.constant 0 : i32
      %dma_start3A_1693 = arith.constant 0 : i32
      %dma_start3A_1694 = tpu.memref_slice %arg7[%dma_start3A_1691, %dma_start3A_1692, %dma_start3A_1693] : memref<40x8x129xf32, #tpu.memory_space<vmem>> -> memref<8x8x128xf32, #tpu.memory_space<vmem>>
      tpu.enqueue_dma source(%dma_start3A_1694 : memref<8x8x128xf32, #tpu.memory_space<vmem>>) target(%dma_start3A_1690 : memref<8x8x128xf32, #tpu.memory_space<hbm>>) target_semaphore(%dma_start3A_1685 : memref<!tpu.dma_semaphore, #tpu.memory_space<semaphore_mem>>)
    }
    %scan3A_83 = arith.constant 40 : i32
    %dma_wait3A_84 = arith.constant 0 : i32
    %dma_wait3A_85 = arith.constant 0 : i32
    %dma_wait3A_86 = arith.constant 0 : i32
    %dma_wait3A_87 = arith.constant 0 : i32
    %dma_wait3A_88 = arith.constant 0 : i32
    %dma_wait3A_89 = tpu.memref_slice %arg7[%dma_wait3A_86, %dma_wait3A_87, %dma_wait3A_88] : memref<40x8x129xf32, #tpu.memory_space<vmem>> -> memref<8x8x128xf32, #tpu.memory_space<vmem>>
    %dma_wait3A_90 = arith.constant 0 : i32
    %dma_wait3A_91 = arith.constant 0 : i32
    %dma_wait3A_92 = arith.constant 0 : i32
    %dma_wait3A_93 = tpu.memref_slice %arg4[%dma_wait3A_84, %dma_wait3A_90, %add3A, %dma_wait3A_91, %dma_wait3A_92] : memref<200x8x32x8x128xf32, #tpu.memory_space<hbm>> -> memref<1x8x1x8x128xf32, #tpu.memory_space<hbm>>
    %dma_wait3A_94 = tpu.memref_squeeze %dma_wait3A_93 : memref<1x8x1x8x128xf32, #tpu.memory_space<hbm>> -> memref<8x8x128xf32, #tpu.memory_space<hbm>>
    %dma_wait3A_95 = tpu.memref_slice %arg10[%dma_wait3A_85] : memref<5x!tpu.dma_semaphore, #tpu.memory_space<semaphore_mem>> -> memref<1x!tpu.dma_semaphore, #tpu.memory_space<semaphore_mem>>
    %dma_wait3A_96 = tpu.memref_squeeze %dma_wait3A_95 : memref<1x!tpu.dma_semaphore, #tpu.memory_space<semaphore_mem>> -> memref<!tpu.dma_semaphore, #tpu.memory_space<semaphore_mem>>
    %dma_wait3A_97 = arith.constant 0 : i32
    %dma_wait3A_98 = arith.constant 0 : i32
    %dma_wait3A_99 = arith.constant 0 : i32
    %dma_wait3A_100 = tpu.memref_slice %arg4[%dma_wait3A_84, %dma_wait3A_97, %add3A, %dma_wait3A_98, %dma_wait3A_99] : memref<200x8x32x8x128xf32, #tpu.memory_space<hbm>> -> memref<1x8x1x8x128xf32, #tpu.memory_space<hbm>>
    %dma_wait3A_101 = tpu.memref_squeeze %dma_wait3A_100 : memref<1x8x1x8x128xf32, #tpu.memory_space<hbm>> -> memref<8x8x128xf32, #tpu.memory_space<hbm>>
    %dma_wait3A_102 = arith.constant 0 : i32
    %dma_wait3A_103 = arith.constant 0 : i32
    %dma_wait3A_104 = arith.constant 0 : i32
    %dma_wait3A_105 = tpu.memref_slice %arg7[%dma_wait3A_102, %dma_wait3A_103, %dma_wait3A_104] : memref<40x8x129xf32, #tpu.memory_space<vmem>> -> memref<8x8x128xf32, #tpu.memory_space<vmem>>
    tpu.wait_dma2 semaphore(%dma_wait3A_96 : memref<!tpu.dma_semaphore, #tpu.memory_space<semaphore_mem>>) src(%dma_wait3A_105 : memref<8x8x128xf32, #tpu.memory_space<vmem>>) dst(%dma_wait3A_101 : memref<8x8x128xf32, #tpu.memory_space<hbm>>)
    %dma_wait3A_106 = arith.constant 0 : i32
    %dma_wait3A_107 = arith.constant 1 : i32
    %dma_wait3A_108 = arith.constant 8 : i32
    %dma_wait3A_109 = arith.constant 0 : i32
    %dma_wait3A_110 = arith.constant 0 : i32
    %dma_wait3A_111 = tpu.memref_slice %arg7[%dma_wait3A_108, %dma_wait3A_109, %dma_wait3A_110] : memref<40x8x129xf32, #tpu.memory_space<vmem>> -> memref<8x8x128xf32, #tpu.memory_space<vmem>>
    %dma_wait3A_112 = arith.constant 0 : i32
    %dma_wait3A_113 = arith.constant 0 : i32
    %dma_wait3A_114 = arith.constant 0 : i32
    %dma_wait3A_115 = tpu.memref_slice %arg4[%dma_wait3A_106, %dma_wait3A_112, %add3A, %dma_wait3A_113, %dma_wait3A_114] : memref<200x8x32x8x128xf32, #tpu.memory_space<hbm>> -> memref<1x8x1x8x128xf32, #tpu.memory_space<hbm>>
    %dma_wait3A_116 = tpu.memref_squeeze %dma_wait3A_115 : memref<1x8x1x8x128xf32, #tpu.memory_space<hbm>> -> memref<8x8x128xf32, #tpu.memory_space<hbm>>
    %dma_wait3A_117 = tpu.memref_slice %arg10[%dma_wait3A_107] : memref<5x!tpu.dma_semaphore, #tpu.memory_space<semaphore_mem>> -> memref<1x!tpu.dma_semaphore, #tpu.memory_space<semaphore_mem>>
    %dma_wait3A_118 = tpu.memref_squeeze %dma_wait3A_117 : memref<1x!tpu.dma_semaphore, #tpu.memory_space<semaphore_mem>> -> memref<!tpu.dma_semaphore, #tpu.memory_space<semaphore_mem>>
    %dma_wait3A_119 = arith.constant 0 : i32
    %dma_wait3A_120 = arith.constant 0 : i32
    %dma_wait3A_121 = arith.constant 0 : i32
    %dma_wait3A_122 = tpu.memref_slice %arg4[%dma_wait3A_106, %dma_wait3A_119, %add3A, %dma_wait3A_120, %dma_wait3A_121] : memref<200x8x32x8x128xf32, #tpu.memory_space<hbm>> -> memref<1x8x1x8x128xf32, #tpu.memory_space<hbm>>
    %dma_wait3A_123 = tpu.memref_squeeze %dma_wait3A_122 : memref<1x8x1x8x128xf32, #tpu.memory_space<hbm>> -> memref<8x8x128xf32, #tpu.memory_space<hbm>>
    %dma_wait3A_124 = arith.constant 8 : i32
    %dma_wait3A_125 = arith.constant 0 : i32
    %dma_wait3A_126 = arith.constant 0 : i32
    %dma_wait3A_127 = tpu.memref_slice %arg7[%dma_wait3A_124, %dma_wait3A_125, %dma_wait3A_126] : memref<40x8x129xf32, #tpu.memory_space<vmem>> -> memref<8x8x128xf32, #tpu.memory_space<vmem>>
    tpu.wait_dma2 semaphore(%dma_wait3A_118 : memref<!tpu.dma_semaphore, #tpu.memory_space<semaphore_mem>>) src(%dma_wait3A_127 : memref<8x8x128xf32, #tpu.memory_space<vmem>>) dst(%dma_wait3A_123 : memref<8x8x128xf32, #tpu.memory_space<hbm>>)
    %dma_wait3A_128 = arith.constant 0 : i32
    %dma_wait3A_129 = arith.constant 2 : i32
    %dma_wait3A_130 = arith.constant 16 : i32
    %dma_wait3A_131 = arith.constant 0 : i32
    %dma_wait3A_132 = arith.constant 0 : i32
    %dma_wait3A_133 = tpu.memref_slice %arg7[%dma_wait3A_130, %dma_wait3A_131, %dma_wait3A_132] : memref<40x8x129xf32, #tpu.memory_space<vmem>> -> memref<8x8x128xf32, #tpu.memory_space<vmem>>
    %dma_wait3A_134 = arith.constant 0 : i32
    %dma_wait3A_135 = arith.constant 0 : i32
    %dma_wait3A_136 = arith.constant 0 : i32
    %dma_wait3A_137 = tpu.memref_slice %arg4[%dma_wait3A_128, %dma_wait3A_134, %add3A, %dma_wait3A_135, %dma_wait3A_136] : memref<200x8x32x8x128xf32, #tpu.memory_space<hbm>> -> memref<1x8x1x8x128xf32, #tpu.memory_space<hbm>>
    %dma_wait3A_138 = tpu.memref_squeeze %dma_wait3A_137 : memref<1x8x1x8x128xf32, #tpu.memory_space<hbm>> -> memref<8x8x128xf32, #tpu.memory_space<hbm>>
    %dma_wait3A_139 = tpu.memref_slice %arg10[%dma_wait3A_129] : memref<5x!tpu.dma_semaphore, #tpu.memory_space<semaphore_mem>> -> memref<1x!tpu.dma_semaphore, #tpu.memory_space<semaphore_mem>>
    %dma_wait3A_140 = tpu.memref_squeeze %dma_wait3A_139 : memref<1x!tpu.dma_semaphore, #tpu.memory_space<semaphore_mem>> -> memref<!tpu.dma_semaphore, #tpu.memory_space<semaphore_mem>>
    %dma_wait3A_141 = arith.constant 0 : i32
    %dma_wait3A_142 = arith.constant 0 : i32
    %dma_wait3A_143 = arith.constant 0 : i32
    %dma_wait3A_144 = tpu.memref_slice %arg4[%dma_wait3A_128, %dma_wait3A_141, %add3A, %dma_wait3A_142, %dma_wait3A_143] : memref<200x8x32x8x128xf32, #tpu.memory_space<hbm>> -> memref<1x8x1x8x128xf32, #tpu.memory_space<hbm>>
    %dma_wait3A_145 = tpu.memref_squeeze %dma_wait3A_144 : memref<1x8x1x8x128xf32, #tpu.memory_space<hbm>> -> memref<8x8x128xf32, #tpu.memory_space<hbm>>
    %dma_wait3A_146 = arith.constant 16 : i32
    %dma_wait3A_147 = arith.constant 0 : i32
    %dma_wait3A_148 = arith.constant 0 : i32
    %dma_wait3A_149 = tpu.memref_slice %arg7[%dma_wait3A_146, %dma_wait3A_147, %dma_wait3A_148] : memref<40x8x129xf32, #tpu.memory_space<vmem>> -> memref<8x8x128xf32, #tpu.memory_space<vmem>>
    tpu.wait_dma2 semaphore(%dma_wait3A_140 : memref<!tpu.dma_semaphore, #tpu.memory_space<semaphore_mem>>) src(%dma_wait3A_149 : memref<8x8x128xf32, #tpu.memory_space<vmem>>) dst(%dma_wait3A_145 : memref<8x8x128xf32, #tpu.memory_space<hbm>>)
    %dma_wait3A_150 = arith.constant 0 : i32
    %dma_wait3A_151 = arith.constant 3 : i32
    %dma_wait3A_152 = arith.constant 24 : i32
    %dma_wait3A_153 = arith.constant 0 : i32
    %dma_wait3A_154 = arith.constant 0 : i32
    %dma_wait3A_155 = tpu.memref_slice %arg7[%dma_wait3A_152, %dma_wait3A_153, %dma_wait3A_154] : memref<40x8x129xf32, #tpu.memory_space<vmem>> -> memref<8x8x128xf32, #tpu.memory_space<vmem>>
    %dma_wait3A_156 = arith.constant 0 : i32
    %dma_wait3A_157 = arith.constant 0 : i32
    %dma_wait3A_158 = arith.constant 0 : i32
    %dma_wait3A_159 = tpu.memref_slice %arg4[%dma_wait3A_150, %dma_wait3A_156, %add3A, %dma_wait3A_157, %dma_wait3A_158] : memref<200x8x32x8x128xf32, #tpu.memory_space<hbm>> -> memref<1x8x1x8x128xf32, #tpu.memory_space<hbm>>
    %dma_wait3A_160 = tpu.memref_squeeze %dma_wait3A_159 : memref<1x8x1x8x128xf32, #tpu.memory_space<hbm>> -> memref<8x8x128xf32, #tpu.memory_space<hbm>>
    %dma_wait3A_161 = tpu.memref_slice %arg10[%dma_wait3A_151] : memref<5x!tpu.dma_semaphore, #tpu.memory_space<semaphore_mem>> -> memref<1x!tpu.dma_semaphore, #tpu.memory_space<semaphore_mem>>
    %dma_wait3A_162 = tpu.memref_squeeze %dma_wait3A_161 : memref<1x!tpu.dma_semaphore, #tpu.memory_space<semaphore_mem>> -> memref<!tpu.dma_semaphore, #tpu.memory_space<semaphore_mem>>
    %dma_wait3A_163 = arith.constant 0 : i32
    %dma_wait3A_164 = arith.constant 0 : i32
    %dma_wait3A_165 = arith.constant 0 : i32
    %dma_wait3A_166 = tpu.memref_slice %arg4[%dma_wait3A_150, %dma_wait3A_163, %add3A, %dma_wait3A_164, %dma_wait3A_165] : memref<200x8x32x8x128xf32, #tpu.memory_space<hbm>> -> memref<1x8x1x8x128xf32, #tpu.memory_space<hbm>>
    %dma_wait3A_167 = tpu.memref_squeeze %dma_wait3A_166 : memref<1x8x1x8x128xf32, #tpu.memory_space<hbm>> -> memref<8x8x128xf32, #tpu.memory_space<hbm>>
    %dma_wait3A_168 = arith.constant 24 : i32
    %dma_wait3A_169 = arith.constant 0 : i32
    %dma_wait3A_170 = arith.constant 0 : i32
    %dma_wait3A_171 = tpu.memref_slice %arg7[%dma_wait3A_168, %dma_wait3A_169, %dma_wait3A_170] : memref<40x8x129xf32, #tpu.memory_space<vmem>> -> memref<8x8x128xf32, #tpu.memory_space<vmem>>
    tpu.wait_dma2 semaphore(%dma_wait3A_162 : memref<!tpu.dma_semaphore, #tpu.memory_space<semaphore_mem>>) src(%dma_wait3A_171 : memref<8x8x128xf32, #tpu.memory_space<vmem>>) dst(%dma_wait3A_167 : memref<8x8x128xf32, #tpu.memory_space<hbm>>)
    %dma_wait3A_172 = arith.constant 0 : i32
    %dma_wait3A_173 = arith.constant 4 : i32
    %dma_wait3A_174 = arith.constant 32 : i32
    %dma_wait3A_175 = arith.constant 0 : i32
    %dma_wait3A_176 = arith.constant 0 : i32
    %dma_wait3A_177 = tpu.memref_slice %arg7[%dma_wait3A_174, %dma_wait3A_175, %dma_wait3A_176] : memref<40x8x129xf32, #tpu.memory_space<vmem>> -> memref<8x8x128xf32, #tpu.memory_space<vmem>>
    %dma_wait3A_178 = arith.constant 0 : i32
    %dma_wait3A_179 = arith.constant 0 : i32
    %dma_wait3A_180 = arith.constant 0 : i32
    %dma_wait3A_181 = tpu.memref_slice %arg4[%dma_wait3A_172, %dma_wait3A_178, %add3A, %dma_wait3A_179, %dma_wait3A_180] : memref<200x8x32x8x128xf32, #tpu.memory_space<hbm>> -> memref<1x8x1x8x128xf32, #tpu.memory_space<hbm>>
    %dma_wait3A_182 = tpu.memref_squeeze %dma_wait3A_181 : memref<1x8x1x8x128xf32, #tpu.memory_space<hbm>> -> memref<8x8x128xf32, #tpu.memory_space<hbm>>
    %dma_wait3A_183 = tpu.memref_slice %arg10[%dma_wait3A_173] : memref<5x!tpu.dma_semaphore, #tpu.memory_space<semaphore_mem>> -> memref<1x!tpu.dma_semaphore, #tpu.memory_space<semaphore_mem>>
    %dma_wait3A_184 = tpu.memref_squeeze %dma_wait3A_183 : memref<1x!tpu.dma_semaphore, #tpu.memory_space<semaphore_mem>> -> memref<!tpu.dma_semaphore, #tpu.memory_space<semaphore_mem>>
    %dma_wait3A_185 = arith.constant 0 : i32
    %dma_wait3A_186 = arith.constant 0 : i32
    %dma_wait3A_187 = arith.constant 0 : i32
    %dma_wait3A_188 = tpu.memref_slice %arg4[%dma_wait3A_172, %dma_wait3A_185, %add3A, %dma_wait3A_186, %dma_wait3A_187] : memref<200x8x32x8x128xf32, #tpu.memory_space<hbm>> -> memref<1x8x1x8x128xf32, #tpu.memory_space<hbm>>
    %dma_wait3A_189 = tpu.memref_squeeze %dma_wait3A_188 : memref<1x8x1x8x128xf32, #tpu.memory_space<hbm>> -> memref<8x8x128xf32, #tpu.memory_space<hbm>>
    %dma_wait3A_190 = arith.constant 32 : i32
    %dma_wait3A_191 = arith.constant 0 : i32
    %dma_wait3A_192 = arith.constant 0 : i32
    %dma_wait3A_193 = tpu.memref_slice %arg7[%dma_wait3A_190, %dma_wait3A_191, %dma_wait3A_192] : memref<40x8x129xf32, #tpu.memory_space<vmem>> -> memref<8x8x128xf32, #tpu.memory_space<vmem>>
    tpu.wait_dma2 semaphore(%dma_wait3A_184 : memref<!tpu.dma_semaphore, #tpu.memory_space<semaphore_mem>>) src(%dma_wait3A_193 : memref<8x8x128xf32, #tpu.memory_space<vmem>>) dst(%dma_wait3A_189 : memref<8x8x128xf32, #tpu.memory_space<hbm>>)
    return
  }
}

module attributes {stable_mosaic.version = 14 : i64} {
  func.func @body(%arg0: i32, %arg1: memref<64x16384xf32, #tpu.memory_space<vmem>>, %arg2: memref<64x64xf32, #tpu.memory_space<vmem>>, %arg3: memref<16384x128xf32, #tpu.memory_space<vmem>>) attributes {dimension_semantics = [#tpu.dimension_semantics<arbitrary>], iteration_bounds = array<i64: 62>, scalar_prefetch = 0 : i64, scratch_operands = 0 : i64, tpu.core_type = #tpu.core_type<tc>, window_params = [{transform_indices = @transform_0, window_bounds = array<i64: 64, 16384>}, {pipeline_mode = #tpu.pipeline_mode<synchronous>, transform_indices = @transform_1, window_bounds = array<i64: 64, 64>}, {transform_indices = @transform_2, window_bounds = array<i64: 16384, 128>}]} {
    %get3A = arith.constant 0 : index
    %get3A_0 = arith.constant 0 : index
    %get3A_1 = vector.load %arg1[%get3A, %get3A_0] : memref<64x16384xf32, #tpu.memory_space<vmem>>, vector<64x16384xf32>
    %get3A_2 = arith.constant 0 : index
    %get3A_3 = arith.constant 0 : index
    %get3A_4 = vector.load %arg2[%get3A_2, %get3A_3] : memref<64x64xf32, #tpu.memory_space<vmem>>, vector<64x64xf32>
    %dot_general3A = arith.constant dense<0.000000e+00> : vector<16384x64xf32>
    %dot_general3A_5 = tpu.matmul %get3A_1, %get3A_4, %dot_general3A {dimension_numbers = #tpu.dot_dimension_numbers<[0], [0], [1], [1], [0, 1, 1, 1], [], []>, transpose_lhs_hint = true} : vector<64x16384xf32>, vector<64x64xf32>, vector<16384x64xf32> -> vector<16384x64xf32>
    %swap3A = arith.constant 0 : index
    %swap3A_6 = arith.constant 0 : index
    %swap3A_7 = vector.load %arg3[%swap3A, %swap3A_6] : memref<16384x128xf32, #tpu.memory_space<vmem>>, vector<16384x64xf32>
    tpu.vector_store %arg3[%swap3A, %swap3A_6], %dot_general3A_5 {strides = array<i32>} : memref<16384x128xf32, #tpu.memory_space<vmem>>, vector<16384x64xf32>,
    return
  }
  func.func @transform_0(%arg0: i32) -> (i32, i32) {
    %c0_i32 = arith.constant 0 : i32
    %c0_i32_0 = arith.constant 0 : i32
    return %c0_i32, %arg0 : i32, i32
  }
  func.func @transform_1(%arg0: i32) -> (i32, i32) {
    %c0_i32 = arith.constant 0 : i32
    %c0_i32_0 = arith.constant 0 : i32
    %c0_i32_1 = arith.constant 0 : i32
    return %c0_i32, %c0_i32_0 : i32, i32
  }
  func.func @transform_2(%arg0: i32) -> (i32, i32) {
    %c0_i32 = arith.constant 0 : i32
    %c0_i32_0 = arith.constant 0 : i32
    return %arg0, %c0_i32 : i32, i32
  }
}

</mosaic_0001>

<sc_bundles>
// kernel: run.4.cloned.1.call-start
scs
__scs_entry_jumppad:
0x0: {  	(pc) =	sbr.rel $0x88, $3  }
0x1: {  	(tag) =	ssettag $0x0;
	lr =	simm.s32 $0x1  }
0x2: {  	[smem:$0x3F9E] =	sst lr;
	_ =	strace $0xD0000000  }
0x3: {  	_ = 	snop  }
0x4: {  	_ = 	snop  }
0x5: {  	_ = 	snop  }
0x6: {  	_ = 	snop  }
0x7: {  	_ = 	snop  }
__scs_overlays_trampoline_lowered:
0x8: {  	[smem:$0x3FAD] =	sst s0  }
0x9: {  	[smem:$0x3FAE] =	sst s1  }
0xa: {  	[smem:$0x3FAF] =	sst s2  }
0xb: {  	[smem:$0x3FB0] =	sst s3  }
0xc: {  	[smem:$0x3FB1] =	sst s4  }
0xd: {  	[smem:$0x3FB2] =	sst s5  }
0xe: {  	[smem:$0x3FB3] =	sst s6  }
0xf: {  	[smem:$0x3FB4] =	sst s7  }
0x10: {  	[smem:$0x3FB5] =	sst s8  }
0x11: {  	[smem:$0x3FB6] =	sst s9;
	s0 =	simm.s32 @!p0 $0x0  }
0x12: {  	s1 =	sld [smem:$0x3F9C];
	s0 =	simm.s32 @p0 $0x1  }
0x13: {  	[smem:$0x3FB7] =	sst s0;
	s0 =	simm.s32 @!p1 $0x0  }
0x14: {  	s2 =	sld [smem:$0x3F9B];
	s0 =	simm.s32 @p1 $0x1  }
0x15: {  	[smem:$0x3FB8] =	sst s0;
	s0 =	simm.s32 @!p2 $0x0  }
0x16: {  	s3 =	sld [smem:$0x3FDB];
	s0 =	simm.s32 @p2 $0x1  }
0x17: {  	s4 =	simm.s32 $0x1BF5;
	[smem:$0x3FBA] =	sst s0  }
0x18: {  	s0 =	sld [smem:$0x3F9D];
	_ =	swait.ge [sflag:s4], $0x0  }
0x19: {  	s7 =	sld [smem:$0x3F9E]  }
0x1a: {  	s8 =	sadd.s32 $0xFFFFE003, lr  }
0x1b: {  	s9 =	sadd.s32 $0xFFFFFEF7, lr;
	s5 =	simm.s32 $0xFFFFFFFF;
	p2 =	slt.u32 s8, $0xFFFFF086  }
0x1c: {  	p1 =	slt.u32 s9, $0xF7A;
	s5 =	simm.s32 @!p2 $0x0  }
0x1d: {  	s5 =	simm.s32 @p1 $0x1;
	p0 =	seq.s32 s7, s2  }
0x1e: {  	s7 =	smul.u32 @!p0 $0xF7A, s2;
	p2 =	seq.s32 @!p0 s5, $0x0  }
0x1f: {  	s9 =	smul.u32 $0xF7A, s1;
	s8 =	simm.s32 @!p0 $0x1BF5;
	p2 =	por !p2, p0  }
0x20: {  	[sflag:s8] =	ssyncset.s32 @!p0 $0xFFFFF086;
	s6 =	sadd.s32 @!p0 s3, s7;
	s7 =	simm.s32 @!p0 $0x108  }
0x21: {  	s3 =	sadd.s32 s3, s9;
	s6 =	sadd.s32 @!p0 $0x88, s6;
	s7 =	simm.s32 @p2 $0x1082  }
0x22: {  	[simem:s7], [sflag:s8] =	dma.local @!p0 [hbm:s6], $0xF7A  }
0x23: {  	s9 =	sor.u32 $0xD0000000, s2;
	s6 =	simm.s32 $0x108;
	_ =	swait.ge @!p0 [sflag:s8], $0x0  }
0x24: {  	s3 =	sadd.s32 $0x88, s3;
	s6 =	simm.s32 @!p1 $0x1082;
	[sflag:s4] =	ssyncset.s32 $0xFFFFF086  }
0x25: {  	[simem:s6], [sflag:s4] =	dma.local [hbm:s3], $0xF7A  }
0x26: {  	[smem:$0x3F9E] =	sst s1;
	(tag) =	ssettag s2;
	_ =	strace s9  }
0x27: {  	s1 =	sld [smem:$0x3FAE]  }
0x28: {  	s2 =	sld [smem:$0x3FAF]  }
0x29: {  	s4 =	sld [smem:$0x3FB1]  }
0x2a: {  	p0 =	seq.s32 s5, $0x0;
	s5 =	sld [smem:$0x3FB2]  }
0x2b: {  	s6 =	sld [smem:$0x3FB3]  }
0x2c: {  	s7 =	sld [smem:$0x3FB4]  }
0x2d: {  	s3 =	simm.s32 $0x108;
	s8 =	sld [smem:$0x3FB5]  }
0x2e: {  	s3 =	simm.s32 @!p0 $0x1082;
	s9 =	sld [smem:$0x3FB6]  }
0x2f: {  	lr =	sadd.s32 s0, s3;
	s0 =	sld [smem:$0x3FAD]  }
0x30: {  	s3 =	sld [smem:$0x3FB0]  }
0x31: {  	[smem:$0x3FB9] =	sst s10  }
0x32: {  	s10 =	sld [smem:$0x3FB7];
	_ =	sdelay $0x3  }
0x33: {  	p0 =	seq.s32 s10, $0x1;
	s10 =	sld [smem:$0x3FB9];
	_ =	sdelay $0x3  }
0x34: {  	[smem:$0x3FB9] =	sst s10  }
0x35: {  	s10 =	sld [smem:$0x3FB8];
	_ =	sdelay $0x3  }
0x36: {  	p1 =	seq.s32 s10, $0x1;
	s10 =	sld [smem:$0x3FB9];
	_ =	sdelay $0x3  }
0x37: {  	[smem:$0x3FB9] =	sst s10  }
0x38: {  	s10 =	sld [smem:$0x3FBA]  }
0x39: {  	_ = 	snop;
	(pc) =	sbr.ind lr, $3  }
0x3a: {  	_ = 	snop  }
0x3b: {  	_ = 	snop  }
0x3c: {  	p2 =	seq.s32 s10, $0x1;
	s10 =	sld [smem:$0x3FB9]  }
0x3d: {  	_ =	shalt  }
0x3e: {  	_ =	shalt  }
0x3f: {  	_ =	shalt  }
0x40: {  	_ =	shalt  }
0x41: {  	_ =	shalt  }
0x42: {  	_ =	shalt  }
0x43: {  	_ =	shalt  }
0x44: {  	_ =	shalt  }
0x45: {  	_ =	shalt  }
0x46: {  	_ =	shalt  }
0x47: {  	_ =	shalt  }
0x48: {  	_ =	shalt  }
0x49: {  	_ =	shalt  }
0x4a: {  	_ =	shalt  }
0x4b: {  	_ =	shalt  }
0x4c: {  	_ =	shalt  }
0x4d: {  	_ =	shalt  }
0x4e: {  	_ =	shalt  }
0x4f: {  	_ =	shalt  }
0x50: {  	_ =	shalt  }
0x51: {  	_ =	shalt  }
0x52: {  	_ =	shalt  }
0x53: {  	_ =	shalt  }
0x54: {  	_ =	shalt  }
0x55: {  	_ =	shalt  }
0x56: {  	_ =	shalt  }
0x57: {  	_ =	shalt  }
0x58: {  	_ =	shalt  }
0x59: {  	_ =	shalt  }
0x5a: {  	_ =	shalt  }
0x5b: {  	_ =	shalt  }
0x5c: {  	_ =	shalt  }
0x5d: {  	_ =	shalt  }
0x5e: {  	_ =	shalt  }
0x5f: {  	_ =	shalt  }
0x60: {  	_ =	shalt  }
0x61: {  	_ =	shalt  }
0x62: {  	_ =	shalt  }
0x63: {  	_ =	shalt  }
0x64: {  	_ =	shalt  }
0x65: {  	_ =	shalt  }
0x66: {  	_ =	shalt  }
0x67: {  	_ =	shalt  }
0x68: {  	_ =	shalt  }
0x69: {  	_ =	shalt  }
0x6a: {  	_ =	shalt  }
0x6b: {  	_ =	shalt  }
0x6c: {  	_ =	shalt  }
0x6d: {  	_ =	shalt  }
0x6e: {  	_ =	shalt  }
0x6f: {  	_ =	shalt  }
0x70: {  	_ =	shalt  }
0x71: {  	_ =	shalt  }
0x72: {  	_ =	shalt  }
0x73: {  	_ =	shalt  }
0x74: {  	_ =	shalt  }
0x75: {  	_ =	shalt  }
0x76: {  	_ =	shalt  }
0x77: {  	_ =	shalt  }
0x78: {  	_ =	shalt  }
0x79: {  	_ =	shalt  }
0x7a: {  	_ =	shalt  }
0x7b: {  	_ =	shalt  }
0x7c: {  	_ =	shalt  }
0x7d: {  	_ =	shalt  }
0x7e: {  	_ =	shalt  }
0x7f: {  	_ =	shalt  }
0x80: {  	_ =	shalt  }
0x81: {  	_ =	shalt  }
0x82: {  	_ =	shalt  }
0x83: {  	_ =	shalt  }
0x84: {  	_ =	shalt  }
0x85: {  	_ =	shalt  }
0x86: {  	_ =	shalt  }
0x87: {  	_ =	shalt  }
.Lfunc_end0:
.L_simem_size_0:
called_computation_lowered:
.L_overlay_start_0:
0x88: {  	s2 =	sld [smem:$0x3FD9]  }
0x89: {  	s3 =	sld [smem:$0x3FFE];
	_ =	sdelay $0x1  }
0x8a: {  	s1 =	srdreg.scid  }
0x8b: {  	s0 =	sand.u32 $0x1, s1  }
0x8c: {  	s17 =	sshll.u32 s0, $0xA;
	s2 =	sadd.s32 s3, s2  }
0x8d: {  	s2 =	sadd.s32 s2, s17  }
0x8e: {  	[smem:$0x3FC5] =	sst s2  }
0x8f: {  	_ = 	snop  }
0x90: {  	s2 =	sld [smem:$0x3FC7]  }
0x91: {  	s18 =	sld [smem:$0x3FD0];
	(tm) =	ssettm $0x1  }
0x92: {  	s4 =	sld [smem:$0x3FFB];
	_ =	sdelay $0x3  }
0x93: {  	_ =	strace s4  }
0x94: {  	s4 =	sld [smem:$0x3FFC];
	_ =	sdelay $0x3  }
0x95: {  	_ =	strace s4  }
0x96: {  	s4 =	sld [smem:$0x3FFD];
	_ =	sdelay $0x3  }
0x97: {  	_ =	strace s4  }
0x98: {  	_ =	strace $0x8FFFFFFF  }
0x99: {  	s19 =	sld [smem:$0x3FDB];
	_ =	sdelay $0x1  }
0x9a: {  	s5 =	simm.s32 $_scs_section_size  }
0x9b: {  	s6 =	simm.s32 $_size__tile_overlayer_lowered;
	s7 =	simm.s32 $_tile_overlayer_lowered  }
0x9c: {  	s22 =	simm.s32 $0x1BFF;
	s21 =	sshll.u32 s7, $0x1;
	s4 =	sadd.s32 s5, s19  }
0x9d: {  	s8 =	simm.s32 $0x0;
	s20 =	sshll.u32 s6, $0x1;
	s6 =	sadd.s32 s21, s4  }
0x9e: {  	[timem:s8], [sflag:s22] =	dma.local [hbm:s6], s20  }
0x9f: {  	_ =	swait.ge [sflag:s22], s20  }
0xa0: {  	s5 =	ssub.s32 $0x0, s20;
	[sflag:s22] =	ssyncset.done $0x0  }
0xa1: {  	[sflag:s22] =	ssyncadd.s32 s5;
	_ =	sdelay $0x1  }
0xa2: {  	s23 =	simm.s32 $0x1B8B  }
0xa3: {  	_ =	swait.ge [sflag:s23], $0x1  }
0xa4: {  	[sflag:s23] =	ssyncset.done $0x0  }
0xa5: {  	s25 =	simm.s32 $0x1B8E;
	s24 =	sld [smem:$0x3FFE];
	[sflag:s23] =	ssyncadd.s32 $0xFFFFFFFF  }
0xa6: {  	s26 =	simm.s32 $execute0_lowered;
	[smem:$0x3FD2] =	sst s25  }
0xa7: {  	s6 =	sshll.u32 s26, $0x1;
	_ =	strace $0x80000046;
	[dreg:$0x1] =	wrdreg $0xFFFFFFFF  }
0xa8: {  	s28 =	simm.s32 $_size_execute0_lowered;
	s4 =	sadd.s32 s4, s6;
	[dreg:$0x0] =	wrdreg $0x0  }
0xa9: {  	s6 =	sshll.u32 s28, $0x1;
	[dreg:$0x2] =	wrdreg s4  }
0xaa: {  	[dreg:$0x3] =	wrdreg s6  }
0xab: {  	[dreg:$0x4] =	wrdreg $0xC0  }
0xac: {  	_ =	task [dreg:s8], $0x5FFFF  }
0xad: {  	[dreg:$0x1] =	wrdreg $0xFFFFFFFF  }
0xae: {  	[dreg:$0x0] =	wrdreg $0x60  }
0xaf: {  	[dreg:$0x2] =	wrdreg s24  }
0xb0: {  	[dreg:$0x3] =	wrdreg s2  }
0xb1: {  	[dreg:$0x4] =	wrdreg s18  }
0xb2: {  	[dreg:$0x5] =	wrdreg $0x9  }
0xb3: {  	_ =	task.clear_ibuf [dreg:s8], $0x6FFFF;
	_ =	strace $0x90000046  }
0xb4: {  	s29 =	simm.s32 $0x9;
	_ =	strace $0x80000048  }
0xb5: {  	_ =	swait.ge [sflag:s29], $0x1  }
0xb6: {  	[sflag:s29] =	ssyncadd.s32 $0xFFFFFFFF  }
0xb7: {  	_ =	strace $0x90000048  }
0xb8: {  	_ =	sfence  }
0xb9: {  	s30 =	sld [smem:$0x0];
	_ =	sdelay $0x2  }
0xba: {  	s31 =	sshll.u32 s1, $0xD;
	s1 =	sshrl.u32 s1, $0x2  }
0xbb: {  	s3 =	sand.u32 $0x4000, s31;
	s1 =	sadd.s32 s1, s30  }
0xbc: {  	s0 =	sor.u32 s3, s0;
	s1 =	sshll.u32 s1, $0x11  }
0xbd: {  	s0 =	sor.u32 s1, s0  }
0xbe: {  	s0 =	sadd.s32 $0x8F2B, s0  }
0xbf: {  	[sflag:s0] =	ssyncadd.remote.s32 $0x1  }
0xc0: {  	_ =	sfence.sel $0xFFFF  }
0xc1: {  	[dreg:$0x0] =	wrdreg $0xFFFFFFFF;
	(pc) =	sbr.abs _section_cstart, $3  }
0xc2: {  	[dreg:$0x1] =	wrdreg $0xFFFFFFFF  }
0xc3: {  	_ =	task.clear_ibuf [dreg:s8], $0x2FFFF;
	_ =	strace $0x9FFFFFFF  }
0xc4: {  	(tm) =	ssettm $0x7FFFFFFF  }
0xc5: {  	_ =	shalt  }
tec
execute0_lowered:
.L_overlay_start_1:
0x0: {  	(tag) =	ssettag $0x1  }
0x1: {  	v0 =	vlaneseq.u32  }
0x2: {  	s0 =	rddreg [dreg:$0x0];
	v0 =	vmul.u32 $0x88, v0  }
0x3: {  	s3 =	rddreg [dreg:$0x1];
	s2 =	simm.s32 $0x0  }
0x4: {  	[smem:$0x7FF] =	sst s2;
	v2 =	vadd.s32 $0x2200, v0  }
0x5: {  	s1 =	rddreg [dreg:$0x2];
	_ =	strace $0x80000047;
	v38 =	vadd.s32 $0x880, v0;
	[tilespmem:$0x1FC20] =	vst v2  }
0x6: {  	v3 =	vadd.s32 $0x1100, v0;
	[tilespmem:$0x1FD60] =	vst v38  }
0x7: {  	v39 =	vadd.s32 $0x1980, v0;
	[tilespmem:$0x1FD70] =	vst v3  }
0x8: {  	v30 =	vor.u32 $0x1, v0;
	[tilespmem:$0x1FD80] =	vst v39  }
0x9: {  	v23 =	vadd.s32 $0x881, v0;
	[tilespmem:$0x1FD90] =	vst v30  }
0xa: {  	v33 =	vadd.s32 $0x1101, v0;
	[tilespmem:$0x1FDA0] =	vst v23  }
0xb: {  	v36 =	vadd.s32 $0x1981, v0;
	[tilespmem:$0x1FDB0] =	vst v33  }
0xc: {  	v32 =	vor.u32 $0x2, v0;
	[tilespmem:$0x1FDC0] =	vst v36  }
0xd: {  	v35 =	vadd.s32 $0x882, v0;
	[tilespmem:$0x1FDD0] =	vst v32  }
0xe: {  	v31 =	vadd.s32 $0x1102, v0;
	[tilespmem:$0x1FDE0] =	vst v35  }
0xf: {  	v40 =	vadd.s32 $0x1982, v0;
	[tilespmem:$0x1FDF0] =	vst v31  }
0x10: {  	v41 =	vor.u32 $0x3, v0;
	[tilespmem:$0x1FE00] =	vst v40  }
0x11: {  	v42 =	vadd.s32 $0x883, v0;
	[tilespmem:$0x1FE10] =	vst v41  }
0x12: {  	v43 =	vadd.s32 $0x1103, v0;
	[tilespmem:$0x1FE20] =	vst v42  }
0x13: {  	v44 =	vadd.s32 $0x1983, v0;
	[tilespmem:$0x1FE30] =	vst v43  }
0x14: {  	v45 =	vor.u32 $0x4, v0;
	[tilespmem:$0x1FE40] =	vst v44  }
0x15: {  	v46 =	vadd.s32 $0x884, v0;
	[tilespmem:$0x1FE50] =	vst v45  }
0x16: {  	v47 =	vadd.s32 $0x1104, v0;
	[tilespmem:$0x1FE60] =	vst v46  }
0x17: {  	v48 =	vadd.s32 $0x1984, v0;
	[tilespmem:$0x1FE70] =	vst v47  }
0x18: {  	v49 =	vor.u32 $0x5, v0;
	[tilespmem:$0x1FE80] =	vst v48  }
0x19: {  	v50 =	vadd.s32 $0x885, v0;
	[tilespmem:$0x1FE90] =	vst v49  }
0x1a: {  	v51 =	vadd.s32 $0x1105, v0;
	[tilespmem:$0x1FEA0] =	vst v50  }
0x1b: {  	v52 =	vadd.s32 $0x1985, v0;
	[tilespmem:$0x1FEB0] =	vst v51  }
0x1c: {  	v53 =	vor.u32 $0x6, v0;
	[tilespmem:$0x1FEC0] =	vst v52  }
0x1d: {  	v54 =	vadd.s32 $0x886, v0;
	[tilespmem:$0x1FED0] =	vst v53  }
0x1e: {  	v55 =	vadd.s32 $0x1106, v0;
	[tilespmem:$0x1FEE0] =	vst v54  }
0x1f: {  	v56 =	vadd.s32 $0x1986, v0;
	[tilespmem:$0x1FEF0] =	vst v55  }
0x20: {  	v57 =	vor.u32 $0x7, v0;
	[tilespmem:$0x1FF00] =	vst v56  }
0x21: {  	v58 =	vadd.s32 $0x887, v0;
	[tilespmem:$0x1FF10] =	vst v57  }
0x22: {  	v59 =	vadd.s32 $0x1107, v0;
	[tilespmem:$0x1FF20] =	vst v58  }
0x23: {  	v60 =	vadd.s32 $0x1987, v0;
	[tilespmem:$0x1FF30] =	vst v59  }
0x24: {  	v37 =	vadd.s32 $0x3B83, v0;
	[tilespmem:$0x1FF40] =	vst v60  }
0x25: {  	v62 =	vadd.s32 $0x3304, v0;
	[tilespmem:$0x1FF50] =	vst v37  }
0x26: {  	v4 =	vadd.s32 $0x3305, v0;
	[tilespmem:$0x1FF60] =	vst v62  }
0x27: {  	v9 =	vadd.s32 $0x2206, v0;
	[tilespmem:$0x1FF70] =	vst v4  }
0x28: {  	v7 =	vadd.s32 $0x2A86, v0;
	[tilespmem:$0x1FF80] =	vst v9  }
0x29: {  	v5 =	vadd.s32 $0x3306, v0;
	[tilespmem:$0x1FF90] =	vst v7  }
0x2a: {  	v34 =	vadd.s32 $0x3B86, v0;
	[tilespmem:$0x1FFA0] =	vst v5  }
0x2b: {  	v8 =	vadd.s32 $0x2207, v0;
	[tilespmem:$0x1FFB0] =	vst v34  }
0x2c: {  	v6 =	vadd.s32 $0x2A87, v0;
	[tilespmem:$0x1FFC0] =	vst v8  }
0x2d: {  	v61 =	vadd.s32 $0x2205, v0;
	[tilespmem:$0x1FFD0] =	vst v6  }
0x2e: {  	v63 =	vadd.s32 $0x2A85, v0;
	[tilespmem:$0x1FFE0] =	vst v61  }
0x2f: {  	v2 =	vadd.s32 $0x2A80, v0;
	[tilespmem:$0x1FFF0] =	vst v63  }
0x30: {  	[tilespmem:$0x1FC30] =	vst v2;
	v2 =	vadd.s32 $0x3300, v0  }
0x31: {  	[tilespmem:$0x1FC40] =	vst v2;
	v2 =	vadd.s32 $0x3B80, v0  }
0x32: {  	[tilespmem:$0x1FC50] =	vst v2;
	v2 =	vadd.s32 $0x2201, v0  }
0x33: {  	[tilespmem:$0x1FC60] =	vst v2;
	v2 =	vadd.s32 $0x2A81, v0  }
0x34: {  	[tilespmem:$0x1FC70] =	vst v2;
	v2 =	vadd.s32 $0x3301, v0  }
0x35: {  	[tilespmem:$0x1FC80] =	vst v2;
	v2 =	vadd.s32 $0x3B81, v0  }
0x36: {  	[tilespmem:$0x1FC90] =	vst v2;
	v2 =	vadd.s32 $0x2202, v0  }
0x37: {  	[tilespmem:$0x1FCA0] =	vst v2;
	v2 =	vadd.s32 $0x2A82, v0  }
0x38: {  	s4 =	srdreg.scid;
	s7 =	stileid.u32;
	s12 =	simm.s32 $0x80;
	[tilespmem:$0x1FCB0] =	vst v2;
	v2 =	vadd.s32 $0x3302, v0  }
0x39: {  	s14 =	simm.s32 $0x1;
	s23 =	simm.s32 $0x2;
	s28 =	simm.s32 $0x5;
	[tilespmem:$0x1FCC0] =	vst v2;
	v2 =	vadd.s32 $0x3B82, v0  }
0x3a: {  	s29 =	simm.s32 $0x6;
	s30 =	simm.s32 $0x7;
	s5 =	sand.u32 $0x1, s4;
	[tilespmem:$0x1FCD0] =	vst v2;
	v2 =	vadd.s32 $0x2203, v0  }
0x3b: {  	s31 =	simm.s32 $0x8;
	s13 =	simm.s32 $0xB;
	s6 =	sshll.u32 s5, $0x4;
	[tilespmem:$0x1FCE0] =	vst v2;
	v2 =	vadd.s32 $0x2A83, v0  }
0x3c: {  	s15 =	simm.s32 $0x0;
	s24 =	ssub.s32 $0x2, s5;
	s25 =	sor.u32 s7, s6;
	[tilespmem:$0x1FCF0] =	vst v2;
	v2 =	vadd.s32 $0x3303, v0  }
0x3d: {  	s4 =	sadd.s32 $0x600, s0;
	s26 =	sshrl.u32 s24, $0x1;
	s7 =	sshll.u32 s25, $0x4;
	[tilespmem:$0x1FD00] =	vst v2;
	v2 =	vadd.s32 $0x2204, v0  }
0x3e: {  	s5 =	sshll.u32 s25, $0xA;
	s0 =	ssub.s32 s24, s26;
	s24 =	simm.s32 $0x10400;
	[tilespmem:$0x1FD10] =	vst v2;
	v2 =	vadd.s32 $0x2A84, v0  }
0x3f: {  	s25 =	simm.s32 $0x3;
	s26 =	simm.s32 $0x4;
	s3 =	sadd.s32 s3, s7;
	[tilespmem:$0x1FD20] =	vst v2;
	v2 =	vadd.s32 $0x3B84, v0  }
0x40: {  	s7 =	sor.u32 $0x40000, s5;
	s8 =	sor.u32 $0x80000, s5;
	s9 =	sor.u32 $0xC0000, s5;
	[tilespmem:$0x1FD30] =	vst v2;
	v2 =	vadd.s32 $0x3B85, v0  }
0x41: {  	v1 =	vimm.s32 $0x0;
	vm0 =	vcmask $0x300;
	s10 =	sor.u32 $0x100000, s5;
	s0 =	smax.u32 s0, $0x1;
	[dreg:$0x4] =	wrdreg s3;
	[tilespmem:$0x1FD40] =	vst v2;
	v2 =	vadd.s32 $0x3307, v0  }
0x42: {  	v1 =	vsel vm0, $0x3, v1;
	[dreg:$0x5] =	wrdreg s0;
	s0 =	simm.s32 $0x9;
	s3 =	simm.s32 $0xA;
	[tilespmem:$0x1FD50] =	vst v2  }
.LBB2_1:
0x43: {  	s6 =	rddreg [dreg:$0x4];
	s11 =	simm.s32 $0x1000  }
0x44: {  	[tilespmem:s2], [sflag:$0x1] =	stream.strided.gather [hbm4b:s6+s12], $0x6400, s11, s12, $0x38;
	[tilespmem:$0x1AE00] =	vst v63  }
0x45: {  	_ =	swait.ge [sflag:s14], $0x6400  }
0x46: {  	[sflag:s14] =	ssyncset.done $0x0  }
0x47: {  	s11 =	simm.s32 $0x6400;
	[sflag:s14] =	ssyncadd.s32 $0xFFFF9C00  }
0x48: {  	[tilespmem:s11], [sflag:$0x2] =	stream.indirect.gather [hbm4b:s4+s12], $0x40, s2, s12, $0xb8;
	[tilespmem:$0x1AE00] =	vst v63  }
0x49: {  	s16 =	simm.s32 $0x8400  }
0x4a: {  	[tilespmem:s16], [sflag:$0x3] =	stream.indirect.gather [hbm4b:s4+s12], $0x40, s12, s12, $0xb8;
	[tilespmem:$0x1AE00] =	vst v63  }
0x4b: {  	s17 =	simm.s32 $0x100;
	s18 =	simm.s32 $0xA400  }
0x4c: {  	[tilespmem:s18], [sflag:$0x4] =	stream.indirect.gather [hbm4b:s4+s12], $0x40, s17, s12, $0xb8;
	[tilespmem:$0x1AE00] =	vst v63  }
0x4d: {  	s19 =	simm.s32 $0x180;
	s20 =	simm.s32 $0xC400  }
0x4e: {  	[tilespmem:s20], [sflag:$0x5] =	stream.indirect.gather [hbm4b:s4+s12], $0x40, s19, s12, $0xb8;
	[tilespmem:$0x1AE00] =	vst v63  }
0x4f: {  	s21 =	simm.s32 $0x200;
	s22 =	simm.s32 $0xE400;
	s16 =	simm.s32 $0x0  }
0x50: {  	[tilespmem:s22], [sflag:$0x6] =	stream.indirect.gather [hbm4b:s4+s12], $0x40, s21, s12, $0xb8;
	[tilespmem:$0x1AE00] =	vst v63  }
.LBB2_2:
0x51: {  	s6 =	simm.s32 $0x0;
	s22 =	simm.s32 $0x1;
	s17 =	simm.s32 $0x2  }
0x52: {  	v61 =	vmovc v3;
	s11 =	simm.s32 $0x3;
	s19 =	simm.s32 $0x4;
	s18 =	simm.s32 $0x7;
	v2 =	vmov s6;
	v3 =	vmov s22;
	v4 =	vmov s17  }
0x53: {  	_ =	swait.ge [sflag:s23], $0x2000;
	s20 =	simm.s32 $0x5;
	s21 =	simm.s32 $0x6;
	v5 =	vmov s11;
	v6 =	vmov s19;
	v7 =	vmov s18  }
0x54: {  	p0 =	seq.s32 s16, $0x0;
	[sflag:s23] =	ssyncset.done $0x0;
	v8 =	vmov s20;
	v9 =	vmov s21;
	v2 =	vshrl.u32 v2, $0x3  }
0x55: {  	s17 =	simm.s32 @!p0 $0x7;
	[sflag:s23] =	ssyncadd.s32 $0xFFFFE000;
	v7 =	vshrl.u32 v7, $0x3;
	v3 =	vshrl.u32 v3, $0x3;
	v4 =	vshrl.u32 v4, $0x3  }
0x56: {  	v5 =	vshrl.u32 v5, $0x3;
	v6 =	vshrl.u32 v6, $0x3;
	_ =	swait.ge @!p0 [sflag:s17], $0x2000;
	v7 =	vshll.u32 v7, v1  }
0x57: {  	v2 =	vshll.u32 v2, v1;
	v3 =	vshll.u32 v3, v1;
	[sflag:s17] =	ssyncset.done @!p0 $0x0;
	v7 =	vbroadcast v7, $0x0  }
0x58: {  	v2 =	vbroadcast v2, $0x0;
	v14 =	vbroadcast v3, $0x0;
	v3 =	vshll.u32 v4, v1;
	[sflag:s17] =	ssyncadd.s32 @!p0 $0xFFFFE000;
	s17 =	simm.s32 $0x6500  }
0x59: {  	v9 =	vshrl.u32 v9, $0x3;
	v21 =	vbroadcast v3, $0x0;
	v10 =	vld [tilespmem:s17+$0xC0];
	v11 =	vadd.s32 v57, v7  }
0x5a: {  	v3 =	vshll.u32 v5, v1;
	v5 =	vshrl.u32 v8, $0x3;
	v12 =	vld [tilespmem:s17+$0xFFFFFF00];
	v13 =	vadd.s32 v0, v2  }
0x5b: {  	v15 =	vld [tilespmem:s17+$0xFFFFFF40];
	v16 =	vadd.s32 v30, v14;
	v4 =	vbroadcast v3, $0x0;
	v3 =	vshll.u32 v6, v1  }
0x5c: {  	v17 =	vld [tilespmem:s17+$0xFFFFFF80];
	v5 =	vshll.u32 v5, v1;
	v18 =	vadd.s32 v32, v21;
	v3 =	vbroadcast v3, $0x0  }
0x5d: {  	v8 =	vld [tilespmem:s17+$0xFFFFFFC0];
	v6 =	vbroadcast v5, $0x0;
	v5 =	vshll.u32 v9, v1;
	v19 =	vadd.s32 v41, v4  }
0x5e: {  	v20 =	vld [tilespmem:s17+$0x0];
	v5 =	vbroadcast v5, $0x0;
	v22 =	vadd.s32 v45, v3;
	[tilespmem:v11+s24+$0x0] =	vst.idx.msk $0xffff, v10  }
0x5f: {  	[tilespmem:v13+s24+$0x0] =	vst.idx.msk $0xffff, v12;
	v11 =	vld [tilespmem:s17+$0x40];
	v12 =	vadd.s32 v49, v6  }
0x60: {  	[tilespmem:v16+s24+$0x0] =	vst.idx.msk $0xffff, v15;
	v13 =	vld [tilespmem:s17+$0x80];
	v15 =	vadd.s32 v53, v5  }
0x61: {  	v10 =	vadd.s32 v58, v7;
	v9 =	vld [tilespmem:s17+$0xD0];
	[tilespmem:v18+s24+$0x0] =	vst.idx.msk $0xffff, v17  }
0x62: {  	v16 =	vld [tilespmem:s17+$0xFFFFFF50];
	v17 =	vadd.s32 v23, v14;
	[tilespmem:v19+s24+$0x0] =	vst.idx.msk $0xffff, v8  }
0x63: {  	v18 =	vadd.s32 v35, v21;
	v8 =	vld [tilespmem:s17+$0xFFFFFF90];
	[tilespmem:v22+s24+$0x0] =	vst.idx.msk $0xffff, v20  }
0x64: {  	v19 =	vld [tilespmem:s17+$0xFFFFFFD0];
	v20 =	vadd.s32 v42, v4;
	[tilespmem:v12+s24+$0x0] =	vst.idx.msk $0xffff, v11  }
0x65: {  	v11 =	vld [tilespmem:s17+$0x10];
	v12 =	vadd.s32 v46, v3;
	[tilespmem:v15+s24+$0x0] =	vst.idx.msk $0xffff, v13  }
0x66: {  	v15 =	vadd.s32 v50, v6;
	[tilespmem:v10+s24+$0x0] =	vst.idx.msk $0xffff, v9;
	v13 =	vld [tilespmem:s17+$0x50]  }
0x67: {  	v10 =	vadd.s32 v59, v7;
	[tilespmem:v17+s24+$0x0] =	vst.idx.msk $0xffff, v16;
	v9 =	vld [tilespmem:s17+$0xE0]  }
0x68: {  	v16 =	vadd.s32 v54, v5;
	[tilespmem:v18+s24+$0x0] =	vst.idx.msk $0xffff, v8;
	v8 =	vld [tilespmem:s17+$0x90]  }
0x69: {  	v17 =	vld [tilespmem:s17+$0xFFFFFF10];
	v18 =	vadd.s32 v38, v2;
	[tilespmem:v20+s24+$0x0] =	vst.idx.msk $0xffff, v19  }
0x6a: {  	v19 =	vld [tilespmem:s17+$0xFFFFFF60];
	v20 =	vadd.s32 v33, v14;
	[tilespmem:v12+s24+$0x0] =	vst.idx.msk $0xffff, v11  }
0x6b: {  	v25 =	vadd.s32 v31, v21;
	v24 =	vld [tilespmem:s17+$0xFFFFFFA0];
	[tilespmem:v15+s24+$0x0] =	vst.idx.msk $0xffff, v13  }
0x6c: {  	v27 =	vadd.s32 v43, v4;
	v26 =	vld [tilespmem:s17+$0xFFFFFFE0];
	[tilespmem:v10+s24+$0x0] =	vst.idx.msk $0xffff, v9  }
0x6d: {  	v29 =	vadd.s32 v47, v3;
	v28 =	vld [tilespmem:s17+$0x20];
	[tilespmem:v16+s24+$0x0] =	vst.idx.msk $0xffff, v8  }
0x6e: {  	v63 =	vmov v23;
	s11 =	simm.s32 $0x9;
	v7 =	vadd.s32 v60, v7;
	[tilespmem:v18+s24+$0x0] =	vst.idx.msk $0xffff, v17;
	v23 =	vld [tilespmem:s17+$0xF0]  }
0x6f: {  	s22 =	simm.s32 $0x8;
	s19 =	simm.s32 $0xB;
	v22 =	vmov s11;
	v9 =	vld [tilespmem:s17+$0x60];
	v10 =	vadd.s32 v51, v6;
	[tilespmem:v20+s24+$0x0] =	vst.idx.msk $0xffff, v19  }
0x70: {  	s20 =	simm.s32 $0xC;
	v12 =	vadd.s32 v55, v5;
	v13 =	vmov s19;
	v8 =	vmov s22;
	v11 =	vld [tilespmem:s17+$0xA0];
	[tilespmem:v25+s24+$0x0] =	vst.idx.msk $0xffff, v24  }
0x71: {  	v17 =	vadd.s32 v61, v2;
	v16 =	vmov s20;
	s22 =	simm.s32 $0xE;
	v8 =	vshrl.u32 v8, $0x3;
	v15 =	vld [tilespmem:s17+$0xFFFFFF20];
	[tilespmem:v27+s24+$0x0] =	vst.idx.msk $0xffff, v26  }
0x72: {  	s18 =	simm.s32 $0xA;
	s21 =	simm.s32 $0xD;
	v20 =	vadd.s32 v36, v14;
	v18 =	vld [tilespmem:s17+$0xFFFFFF70];
	v14 =	vshll.u32 v8, v1;
	v8 =	vmov s22;
	[tilespmem:v29+s24+$0x0] =	vst.idx.msk $0xffff, v28  }
0x73: {  	v21 =	vadd.s32 v40, v21;
	s19 =	simm.s32 $0xF;
	v19 =	vld [tilespmem:s17+$0xFFFFFFB0];
	[tilespmem:v7+s24+$0x0] =	vst.idx.msk $0xffff, v23;
	v23 =	vmov s18;
	v7 =	vmov s21;
	s18 =	simm.s32 $0x10  }
.LBB2_3:
0x74: {  	p1 =	slt.u32 s18, $0x78;
	v22 =	vshrl.u32 v22, $0x3;
	v24 =	vmov s19;
	v25 =	vld [tilespmem:s17+$0xFFFFFFF0];
	v4 =	vadd.s32 v44, v4;
	[tilespmem:v10+s24+$0x0] =	vst.idx.msk $0xffff, v9  }
0x75: {  	v9 =	vshrl.u32 v23, $0x3;
	v3 =	vadd.s32 v48, v3;
	v10 =	vshrl.u32 v24, $0x3;
	v23 =	vld [tilespmem:s17+$0x30];
	[tilespmem:v12+s24+$0x0] =	vst.idx.msk $0xffff, v11  }
0x76: {  	v6 =	vadd.s32 v52, v6;
	v11 =	vshrl.u32 v13, $0x3;
	v10 =	vshll.u32 v10, v1;
	[tilespmem:v17+s24+$0x0] =	vst.idx.msk $0xffff, v15;
	v12 =	vld [tilespmem:s17+$0x70]  }
0x77: {  	v5 =	vadd.s32 v56, v5;
	v13 =	vshrl.u32 v16, $0x3;
	v10 =	vbroadcast v10, $0x0;
	[tilespmem:v20+s24+$0x0] =	vst.idx.msk $0xffff, v18;
	v15 =	vld [tilespmem:s17+$0xB0]  }
0x78: {  	v16 =	vshll.u32 v22, v1;
	v18 =	vadd.s32 v39, v2;
	v2 =	vbroadcast v14, $0x0;
	v17 =	vld [tilespmem:s17+$0xFFFFFF30];
	[tilespmem:v21+s24+$0x0] =	vst.idx.msk $0xffff, v19;
	s17 =	sadd.s32 $0x200, s17  }
0x79: {  	v9 =	vshll.u32 v9, v1;
	v14 =	vbroadcast v16, $0x0;
	v16 =	vld [tilespmem:s17+$0xC0];
	v19 =	vadd.s32 v57, v10;
	[tilespmem:v4+s24+$0x0] =	vst.idx.msk $0xffff, v25  }
0x7a: {  	v24 =	vbroadcast v9, $0x0;
	v21 =	vadd.s32 v0, v2;
	v4 =	vshll.u32 v11, v1;
	v20 =	vld [tilespmem:s17+$0xFFFFFF00];
	[tilespmem:v3+s24+$0x0] =	vst.idx.msk $0xffff, v23  }
0x7b: {  	v11 =	vadd.s32 v30, v14;
	v4 =	vbroadcast v4, $0x0;
	v3 =	vshll.u32 v13, v1;
	v9 =	vld [tilespmem:s17+$0xFFFFFF40];
	[tilespmem:v6+s24+$0x0] =	vst.idx.msk $0xffff, v12  }
0x7c: {  	v13 =	vadd.s32 v32, v24;
	v3 =	vbroadcast v3, $0x0;
	v6 =	vshrl.u32 v7, $0x3;
	v12 =	vld [tilespmem:s17+$0xFFFFFF80];
	[tilespmem:v5+s24+$0x0] =	vst.idx.msk $0xffff, v15  }
0x7d: {  	v8 =	vshrl.u32 v8, $0x3;
	v15 =	vadd.s32 v41, v4;
	v5 =	vshll.u32 v6, v1;
	v7 =	vld [tilespmem:s17+$0xFFFFFFC0];
	[tilespmem:v18+s24+$0x0] =	vst.idx.msk $0xffff, v17  }
0x7e: {  	v18 =	vadd.s32 v45, v3;
	v6 =	vbroadcast v5, $0x0;
	v5 =	vshll.u32 v8, v1;
	v17 =	vld [tilespmem:s17+$0x0];
	[tilespmem:v19+s24+$0x0] =	vst.idx.msk $0xffff, v16  }
0x7f: {  	v5 =	vbroadcast v5, $0x0;
	v16 =	vadd.s32 v58, v10;
	[tilespmem:v21+s24+$0x0] =	vst.idx.msk $0xffff, v20;
	v8 =	vld [tilespmem:s17+$0xD0]  }
0x80: {  	[tilespmem:v11+s24+$0x0] =	vst.idx.msk $0xffff, v9;
	v9 =	vld [tilespmem:s17+$0x40];
	v11 =	vadd.s32 v49, v6  }
0x81: {  	[tilespmem:v13+s24+$0x0] =	vst.idx.msk $0xffff, v12;
	v12 =	vld [tilespmem:s17+$0x80];
	v13 =	vadd.s32 v53, v5  }
0x82: {  	v20 =	vadd.s32 v63, v14;
	v19 =	vld [tilespmem:s17+$0xFFFFFF50];
	[tilespmem:v15+s24+$0x0] =	vst.idx.msk $0xffff, v7  }
0x83: {  	v15 =	vadd.s32 v35, v24;
	v7 =	vld [tilespmem:s17+$0xFFFFFF90];
	[tilespmem:v18+s24+$0x0] =	vst.idx.msk $0xffff, v17  }
0x84: {  	v18 =	vadd.s32 v42, v4;
	v17 =	vld [tilespmem:s17+$0xFFFFFFD0];
	[tilespmem:v16+s24+$0x0] =	vst.idx.msk $0xffff, v8  }
0x85: {  	[tilespmem:v11+s24+$0x0] =	vst.idx.msk $0xffff, v9;
	v8 =	vld [tilespmem:s17+$0xE0];
	v9 =	vadd.s32 v59, v10  }
0x86: {  	v16 =	vadd.s32 v46, v3;
	v11 =	vld [tilespmem:s17+$0x10];
	[tilespmem:v13+s24+$0x0] =	vst.idx.msk $0xffff, v12  }
0x87: {  	v13 =	vadd.s32 v50, v6;
	[tilespmem:v20+s24+$0x0] =	vst.idx.msk $0xffff, v19;
	v12 =	vld [tilespmem:s17+$0x50]  }
0x88: {  	[tilespmem:v15+s24+$0x0] =	vst.idx.msk $0xffff, v7;
	v7 =	vld [tilespmem:s17+$0x90];
	v15 =	vadd.s32 v54, v5  }
0x89: {  	v20 =	vadd.s32 v38, v2;
	v19 =	vld [tilespmem:s17+$0xFFFFFF10];
	[tilespmem:v18+s24+$0x0] =	vst.idx.msk $0xffff, v17  }
0x8a: {  	v18 =	vadd.s32 v33, v14;
	v17 =	vld [tilespmem:s17+$0xFFFFFF60];
	[tilespmem:v9+s24+$0x0] =	vst.idx.msk $0xffff, v8  }
0x8b: {  	[tilespmem:v16+s24+$0x0] =	vst.idx.msk $0xffff, v11;
	v8 =	vld [tilespmem:s17+$0xF0];
	v16 =	vadd.s32 v60, v10  }
0x8c: {  	v25 =	vadd.s32 v31, v24;
	v21 =	vld [tilespmem:s17+$0xFFFFFFA0];
	[tilespmem:v13+s24+$0x0] =	vst.idx.msk $0xffff, v12  }
0x8d: {  	v27 =	vadd.s32 v43, v4;
	v26 =	vld [tilespmem:s17+$0xFFFFFFE0];
	[tilespmem:v15+s24+$0x0] =	vst.idx.msk $0xffff, v7  }
0x8e: {  	v29 =	vadd.s32 v47, v3;
	[tilespmem:v20+s24+$0x0] =	vst.idx.msk $0xffff, v19;
	v28 =	vld [tilespmem:s17+$0x20]  }
.Ltmp0:
0x8f: {  	s6 =	sadd.s32 $0x1, s18;
	v10 =	vadd.s32 v51, v6;
	v7 =	vmov s18;
	[tilespmem:v18+s24+$0x0] =	vst.idx.msk $0xffff, v17;
	v9 =	vld [tilespmem:s17+$0x60];
	(pc) =	sbr.rel @p1 .LBB2_3-.Ltmp0, $4  }
0x90: {  	s19 =	sadd.s32 $0x3, s18;
	v22 =	vmov s6;
	s6 =	sadd.s32 $0x2, s18;
	v12 =	vadd.s32 v55, v5;
	v19 =	vshrl.u32 v7, $0x3;
	v11 =	vld [tilespmem:s17+$0xA0];
	[tilespmem:v16+s24+$0x0] =	vst.idx.msk $0xffff, v8  }
0x91: {  	v23 =	vmov s6;
	s6 =	sadd.s32 $0x4, s18;
	v13 =	vmov s19;
	s19 =	sadd.s32 $0x5, s18;
	v17 =	vadd.s32 v61, v2;
	v15 =	vld [tilespmem:s17+$0xFFFFFF20];
	[tilespmem:v25+s24+$0x0] =	vst.idx.msk $0xffff, v21  }
0x92: {  	v7 =	vmov s19;
	v20 =	vadd.s32 v36, v14;
	v16 =	vmov s6;
	s6 =	sadd.s32 $0x6, s18;
	v18 =	vld [tilespmem:s17+$0xFFFFFF70];
	[tilespmem:v27+s24+$0x0] =	vst.idx.msk $0xffff, v26  }
0x93: {  	s19 =	sadd.s32 $0x7, s18;
	v14 =	vshll.u32 v19, v1;
	s18 =	sadd.s32 $0x8, s18;
	v8 =	vmov s6;
	v21 =	vadd.s32 v40, v24;
	v19 =	vld [tilespmem:s17+$0xFFFFFFB0];
	[tilespmem:v29+s24+$0x0] =	vst.idx.msk $0xffff, v28  }
0x94: {  	_ =	sdelay $0x2  }
0x95: {  	v22 =	vshrl.u32 v22, $0x3  }
0x96: {  	v24 =	vmov s19;
	v25 =	vld [tilespmem:s17+$0xFFFFFFF0];
	v4 =	vadd.s32 v44, v4;
	[tilespmem:v10+s24+$0x0] =	vst.idx.msk $0xffff, v9;
	v9 =	vshrl.u32 v23, $0x3  }
0x97: {  	v23 =	vld [tilespmem:s17+$0x30];
	v3 =	vadd.s32 v48, v3;
	v34 =	vshrl.u32 v13, $0x3;
	v26 =	vshrl.u32 v24, $0x3;
	[tilespmem:v12+s24+$0x0] =	vst.idx.msk $0xffff, v11  }
0x98: {  	v6 =	vadd.s32 v52, v6;
	v37 =	vshrl.u32 v16, $0x3;
	v12 =	vld [tilespmem:s17+$0x70];
	v10 =	vshll.u32 v26, v1;
	[tilespmem:v17+s24+$0x0] =	vst.idx.msk $0xffff, v15  }
0x99: {  	v5 =	vadd.s32 v56, v5;
	v24 =	vshll.u32 v22, v1;
	v62 =	vld [tilespmem:s17+$0xB0];
	v10 =	vbroadcast v10, $0x0;
	[tilespmem:v20+s24+$0x0] =	vst.idx.msk $0xffff, v18  }
0x9a: {  	v14 =	vbroadcast v14, $0x0;
	v2 =	vadd.s32 v39, v2;
	s19 =	sadd.s32 $0x200, s17;
	v16 =	vbroadcast v24, $0x0;
	v17 =	vld [tilespmem:s17+$0xFFFFFF30];
	[tilespmem:v21+s24+$0x0] =	vst.idx.msk $0xffff, v19  }
0x9b: {  	v7 =	vshrl.u32 v7, $0x3;
	v9 =	vshll.u32 v9, v1;
	v18 =	vld [tilespmem:s19+$0xC0];
	v19 =	vadd.s32 v57, v10;
	[tilespmem:v4+s24+$0x0] =	vst.idx.msk $0xffff, v25  }
0x9c: {  	v11 =	vshll.u32 v34, v1;
	v9 =	vbroadcast v9, $0x0;
	v34 =	vadd.s32 v30, v16;
	[tilespmem:v3+s24+$0x0] =	vst.idx.msk $0xffff, v23;
	v3 =	vld [tilespmem:s19+$0xFFFFFF40]  }
0x9d: {  	v13 =	vshll.u32 v37, v1;
	v26 =	vadd.s32 v0, v14;
	v11 =	vbroadcast v11, $0x0;
	v4 =	vld [tilespmem:s19+$0xFFFFFF00];
	[tilespmem:v6+s24+$0x0] =	vst.idx.msk $0xffff, v12  }
0x9e: {  	v37 =	vld [tilespmem:s19+$0xFFFFFF80];
	v7 =	vshll.u32 v7, v1;
	v13 =	vbroadcast v13, $0x0;
	v57 =	vadd.s32 v32, v9;
	[tilespmem:v5+s24+$0x0] =	vst.idx.msk $0xffff, v62  }
0x9f: {  	v7 =	vbroadcast v7, $0x0;
	v24 =	vadd.s32 v41, v11;
	v62 =	vld [tilespmem:s19+$0xFFFFFFC0];
	[tilespmem:v2+s24+$0x0] =	vst.idx.msk $0xffff, v17  }
0xa0: {  	v8 =	vshrl.u32 v8, $0x3;
	v25 =	vadd.s32 v45, v13;
	v2 =	vld [tilespmem:s19+$0x0];
	[tilespmem:v19+s24+$0x0] =	vst.idx.msk $0xffff, v18  }
0xa1: {  	v8 =	vshll.u32 v8, v1;
	[tilespmem:v34+s24+$0x0] =	vst.idx.msk $0xffff, v3;
	v3 =	vld [tilespmem:s19+$0x40];
	v34 =	vadd.s32 v49, v7  }
0xa2: {  	v32 =	vadd.s32 v58, v10;
	[tilespmem:v26+s24+$0x0] =	vst.idx.msk $0xffff, v4;
	v4 =	vbroadcast v8, $0x0;
	v26 =	vld [tilespmem:s19+$0xD0]  }
0xa3: {  	[tilespmem:v57+s24+$0x0] =	vst.idx.msk $0xffff, v37;
	v49 =	vadd.s32 v63, v16;
	v45 =	vld [tilespmem:s19+$0xFFFFFF50]  }
0xa4: {  	v37 =	vld [tilespmem:s19+$0x80];
	v41 =	vadd.s32 v53, v4;
	[tilespmem:v24+s24+$0x0] =	vst.idx.msk $0xffff, v62  }
0xa5: {  	v57 =	vadd.s32 v35, v9;
	v53 =	vld [tilespmem:s19+$0xFFFFFF90];
	[tilespmem:v25+s24+$0x0] =	vst.idx.msk $0xffff, v2  }
0xa6: {  	v58 =	vadd.s32 v42, v11;
	v2 =	vld [tilespmem:s19+$0xFFFFFFD0];
	[tilespmem:v34+s24+$0x0] =	vst.idx.msk $0xffff, v3  }
0xa7: {  	v63 =	vadd.s32 v46, v13;
	v62 =	vld [tilespmem:s19+$0x10];
	[tilespmem:v32+s24+$0x0] =	vst.idx.msk $0xffff, v26  }
0xa8: {  	v35 =	vadd.s32 v38, v14;
	v34 =	vld [tilespmem:s19+$0xFFFFFF10];
	[tilespmem:v49+s24+$0x0] =	vst.idx.msk $0xffff, v45  }
0xa9: {  	v59 =	vadd.s32 v59, v10;
	v3 =	vld [tilespmem:s19+$0xE0];
	[tilespmem:v41+s24+$0x0] =	vst.idx.msk $0xffff, v37  }
0xaa: {  	v25 =	vadd.s32 v50, v7;
	v24 =	vld [tilespmem:s19+$0x50];
	[tilespmem:v57+s24+$0x0] =	vst.idx.msk $0xffff, v53  }
0xab: {  	v32 =	vadd.s32 v54, v4;
	v26 =	vld [tilespmem:s19+$0x90];
	[tilespmem:v58+s24+$0x0] =	vst.idx.msk $0xffff, v2  }
0xac: {  	v37 =	vadd.s32 v33, v16;
	v2 =	vld [tilespmem:s19+$0xFFFFFF60];
	[tilespmem:v63+s24+$0x0] =	vst.idx.msk $0xffff, v62  }
0xad: {  	v42 =	vadd.s32 v31, v9;
	v41 =	vld [tilespmem:s19+$0xFFFFFFA0];
	[tilespmem:v35+s24+$0x0] =	vst.idx.msk $0xffff, v34  }
0xae: {  	v46 =	vadd.s32 v43, v11;
	v45 =	vld [tilespmem:s19+$0xFFFFFFE0];
	[tilespmem:v59+s24+$0x0] =	vst.idx.msk $0xffff, v3  }
0xaf: {  	v38 =	vadd.s32 v60, v10;
	[tilespmem:v25+s24+$0x0] =	vst.idx.msk $0xffff, v24;
	v3 =	vld [tilespmem:s19+$0xF0]  }
0xb0: {  	v50 =	vadd.s32 v47, v13;
	v49 =	vld [tilespmem:s19+$0x20];
	[tilespmem:v32+s24+$0x0] =	vst.idx.msk $0xffff, v26  }
0xb1: {  	v51 =	vadd.s32 v51, v7;
	[tilespmem:v37+s24+$0x0] =	vst.idx.msk $0xffff, v2;
	v2 =	vld [tilespmem:s19+$0x60]  }
0xb2: {  	v54 =	vadd.s32 v55, v4;
	[tilespmem:v42+s24+$0x0] =	vst.idx.msk $0xffff, v41;
	v53 =	vld [tilespmem:s19+$0xA0]  }
0xb3: {  	v16 =	vadd.s32 v36, v16;
	v57 =	vld [tilespmem:s19+$0xFFFFFF70];
	[tilespmem:v46+s24+$0x0] =	vst.idx.msk $0xffff, v45  }
0xb4: {  	v55 =	vadd.s32 v61, v14;
	[tilespmem:v38+s24+$0x0] =	vst.idx.msk $0xffff, v3;
	v3 =	vld [tilespmem:s19+$0xFFFFFF20]  }
0xb5: {  	v9 =	vadd.s32 v40, v9;
	v58 =	vld [tilespmem:s19+$0xFFFFFFB0];
	[tilespmem:v50+s24+$0x0] =	vst.idx.msk $0xffff, v49  }
0xb6: {  	v11 =	vadd.s32 v44, v11;
	v59 =	vld [tilespmem:s19+$0xFFFFFFF0];
	[tilespmem:v51+s24+$0x0] =	vst.idx.msk $0xffff, v2  }
0xb7: {  	v60 =	vadd.s32 v48, v13;
	v2 =	vld [tilespmem:s19+$0x30];
	[tilespmem:v54+s24+$0x0] =	vst.idx.msk $0xffff, v53  }
0xb8: {  	v4 =	vadd.s32 v56, v4;
	[tilespmem:v16+s24+$0x0] =	vst.idx.msk $0xffff, v57;
	v61 =	vld [tilespmem:s19+$0xB0]  }
0xb9: {  	v7 =	vadd.s32 v52, v7;
	[tilespmem:v55+s24+$0x0] =	vst.idx.msk $0xffff, v3;
	v3 =	vld [tilespmem:s19+$0x70]  }
0xba: {  	v63 =	vadd.s32 v39, v14;
	[tilespmem:v9+s24+$0x0] =	vst.idx.msk $0xffff, v58;
	v62 =	vld [tilespmem:s19+$0xFFFFFF30]  }
0xbb: {  	p1 =	seq.s32 s16, $0x27;
	[tilespmem:v11+s24+$0x0] =	vst.idx.msk $0xffff, v59  }
0xbc: {  	s6 =	smul.u32 @!p1 $0xA00, s16;
	[tilespmem:v60+s24+$0x0] =	vst.idx.msk $0xffff, v2  }
0xbd: {  	[tilespmem:v4+s24+$0x0] =	vst.idx.msk $0xffff, v61  }
0xbe: {  	s18 =	smul.u32 $0x140000, s16;
	s17 =	sshra.s32 @!p1 s6, $0x2;
	[tilespmem:v7+s24+$0x0] =	vst.idx.msk $0xffff, v3  }
0xbf: {  	s20 =	simm.s32 @!p1 $0x6400;
	s6 =	sadd.s32 @!p1 $0x280, s17;
	s19 =	simm.s32 @!p1 $0x80;
	[tilespmem:v63+s24+$0x0] =	vst.idx.msk $0xffff, v62  }
0xc0: {  	[tilespmem:s20], [sflag:$0x2] =	stream.indirect.gather @!p1 [hbm4b:s4+s19], $0x40, s6, s19, $0xb8;
	[tilespmem:$0x1AE00] =	vst v63  }
0xc1: {  	s20 =	sor.u32 s5, s18  }
0xc2: {  	s6 =	sshrl.u32 s20, $0x3  }
0xc3: {  	s21 =	simm.s32 $0x10400;
	s20 =	sadd.s32 s1, s6  }
0xc4: {  	[hbm4b:s20+s2] =	stream.linear.scatter [tilespmem:s21], [sflag:$0x7], $0x80, $0x38;
	[tilespmem:$0x1AE00] =	vst v63  }
0xc5: {  	s22 =	simm.s32 $0x10488;
	s11 =	sadd.s32 $0x10, s20  }
0xc6: {  	[hbm4b:s11+s2] =	stream.linear.scatter [tilespmem:s22], [sflag:$0x7], $0x80, $0x38;
	[tilespmem:$0x1AE00] =	vst v63  }
0xc7: {  	s19 =	simm.s32 $0x10510;
	s21 =	sadd.s32 $0x20, s20  }
0xc8: {  	[hbm4b:s21+s2] =	stream.linear.scatter [tilespmem:s19], [sflag:$0x7], $0x80, $0x38;
	[tilespmem:$0x1AE00] =	vst v63  }
0xc9: {  	s22 =	simm.s32 $0x10598;
	s11 =	sadd.s32 $0x30, s20  }
0xca: {  	[hbm4b:s11+s2] =	stream.linear.scatter [tilespmem:s22], [sflag:$0x7], $0x80, $0x38;
	[tilespmem:$0x1AE00] =	vst v63  }
0xcb: {  	s19 =	simm.s32 $0x10620;
	s21 =	sadd.s32 $0x40, s20  }
0xcc: {  	[hbm4b:s21+s2] =	stream.linear.scatter [tilespmem:s19], [sflag:$0x7], $0x80, $0x38;
	[tilespmem:$0x1AE00] =	vst v63  }
0xcd: {  	s6 =	sadd.s32 $0x70, s20;
	s22 =	simm.s32 $0x106A8;
	s11 =	sadd.s32 $0x50, s20  }
0xce: {  	[hbm4b:s11+s2] =	stream.linear.scatter [tilespmem:s22], [sflag:$0x7], $0x80, $0x38;
	[tilespmem:$0x1AE00] =	vst v63  }
0xcf: {  	s21 =	simm.s32 $0x10730;
	s19 =	simm.s32 $0x440;
	s22 =	sadd.s32 $0x60, s20  }
0xd0: {  	[hbm4b:s22+s2] =	stream.linear.scatter [tilespmem:s21], [sflag:$0x7], $0x80, $0x38;
	[tilespmem:$0x1AE00] =	vst v63  }
0xd1: {  	v28 =	vld [tilespmem:$0x1FC50];
	s20 =	sadd.s32 $0x1000, s20;
	s21 =	simm.s32 $0x2200;
	s22 =	simm.s32 $0x107B8  }
.LBB2_5:
0xd2: {  	[hbm4b:s6+s2] =	stream.linear.scatter [tilespmem:s22], [sflag:$0x7], $0x80, $0x38;
	[tilespmem:$0x1AE00] =	vst v63  }
0xd3: {  	s6 =	smov.u32 s19;
	s19 =	smov.u32 s21  }
0xd4: {  	s11 =	sadd.s32 $0x1100, s21;
	s19 =	sshra.s32 s19, $0x2;
	s22 =	sadd.s32 $0x10400, s6  }
0xd5: {  	[hbm4b:s20+s2] =	stream.linear.scatter [tilespmem:s22], [sflag:$0x7], $0x80, $0x38;
	[tilespmem:$0x1AE00] =	vst v63  }
0xd6: {  	p2 =	sne.s32 s21, $0x7700;
	s21 =	sadd.s32 $0x10488, s6;
	s22 =	sadd.s32 $0x10, s20  }
0xd7: {  	[hbm4b:s22+s2] =	stream.linear.scatter [tilespmem:s21], [sflag:$0x7], $0x80, $0x38;
	[tilespmem:$0x1AE00] =	vst v63  }
0xd8: {  	s21 =	sadd.s32 $0x10510, s6;
	s22 =	sadd.s32 $0x20, s20  }
0xd9: {  	[hbm4b:s22+s2] =	stream.linear.scatter [tilespmem:s21], [sflag:$0x7], $0x80, $0x38;
	[tilespmem:$0x1AE00] =	vst v63  }
0xda: {  	s21 =	sadd.s32 $0x10598, s6;
	s22 =	sadd.s32 $0x30, s20  }
0xdb: {  	[hbm4b:s22+s2] =	stream.linear.scatter [tilespmem:s21], [sflag:$0x7], $0x80, $0x38;
	[tilespmem:$0x1AE00] =	vst v63  }
0xdc: {  	s21 =	sadd.s32 $0x10620, s6;
	s22 =	sadd.s32 $0x40, s20  }
0xdd: {  	[hbm4b:s22+s2] =	stream.linear.scatter [tilespmem:s21], [sflag:$0x7], $0x80, $0x38;
	[tilespmem:$0x1AE00] =	vst v63  }
0xde: {  	s21 =	sadd.s32 $0x106A8, s6;
	s22 =	sadd.s32 $0x50, s20  }
0xdf: {  	[hbm4b:s22+s2] =	stream.linear.scatter [tilespmem:s21], [sflag:$0x7], $0x80, $0x38;
	[tilespmem:$0x1AE00] =	vst v63  }
.Ltmp1:
0xe0: {  	_ = 	snop;
	(pc) =	sbr.rel @p2 .LBB2_5-.Ltmp1, $4  }
0xe1: {  	s21 =	sadd.s32 $0x10730, s6;
	s22 =	sadd.s32 $0x60, s20  }
0xe2: {  	[hbm4b:s22+s2] =	stream.linear.scatter [tilespmem:s21], [sflag:$0x7], $0x80, $0x38;
	[tilespmem:$0x1AE00] =	vst v63  }
0xe3: {  	s22 =	sadd.s32 $0x107B8, s6  }
0xe4: {  	s6 =	sadd.s32 $0x70, s20;
	s20 =	sadd.s32 $0x1000, s20;
	s21 =	smov.u32 s11  }
0xe5: {  	[hbm4b:s6+s2] =	stream.linear.scatter [tilespmem:s22], [sflag:$0x7], $0x80, $0x38;
	[tilespmem:$0x1AE00] =	vst v63  }
0xe6: {  	s21 =	sadd.s32 $0x10400, s19  }
0xe7: {  	[hbm4b:s20+s2] =	stream.linear.scatter [tilespmem:s21], [sflag:$0x7], $0x80, $0x38;
	[tilespmem:$0x1AE00] =	vst v63  }
0xe8: {  	s22 =	sadd.s32 $0x10488, s19;
	s11 =	sadd.s32 $0x10, s20  }
0xe9: {  	[hbm4b:s11+s2] =	stream.linear.scatter [tilespmem:s22], [sflag:$0x7], $0x80, $0x38;
	[tilespmem:$0x1AE00] =	vst v63  }
0xea: {  	s21 =	sadd.s32 $0x10510, s19;
	s22 =	sadd.s32 $0x20, s20  }
0xeb: {  	[hbm4b:s22+s2] =	stream.linear.scatter [tilespmem:s21], [sflag:$0x7], $0x80, $0x38;
	[tilespmem:$0x1AE00] =	vst v63  }
0xec: {  	s21 =	sadd.s32 $0x10598, s19;
	s22 =	sadd.s32 $0x30, s20  }
0xed: {  	[hbm4b:s22+s2] =	stream.linear.scatter [tilespmem:s21], [sflag:$0x7], $0x80, $0x38;
	[tilespmem:$0x1AE00] =	vst v63  }
0xee: {  	s21 =	sadd.s32 $0x10620, s19;
	s22 =	sadd.s32 $0x40, s20  }
0xef: {  	[hbm4b:s22+s2] =	stream.linear.scatter [tilespmem:s21], [sflag:$0x7], $0x80, $0x38;
	[tilespmem:$0x1AE00] =	vst v63  }
0xf0: {  	s21 =	sadd.s32 $0x106A8, s19;
	s22 =	sadd.s32 $0x50, s20  }
0xf1: {  	[hbm4b:s22+s2] =	stream.linear.scatter [tilespmem:s21], [sflag:$0x7], $0x80, $0x38;
	[tilespmem:$0x1AE00] =	vst v63  }
0xf2: {  	s21 =	sadd.s32 $0x10730, s19;
	s22 =	sadd.s32 $0x60, s20  }
0xf3: {  	[hbm4b:s22+s2] =	stream.linear.scatter [tilespmem:s21], [sflag:$0x7], $0x80, $0x38;
	[tilespmem:$0x1AE00] =	vst v63  }
0xf4: {  	s21 =	sadd.s32 $0x107B8, s19;
	s22 =	sadd.s32 $0x70, s20  }
0xf5: {  	[hbm4b:s22+s2] =	stream.linear.scatter [tilespmem:s21], [sflag:$0x7], $0x80, $0x38;
	[tilespmem:$0x1AE00] =	vst v63  }
0xf6: {  	_ =	swait.ge [sflag:s25], $0x2000  }
0xf7: {  	[sflag:s25] =	ssyncset.done $0x0  }
0xf8: {  	s6 =	simm.s32 @!p0 $0x8;
	[sflag:s25] =	ssyncadd.s32 $0xFFFFE000  }
0xf9: {  	s20 =	simm.s32 $0x0;
	_ =	swait.ge @!p0 [sflag:s6], $0x2000  }
0xfa: {  	v2 =	vmov s20;
	v34 =	vld [tilespmem:$0x1FF80]  }
0xfb: {  	v2 =	vshrl.u32 v2, $0x3;
	v25 =	vld [tilespmem:$0x1FC20]  }
0xfc: {  	v2 =	vshll.u32 v2, $0x3;
	v61 =	vld [tilespmem:$0x1FFE0]  }
0xfd: {  	v2 =	vbroadcast v2, $0x0;
	[sflag:s6] =	ssyncset.done @!p0 $0x0;
	v23 =	vld [tilespmem:$0x1FCA0]  }
0xfe: {  	s19 =	simm.s32 $0x85F0;
	v58 =	vld [tilespmem:$0x1FD10];
	[sflag:s6] =	ssyncadd.s32 @!p0 $0xFFFFE000  }
0xff: {  	v5 =	vld [tilespmem:s19+$0xFFFFFF90];
	v6 =	vadd.s32 v34, v2  }
0x100: {  	v8 =	vld [tilespmem:s19+$0xFFFFFE10];
	v7 =	vadd.s32 v25, v2  }
0x101: {  	v29 =	vld [tilespmem:$0x1FC60]  }
0x102: {  	v10 =	vld [tilespmem:s19+$0xFFFFFF50];
	v9 =	vadd.s32 v61, v2  }
0x103: {  	v12 =	vld [tilespmem:s19+$0xFFFFFE90];
	v11 =	vadd.s32 v23, v2  }
0x104: {  	v14 =	vld [tilespmem:s19+$0xFFFFFF10];
	v13 =	vadd.s32 v58, v2;
	[tilespmem:v6+s24+$0x0] =	vst.idx.msk $0xffff, v5  }
0x105: {  	v16 =	vld [tilespmem:s19+$0xFFFFFE50];
	[tilespmem:v7+s24+$0x0] =	vst.idx.msk $0xffff, v8  }
0x106: {  	v35 =	vld [tilespmem:$0x1FFC0]  }
0x107: {  	v31 =	vld [tilespmem:$0x1FCE0];
	[tilespmem:v9+s24+$0x0] =	vst.idx.msk $0xffff, v10  }
0x108: {  	v15 =	vadd.s32 v29, v2;
	v26 =	vld [tilespmem:$0x1FC30];
	[tilespmem:v11+s24+$0x0] =	vst.idx.msk $0xffff, v12  }
0x109: {  	v3 =	vld [tilespmem:s19+$0xFFFFFED0];
	[tilespmem:v13+s24+$0x0] =	vst.idx.msk $0xffff, v14  }
0x10a: {  	v38 =	vld [tilespmem:$0x1FF90]  }
0x10b: {  	v4 =	vld [tilespmem:s19+$0xFFFFFFD0];
	v6 =	vadd.s32 v35, v2  }
0x10c: {  	v5 =	vld [tilespmem:s19+$0xFFFFFFA0];
	v8 =	vadd.s32 v31, v2  }
0x10d: {  	v17 =	vld [tilespmem:s19+$0xFFFFFE20];
	[tilespmem:v15+s24+$0x0] =	vst.idx.msk $0xffff, v16;
	v9 =	vadd.s32 v26, v2  }
0x10e: {  	v63 =	vld [tilespmem:$0x1FFF0]  }
0x10f: {  	v15 =	vld [tilespmem:$0x1FCB0];
	v12 =	vadd.s32 v38, v2  }
0x110: {  	v10 =	vld [tilespmem:s19+$0xFFFFFF60];
	[tilespmem:v6+s24+$0x0] =	vst.idx.msk $0xffff, v4  }
0x111: {  	v11 =	vld [tilespmem:s19+$0xFFFFFEA0];
	[tilespmem:v8+s24+$0x0] =	vst.idx.msk $0xffff, v3  }
0x112: {  	v36 =	vld [tilespmem:$0x1FFD0];
	[tilespmem:v9+s24+$0x0] =	vst.idx.msk $0xffff, v17  }
0x113: {  	v13 =	vadd.s32 v63, v2;
	v32 =	vld [tilespmem:$0x1FC70]  }
0x114: {  	v15 =	vadd.s32 v15, v2;
	v27 =	vld [tilespmem:$0x1FC40];
	[tilespmem:v12+s24+$0x0] =	vst.idx.msk $0xffff, v5  }
0x115: {  	v5 =	vld [tilespmem:$0x1FCF0]  }
0x116: {  	v14 =	vld [tilespmem:s19+$0xFFFFFE60]  }
0x117: {  	v3 =	vld [tilespmem:s19+$0xFFFFFFE0];
	v4 =	vadd.s32 v36, v2  }
0x118: {  	v16 =	vld [tilespmem:s19+$0xFFFFFEE0];
	[tilespmem:v13+s24+$0x0] =	vst.idx.msk $0xffff, v10;
	v6 =	vadd.s32 v32, v2  }
0x119: {  	v8 =	vld [tilespmem:s19+$0xFFFFFE30];
	[tilespmem:v15+s24+$0x0] =	vst.idx.msk $0xffff, v11;
	v17 =	vadd.s32 v27, v2  }
0x11a: {  	v39 =	vld [tilespmem:$0x1FF70];
	v5 =	vadd.s32 v5, v2;
	_ =	sdelay $0x1  }
0x11b: {  	v33 =	vld [tilespmem:$0x1FFA0];
	[tilespmem:v4+s24+$0x0] =	vst.idx.msk $0xffff, v3  }
0x11c: {  	v11 =	vld [tilespmem:s19+$0xFFFFFF70];
	[tilespmem:v6+s24+$0x0] =	vst.idx.msk $0xffff, v14  }
0x11d: {  	v3 =	vld [tilespmem:$0x1FCC0];
	[tilespmem:v17+s24+$0x0] =	vst.idx.msk $0xffff, v8  }
0x11e: {  	v12 =	vadd.s32 v39, v2;
	v30 =	vld [tilespmem:$0x1FF60];
	[tilespmem:v5+s24+$0x0] =	vst.idx.msk $0xffff, v16  }
0x11f: {  	v5 =	vld [tilespmem:$0x1FD20];
	_ =	sdelay $0x2  }
0x120: {  	v7 =	vld [tilespmem:s19+$0xFFFFFF20]  }
0x121: {  	v37 =	vld [tilespmem:$0x1FFB0];
	[tilespmem:v12+s24+$0x0] =	vst.idx.msk $0xffff, v11  }
0x122: {  	v15 =	vadd.s32 v5, v2;
	v5 =	vld [tilespmem:$0x1FD50]  }
0x123: {  	v10 =	vld [tilespmem:s19+$0xFFFFFFB0]  }
0x124: {  	v18 =	vld [tilespmem:s19+$0xFFFFFEB0]  }
0x125: {  	v13 =	vadd.s32 v33, v2;
	v9 =	vld [tilespmem:s19+$0xFFFFFFF0]  }
0x126: {  	v8 =	vld [tilespmem:s19+$0xFFFFFE70]  }
0x127: {  	v17 =	vadd.s32 v5, v2;
	v5 =	vld [tilespmem:$0x1FD00]  }
0x128: {  	v6 =	vld [tilespmem:s19+$0xFFFFFE40];
	v19 =	vadd.s32 v3, v2  }
0x129: {  	v14 =	vld [tilespmem:s19+$0xFFFFFEF0]  }
0x12a: {  	v11 =	vld [tilespmem:s19+$0xFFFFFF80];
	[tilespmem:v13+s24+$0x0] =	vst.idx.msk $0xffff, v10  }
0x12b: {  	v59 =	vld [tilespmem:$0x1FC80]  }
0x12c: {  	v16 =	vadd.s32 v5, v2;
	v5 =	vld [tilespmem:$0x1FD40]  }
0x12d: {  	v10 =	vld [tilespmem:s19+$0xFFFFFFC0];
	[tilespmem:v19+s24+$0x0] =	vst.idx.msk $0xffff, v18  }
0x12e: {  	v60 =	vld [tilespmem:$0x1FC90]  }
0x12f: {  	v19 =	vld [tilespmem:$0x1FCD0]  }
0x130: {  	v3 =	vadd.s32 v30, v2;
	v62 =	vld [tilespmem:$0x1FF50]  }
0x131: {  	s21 =	simm.s32 $0x87F0;
	v4 =	vadd.s32 v37, v2;
	v13 =	vadd.s32 v59, v2;
	v20 =	vld [tilespmem:$0x1FD30];
	v12 =	vadd.s32 v5, v2  }
.LBB2_7:
0x132: {  	_ =	sdelay $0x1  }
0x133: {  	s20 =	sadd.s32 $0x8, s20;
	v18 =	vld [tilespmem:s21+$0xFFFFFED0];
	[tilespmem:v15+s24+$0x0] =	vst.idx.msk $0xffff, v7  }
0x134: {  	v5 =	vadd.s32 $0x3B87, v0;
	v7 =	vmov s20;
	[tilespmem:v17+s24+$0x0] =	vst.idx.msk $0xffff, v9;
	v15 =	vld [tilespmem:s19+$0xFFFFFF30]  }
0x135: {  	[tilespmem:v16+s24+$0x0] =	vst.idx.msk $0xffff, v14;
	v14 =	vadd.s32 v5, v2;
	v7 =	vshrl.u32 v7, $0x3;
	v9 =	vld [tilespmem:s19+$0x0]  }
0x136: {  	v17 =	vadd.s32 v62, v2;
	[tilespmem:v12+s24+$0x0] =	vst.idx.msk $0xffff, v11;
	v16 =	vld [tilespmem:s19+$0xFFFFFF00];
	v7 =	vshll.u32 v7, $0x3  }
0x137: {  	[tilespmem:v13+s24+$0x0] =	vst.idx.msk $0xffff, v8;
	v7 =	vbroadcast v7, $0x0  }
0x138: {  	v8 =	vld [tilespmem:s19+$0xFFFFFEC0];
	v11 =	vadd.s32 v19, v2;
	v13 =	vadd.s32 v28, v2;
	[tilespmem:v4+s24+$0x0] =	vst.idx.msk $0xffff, v10  }
0x139: {  	v12 =	vadd.s32 v20, v2;
	v20 =	vadd.s32 v60, v2;
	v22 =	vld [tilespmem:s21+$0xFFFFFFD0];
	v2 =	vmov v7;
	[tilespmem:v3+s24+$0x0] =	vst.idx.msk $0xffff, v15  }
0x13a: {  	[tilespmem:v14+s24+$0x0] =	vst.idx.msk $0xffff, v9;
	v14 =	vld [tilespmem:s21+$0xFFFFFF90];
	v24 =	vadd.s32 v34, v2  }
0x13b: {  	v10 =	vadd.s32 v25, v7;
	[tilespmem:v17+s24+$0x0] =	vst.idx.msk $0xffff, v16;
	v16 =	vld [tilespmem:s21+$0xFFFFFE10]  }
0x13c: {  	v15 =	vadd.s32 v23, v2;
	v23 =	vld [tilespmem:s19+$0xFFFFFF40]  }
0x13d: {  	v21 =	vadd.s32 v58, v7;
	[tilespmem:v13+s24+$0x0] =	vst.idx.msk $0xffff, v6;
	v6 =	vld [tilespmem:s21+$0xFFFFFF10]  }
0x13e: {  	[tilespmem:v11+s24+$0x0] =	vst.idx.msk $0xffff, v8  }
0x13f: {  	[tilespmem:v24+s24+$0x0] =	vst.idx.msk $0xffff, v14  }
0x140: {  	v19 =	vld [tilespmem:s19+$0xFFFFFE80];
	[tilespmem:v10+s24+$0x0] =	vst.idx.msk $0xffff, v16  }
0x141: {  	v8 =	vld [tilespmem:s21+$0xFFFFFF50];
	v9 =	vadd.s32 v61, v2;
	[tilespmem:v12+s24+$0x0] =	vst.idx.msk $0xffff, v23  }
0x142: {  	v10 =	vld [tilespmem:s21+$0xFFFFFFA0];
	[tilespmem:v21+s24+$0x0] =	vst.idx.msk $0xffff, v6;
	v6 =	vadd.s32 v38, v2;
	_ =	sdelay $0x1  }
0x143: {  	v11 =	vld [tilespmem:s21+$0xFFFFFE90]  }
0x144: {  	[tilespmem:v20+s24+$0x0] =	vst.idx.msk $0xffff, v19;
	v13 =	vadd.s32 v35, v2;
	v16 =	vld [tilespmem:$0x1FCB0]  }
0x145: {  	v17 =	vadd.s32 v31, v2;
	[tilespmem:v9+s24+$0x0] =	vst.idx.msk $0xffff, v8;
	v14 =	vld [tilespmem:s21+$0xFFFFFE20]  }
0x146: {  	v8 =	vadd.s32 v26, v2;
	[tilespmem:v6+s24+$0x0] =	vst.idx.msk $0xffff, v10;
	v6 =	vld [tilespmem:$0x1FCF0]  }
0x147: {  	v7 =	vadd.s32 v29, v2;
	v12 =	vld [tilespmem:s21+$0xFFFFFE50]  }
0x148: {  	[tilespmem:v15+s24+$0x0] =	vst.idx.msk $0xffff, v11;
	v9 =	vld [tilespmem:s21+$0xFFFFFF60]  }
0x149: {  	[tilespmem:v13+s24+$0x0] =	vst.idx.msk $0xffff, v22;
	v11 =	vld [tilespmem:s21+$0xFFFFFEA0]  }
0x14a: {  	[tilespmem:v17+s24+$0x0] =	vst.idx.msk $0xffff, v18;
	v13 =	vld [tilespmem:s21+$0xFFFFFFE0];
	v16 =	vadd.s32 v16, v2  }
0x14b: {  	[tilespmem:v8+s24+$0x0] =	vst.idx.msk $0xffff, v14;
	v14 =	vld [tilespmem:s21+$0xFFFFFEE0];
	v10 =	vadd.s32 v6, v2  }
0x14c: {  	v17 =	vadd.s32 v36, v2;
	[tilespmem:v7+s24+$0x0] =	vst.idx.msk $0xffff, v12;
	v7 =	vld [tilespmem:s21+$0xFFFFFF20]  }
0x14d: {  	v12 =	vadd.s32 v63, v2;
	v15 =	vld [tilespmem:s21+$0xFFFFFE60]  }
0x14e: {  	v18 =	vld [tilespmem:s21+$0xFFFFFE30]  }
0x14f: {  	v20 =	vld [tilespmem:s21+$0xFFFFFFB0];
	[tilespmem:v16+s24+$0x0] =	vst.idx.msk $0xffff, v11  }
0x150: {  	v8 =	vadd.s32 v32, v2;
	[tilespmem:v10+s24+$0x0] =	vst.idx.msk $0xffff, v14;
	v10 =	vld [tilespmem:$0x1FD50]  }
0x151: {  	v19 =	vadd.s32 v27, v2;
	[tilespmem:v17+s24+$0x0] =	vst.idx.msk $0xffff, v13;
	v21 =	vld [tilespmem:s21+$0xFFFFFEB0]  }
0x152: {  	[tilespmem:v12+s24+$0x0] =	vst.idx.msk $0xffff, v9;
	v9 =	vld [tilespmem:s21+$0xFFFFFFF0]  }
0x153: {  	v6 =	vld [tilespmem:$0x1FCC0]  }
0x154: {  	v22 =	vadd.s32 v33, v2;
	v11 =	vld [tilespmem:s21+$0xFFFFFF70]  }
0x155: {  	[tilespmem:v8+s24+$0x0] =	vst.idx.msk $0xffff, v15;
	v17 =	vadd.s32 v10, v2;
	v10 =	vld [tilespmem:$0x1FD00]  }
0x156: {  	v12 =	vadd.s32 v39, v2;
	[tilespmem:v19+s24+$0x0] =	vst.idx.msk $0xffff, v18;
	v19 =	vld [tilespmem:$0x1FCD0]  }
0x157: {  	v8 =	vld [tilespmem:s21+$0xFFFFFE70]  }
0x158: {  	v23 =	vadd.s32 v6, v2;
	v6 =	vld [tilespmem:$0x1FD20]  }
0x159: {  	[tilespmem:v22+s24+$0x0] =	vst.idx.msk $0xffff, v20;
	v20 =	vld [tilespmem:$0x1FD30]  }
0x15a: {  	p2 =	slt.u32 s20, $0x78;
	v16 =	vadd.s32 v10, v2;
	v10 =	vld [tilespmem:$0x1FD40]  }
.Ltmp2:
0x15b: {  	[tilespmem:v12+s24+$0x0] =	vst.idx.msk $0xffff, v11;
	v14 =	vld [tilespmem:s21+$0xFFFFFEF0];
	(pc) =	sbr.rel @p2 .LBB2_7-.Ltmp2, $4  }
0x15c: {  	v11 =	vld [tilespmem:s21+$0xFFFFFF80]  }
0x15d: {  	v15 =	vadd.s32 v6, v2;
	v6 =	vld [tilespmem:s21+$0xFFFFFE40]  }
0x15e: {  	v3 =	vadd.s32 v30, v2;
	s19 =	smov.u32 s21;
	[tilespmem:v23+s24+$0x0] =	vst.idx.msk $0xffff, v21;
	v23 =	vld [tilespmem:$0x1FCA0]  }
0x15f: {  	v4 =	vadd.s32 v37, v2;
	v13 =	vadd.s32 v59, v2;
	s21 =	sadd.s32 $0x200, s21;
	v12 =	vadd.s32 v10, v2;
	v10 =	vld [tilespmem:s19+$0xFFFFFFC0]  }
0x160: {  	_ =	sdelay $0x3  }
0x161: {  	[tilespmem:v15+s24+$0x0] =	vst.idx.msk $0xffff, v7  }
0x162: {  	[tilespmem:v17+s24+$0x0] =	vst.idx.msk $0xffff, v9;
	v7 =	vld [tilespmem:s19+$0xFFFFFF30]  }
0x163: {  	[tilespmem:v16+s24+$0x0] =	vst.idx.msk $0xffff, v14;
	v58 =	vld [tilespmem:s19+$0xFFFFFEC0];
	v59 =	vadd.s32 v19, v2  }
0x164: {  	[tilespmem:v13+s24+$0x0] =	vst.idx.msk $0xffff, v8;
	v63 =	vadd.s32 v28, v2  }
0x165: {  	v5 =	vadd.s32 v5, v2;
	v9 =	vld [tilespmem:s19+$0x0];
	[tilespmem:v12+s24+$0x0] =	vst.idx.msk $0xffff, v11  }
0x166: {  	v57 =	vadd.s32 v62, v2;
	v14 =	vld [tilespmem:s19+$0xFFFFFF00];
	[tilespmem:v4+s24+$0x0] =	vst.idx.msk $0xffff, v10  }
0x167: {  	v62 =	vadd.s32 v60, v2;
	v61 =	vld [tilespmem:s19+$0xFFFFFE80];
	[tilespmem:v3+s24+$0x0] =	vst.idx.msk $0xffff, v7  }
0x168: {  	v2 =	vadd.s32 v20, v2;
	[tilespmem:v59+s24+$0x0] =	vst.idx.msk $0xffff, v58;
	v3 =	vld [tilespmem:s19+$0xFFFFFF40]  }
0x169: {  	[tilespmem:v63+s24+$0x0] =	vst.idx.msk $0xffff, v6  }
0x16a: {  	[tilespmem:v5+s24+$0x0] =	vst.idx.msk $0xffff, v9  }
0x16b: {  	[tilespmem:v57+s24+$0x0] =	vst.idx.msk $0xffff, v14  }
0x16c: {  	s6 =	sadd.s32 @!p1 $0x300, s17;
	[tilespmem:v62+s24+$0x0] =	vst.idx.msk $0xffff, v61  }
0x16d: {  	s11 =	simm.s32 @!p1 $0x80;
	s21 =	sadd.s32 s7, s18;
	s19 =	simm.s32 @!p1 $0x8400;
	[tilespmem:v2+s24+$0x0] =	vst.idx.msk $0xffff, v3  }
0x16e: {  	[tilespmem:s19], [sflag:$0x3] =	stream.indirect.gather @!p1 [hbm4b:s4+s11], $0x40, s6, s11, $0xb8;
	[tilespmem:$0x1AE00] =	vst v63  }
0x16f: {  	s6 =	sshrl.u32 s21, $0x3  }
0x170: {  	s22 =	simm.s32 $0x12600;
	s11 =	sadd.s32 s1, s6  }
0x171: {  	[hbm4b:s11+s2] =	stream.linear.scatter [tilespmem:s22], [sflag:$0x8], $0x80, $0x38;
	[tilespmem:$0x1AE00] =	vst v63  }
0x172: {  	s19 =	simm.s32 $0x12688;
	s20 =	sadd.s32 $0x10, s11  }
0x173: {  	[hbm4b:s20+s2] =	stream.linear.scatter [tilespmem:s19], [sflag:$0x8], $0x80, $0x38;
	[tilespmem:$0x1AE00] =	vst v63  }
0x174: {  	s21 =	simm.s32 $0x12710;
	s22 =	sadd.s32 $0x20, s11  }
0x175: {  	[hbm4b:s22+s2] =	stream.linear.scatter [tilespmem:s21], [sflag:$0x8], $0x80, $0x38;
	[tilespmem:$0x1AE00] =	vst v63  }
0x176: {  	s19 =	simm.s32 $0x12798;
	s20 =	sadd.s32 $0x30, s11  }
0x177: {  	[hbm4b:s20+s2] =	stream.linear.scatter [tilespmem:s19], [sflag:$0x8], $0x80, $0x38;
	[tilespmem:$0x1AE00] =	vst v63  }
0x178: {  	s21 =	simm.s32 $0x12820;
	s22 =	sadd.s32 $0x40, s11  }
0x179: {  	[hbm4b:s22+s2] =	stream.linear.scatter [tilespmem:s21], [sflag:$0x8], $0x80, $0x38;
	[tilespmem:$0x1AE00] =	vst v63  }
0x17a: {  	s6 =	sadd.s32 $0x70, s11;
	s19 =	simm.s32 $0x128A8;
	s20 =	sadd.s32 $0x50, s11  }
0x17b: {  	[hbm4b:s20+s2] =	stream.linear.scatter [tilespmem:s19], [sflag:$0x8], $0x80, $0x38;
	[tilespmem:$0x1AE00] =	vst v63  }
0x17c: {  	s21 =	simm.s32 $0x12930;
	s22 =	sadd.s32 $0x60, s11;
	s19 =	simm.s32 $0x440  }
0x17d: {  	[hbm4b:s22+s2] =	stream.linear.scatter [tilespmem:s21], [sflag:$0x8], $0x80, $0x38;
	[tilespmem:$0x1AE00] =	vst v63  }
0x17e: {  	s20 =	sadd.s32 $0x1000, s11;
	s21 =	simm.s32 $0x2200;
	s22 =	simm.s32 $0x129B8  }
.LBB2_9:
0x17f: {  	[hbm4b:s6+s2] =	stream.linear.scatter [tilespmem:s22], [sflag:$0x8], $0x80, $0x38;
	[tilespmem:$0x1AE00] =	vst v63  }
0x180: {  	s6 =	smov.u32 s19;
	s11 =	smov.u32 s21  }
0x181: {  	s19 =	sshra.s32 s11, $0x2;
	s11 =	sadd.s32 $0x1100, s21;
	s22 =	sadd.s32 $0x12600, s6  }
0x182: {  	[hbm4b:s20+s2] =	stream.linear.scatter [tilespmem:s22], [sflag:$0x8], $0x80, $0x38;
	[tilespmem:$0x1AE00] =	vst v63  }
0x183: {  	p2 =	sne.s32 s21, $0x7700;
	s21 =	sadd.s32 $0x12688, s6;
	s22 =	sadd.s32 $0x10, s20  }
0x184: {  	[hbm4b:s22+s2] =	stream.linear.scatter [tilespmem:s21], [sflag:$0x8], $0x80, $0x38;
	[tilespmem:$0x1AE00] =	vst v63  }
0x185: {  	s21 =	sadd.s32 $0x12710, s6;
	s22 =	sadd.s32 $0x20, s20  }
0x186: {  	[hbm4b:s22+s2] =	stream.linear.scatter [tilespmem:s21], [sflag:$0x8], $0x80, $0x38;
	[tilespmem:$0x1AE00] =	vst v63  }
0x187: {  	s21 =	sadd.s32 $0x12798, s6;
	s22 =	sadd.s32 $0x30, s20  }
0x188: {  	[hbm4b:s22+s2] =	stream.linear.scatter [tilespmem:s21], [sflag:$0x8], $0x80, $0x38;
	[tilespmem:$0x1AE00] =	vst v63  }
0x189: {  	s21 =	sadd.s32 $0x12820, s6;
	s22 =	sadd.s32 $0x40, s20  }
0x18a: {  	[hbm4b:s22+s2] =	stream.linear.scatter [tilespmem:s21], [sflag:$0x8], $0x80, $0x38;
	[tilespmem:$0x1AE00] =	vst v63  }
0x18b: {  	s21 =	sadd.s32 $0x128A8, s6;
	s22 =	sadd.s32 $0x50, s20  }
0x18c: {  	[hbm4b:s22+s2] =	stream.linear.scatter [tilespmem:s21], [sflag:$0x8], $0x80, $0x38;
	[tilespmem:$0x1AE00] =	vst v63  }
.Ltmp3:
0x18d: {  	_ = 	snop;
	(pc) =	sbr.rel @p2 .LBB2_9-.Ltmp3, $4  }
0x18e: {  	s21 =	sadd.s32 $0x12930, s6;
	s22 =	sadd.s32 $0x60, s20  }
0x18f: {  	[hbm4b:s22+s2] =	stream.linear.scatter [tilespmem:s21], [sflag:$0x8], $0x80, $0x38;
	[tilespmem:$0x1AE00] =	vst v63  }
0x190: {  	s22 =	sadd.s32 $0x129B8, s6  }
0x191: {  	s6 =	sadd.s32 $0x70, s20;
	s20 =	sadd.s32 $0x1000, s20;
	s21 =	smov.u32 s11  }
0x192: {  	[hbm4b:s6+s2] =	stream.linear.scatter [tilespmem:s22], [sflag:$0x8], $0x80, $0x38;
	[tilespmem:$0x1AE00] =	vst v63  }
0x193: {  	s21 =	sadd.s32 $0x12600, s19  }
0x194: {  	[hbm4b:s20+s2] =	stream.linear.scatter [tilespmem:s21], [sflag:$0x8], $0x80, $0x38;
	[tilespmem:$0x1AE00] =	vst v63  }
0x195: {  	s22 =	sadd.s32 $0x12688, s19;
	s11 =	sadd.s32 $0x10, s20  }
0x196: {  	[hbm4b:s11+s2] =	stream.linear.scatter [tilespmem:s22], [sflag:$0x8], $0x80, $0x38;
	[tilespmem:$0x1AE00] =	vst v63  }
0x197: {  	s21 =	sadd.s32 $0x12710, s19;
	s22 =	sadd.s32 $0x20, s20  }
0x198: {  	[hbm4b:s22+s2] =	stream.linear.scatter [tilespmem:s21], [sflag:$0x8], $0x80, $0x38;
	[tilespmem:$0x1AE00] =	vst v63  }
0x199: {  	s21 =	sadd.s32 $0x12798, s19;
	s22 =	sadd.s32 $0x30, s20  }
0x19a: {  	[hbm4b:s22+s2] =	stream.linear.scatter [tilespmem:s21], [sflag:$0x8], $0x80, $0x38;
	[tilespmem:$0x1AE00] =	vst v63  }
0x19b: {  	s21 =	sadd.s32 $0x12820, s19;
	s22 =	sadd.s32 $0x40, s20  }
0x19c: {  	[hbm4b:s22+s2] =	stream.linear.scatter [tilespmem:s21], [sflag:$0x8], $0x80, $0x38;
	[tilespmem:$0x1AE00] =	vst v63  }
0x19d: {  	s21 =	sadd.s32 $0x128A8, s19;
	s22 =	sadd.s32 $0x50, s20  }
0x19e: {  	[hbm4b:s22+s2] =	stream.linear.scatter [tilespmem:s21], [sflag:$0x8], $0x80, $0x38;
	[tilespmem:$0x1AE00] =	vst v63  }
0x19f: {  	s21 =	sadd.s32 $0x12930, s19;
	s22 =	sadd.s32 $0x60, s20  }
0x1a0: {  	[hbm4b:s22+s2] =	stream.linear.scatter [tilespmem:s21], [sflag:$0x8], $0x80, $0x38;
	[tilespmem:$0x1AE00] =	vst v63  }
0x1a1: {  	s21 =	sadd.s32 $0x129B8, s19;
	s22 =	sadd.s32 $0x70, s20  }
0x1a2: {  	[hbm4b:s22+s2] =	stream.linear.scatter [tilespmem:s21], [sflag:$0x8], $0x80, $0x38;
	[tilespmem:$0x1AE00] =	vst v63  }
0x1a3: {  	_ =	swait.ge [sflag:s26], $0x2000  }
0x1a4: {  	s20 =	simm.s32 $0x0;
	[sflag:s26] =	ssyncset.done $0x0  }
0x1a5: {  	s6 =	simm.s32 @!p0 $0x9;
	v2 =	vmov s20;
	[sflag:s26] =	ssyncadd.s32 $0xFFFFE000  }
0x1a6: {  	v2 =	vshrl.u32 v2, $0x3;
	_ =	swait.ge @!p0 [sflag:s6], $0x2000  }
0x1a7: {  	v2 =	vshll.u32 v2, $0x3;
	[sflag:s6] =	ssyncset.done @!p0 $0x0  }
0x1a8: {  	s19 =	simm.s32 $0xA400;
	v2 =	vbroadcast v2, $0x0;
	[sflag:s6] =	ssyncadd.s32 @!p0 $0xFFFFE000  }
0x1a9: {  	v3 =	vadd.s32 $0x4406, v0;
	v17 =	vld [tilespmem:s19+$0xC0]  }
0x1aa: {  	v4 =	vadd.s32 $0x4405, v0;
	v10 =	vadd.s32 v3, v2;
	v9 =	vld [tilespmem:s19+$0x180]  }
0x1ab: {  	v5 =	vadd.s32 $0x4400, v0;
	v11 =	vadd.s32 v4, v2;
	v12 =	vld [tilespmem:s19+$0x140]  }
0x1ac: {  	v6 =	vadd.s32 $0x4402, v0;
	v13 =	vadd.s32 v5, v2;
	v14 =	vld [tilespmem:s19+$0x0]  }
0x1ad: {  	v7 =	vadd.s32 $0x4404, v0;
	v16 =	vadd.s32 v6, v2;
	v18 =	vld [tilespmem:s19+$0x80]  }
0x1ae: {  	v8 =	vadd.s32 $0x4401, v0;
	v19 =	vadd.s32 v7, v2;
	v20 =	vld [tilespmem:s19+$0x100]  }
0x1af: {  	v21 =	vadd.s32 v8, v2;
	v22 =	vld [tilespmem:s19+$0x40];
	[tilespmem:v10+s24+$0x0] =	vst.idx.msk $0xffff, v9;
	v9 =	vadd.s32 $0x4407, v0  }
0x1b0: {  	v15 =	vld [tilespmem:s19+$0x1C0];
	v10 =	vadd.s32 $0x4403, v0;
	[tilespmem:v11+s24+$0x0] =	vst.idx.msk $0xffff, v12;
	v24 =	vadd.s32 v9, v2  }
0x1b1: {  	[tilespmem:v13+s24+$0x0] =	vst.idx.msk $0xffff, v14;
	v11 =	vadd.s32 $0x4C85, v0;
	v23 =	vld [tilespmem:s19+$0x190];
	v25 =	vadd.s32 v10, v2  }
0x1b2: {  	[tilespmem:v16+s24+$0x0] =	vst.idx.msk $0xffff, v18;
	v12 =	vadd.s32 $0x4C86, v0;
	v26 =	vld [tilespmem:s19+$0x150];
	v18 =	vadd.s32 v11, v2  }
0x1b3: {  	v13 =	vadd.s32 $0x4C80, v0;
	[tilespmem:v19+s24+$0x0] =	vst.idx.msk $0xffff, v20;
	v27 =	vld [tilespmem:s19+$0x10];
	v19 =	vadd.s32 v12, v2  }
0x1b4: {  	[tilespmem:v21+s24+$0x0] =	vst.idx.msk $0xffff, v22;
	v14 =	vadd.s32 $0x4C82, v0;
	v28 =	vld [tilespmem:s19+$0x90];
	v20 =	vadd.s32 v13, v2  }
0x1b5: {  	v16 =	vadd.s32 $0x4C81, v0;
	v39 =	vld [tilespmem:s19+$0x110];
	v21 =	vadd.s32 v14, v2;
	[tilespmem:v24+s24+$0x0] =	vst.idx.msk $0xffff, v15  }
0x1b6: {  	v22 =	vld [tilespmem:s19+$0x50];
	v29 =	vadd.s32 v16, v2;
	v15 =	vadd.s32 $0x4C87, v0;
	[tilespmem:v25+s24+$0x0] =	vst.idx.msk $0xffff, v17  }
0x1b7: {  	[tilespmem:v18+s24+$0x0] =	vst.idx.msk $0xffff, v26;
	v17 =	vadd.s32 $0x5505, v0;
	v24 =	vld [tilespmem:s19+$0x1D0];
	v25 =	vadd.s32 v15, v2  }
0x1b8: {  	v18 =	vadd.s32 $0x4C83, v0;
	[tilespmem:v19+s24+$0x0] =	vst.idx.msk $0xffff, v23;
	v32 =	vld [tilespmem:s19+$0x160];
	v34 =	vadd.s32 v17, v2  }
0x1b9: {  	[tilespmem:v20+s24+$0x0] =	vst.idx.msk $0xffff, v27;
	v19 =	vadd.s32 $0x5500, v0;
	v30 =	vld [tilespmem:s19+$0xD0];
	v20 =	vadd.s32 v18, v2  }
0x1ba: {  	[tilespmem:v21+s24+$0x0] =	vst.idx.msk $0xffff, v28;
	v21 =	vadd.s32 $0x5506, v0;
	v35 =	vld [tilespmem:s19+$0x20];
	v37 =	vadd.s32 v19, v2  }
0x1bb: {  	v23 =	vadd.s32 $0x5502, v0;
	[tilespmem:v29+s24+$0x0] =	vst.idx.msk $0xffff, v22;
	v36 =	vld [tilespmem:s19+$0x1A0];
	v45 =	vadd.s32 v21, v2  }
0x1bc: {  	v31 =	vadd.s32 $0x5D84, v0;
	v43 =	vld [tilespmem:s19+$0xA0];
	v22 =	vadd.s32 v23, v2;
	[tilespmem:v25+s24+$0x0] =	vst.idx.msk $0xffff, v24  }
0x1bd: {  	v38 =	vadd.s32 $0x5D85, v0;
	v27 =	vadd.s32 $0x4C84, v0;
	v28 =	vadd.s32 $0x5507, v0;
	v41 =	vld [tilespmem:s19+$0x60];
	[tilespmem:v34+s24+$0x0] =	vst.idx.msk $0xffff, v32  }
0x1be: {  	v29 =	vadd.s32 $0x5503, v0;
	v44 =	vadd.s32 v27, v2;
	v48 =	vadd.s32 v28, v2;
	[tilespmem:v20+s24+$0x0] =	vst.idx.msk $0xffff, v30;
	v42 =	vld [tilespmem:s19+$0x1E0]  }
0x1bf: {  	v50 =	vadd.s32 v29, v2;
	v24 =	vadd.s32 $0x5504, v0;
	v25 =	vadd.s32 $0x5D86, v0;
	[tilespmem:v37+s24+$0x0] =	vst.idx.msk $0xffff, v35;
	v40 =	vld [tilespmem:s19+$0x170]  }
0x1c0: {  	v34 =	vadd.s32 $0x5D80, v0;
	v35 =	vadd.s32 $0x5501, v0;
	v30 =	vadd.s32 $0x5D83, v0;
	[tilespmem:v45+s24+$0x0] =	vst.idx.msk $0xffff, v36;
	v49 =	vld [tilespmem:s19+$0xE0]  }
0x1c1: {  	[tilespmem:v22+s24+$0x0] =	vst.idx.msk $0xffff, v43;
	v32 =	vadd.s32 $0x5D82, v0;
	v36 =	vadd.s32 $0x5D87, v0;
	v20 =	vmovc v31;
	v46 =	vld [tilespmem:s19+$0x30];
	v47 =	vadd.s32 v34, v2  }
0x1c2: {  	s21 =	simm.s32 $0xA600;
	v22 =	vmovc v38;
	v26 =	vadd.s32 v24, v2;
	v33 =	vadd.s32 v25, v2;
	v45 =	vadd.s32 v35, v2;
	v43 =	vld [tilespmem:s19+$0x1B0]  }
.LBB2_11:
0x1c3: {  	s20 =	sadd.s32 $0x8, s20;
	v51 =	vld [tilespmem:s21+$0xC0];
	v37 =	vadd.s32 $0x5D81, v0;
	[tilespmem:v44+s24+$0x0] =	vst.idx.msk $0xffff, v39  }
0x1c4: {  	v52 =	vadd.s32 v20, v2;
	v53 =	vadd.s32 v22, v2;
	v20 =	vmovc v31;
	v39 =	vmov s20;
	p2 =	slt.u32 s20, $0x78;
	v44 =	vld [tilespmem:s19+$0x120];
	[tilespmem:v48+s24+$0x0] =	vst.idx.msk $0xffff, v42  }
0x1c5: {  	v48 =	vadd.s32 v36, v2;
	v54 =	vshrl.u32 v39, $0x3;
	v39 =	vadd.s32 v37, v2;
	[tilespmem:v50+s24+$0x0] =	vst.idx.msk $0xffff, v49;
	v42 =	vld [tilespmem:s19+$0x1F0]  }
0x1c6: {  	v49 =	vadd.s32 v30, v2;
	v50 =	vshll.u32 v54, $0x3;
	[tilespmem:v47+s24+$0x0] =	vst.idx.msk $0xffff, v46;
	v46 =	vadd.s32 v32, v2;
	v47 =	vld [tilespmem:s19+$0xF0]  }
0x1c7: {  	v22 =	vmov v38;
	v2 =	vbroadcast v50, $0x0;
	[tilespmem:v45+s24+$0x0] =	vst.idx.msk $0xffff, v41;
	v41 =	vld [tilespmem:s19+$0xB0]  }
0x1c8: {  	v45 =	vld [tilespmem:s19+$0x70];
	[tilespmem:v33+s24+$0x0] =	vst.idx.msk $0xffff, v43  }
0x1c9: {  	v43 =	vadd.s32 v5, v2;
	v50 =	vadd.s32 v7, v2;
	v54 =	vld [tilespmem:s21+$0x1C0];
	[tilespmem:v26+s24+$0x0] =	vst.idx.msk $0xffff, v44  }
0x1ca: {  	v44 =	vadd.s32 v8, v2;
	v55 =	vadd.s32 v6, v2;
	v56 =	vld [tilespmem:s19+$0x130];
	[tilespmem:v48+s24+$0x0] =	vst.idx.msk $0xffff, v42;
	s19 =	smov.u32 s21  }
0x1cb: {  	v57 =	vadd.s32 v3, v2;
	v42 =	vadd.s32 v4, v2;
	v48 =	vld [tilespmem:s21+$0x180];
	[tilespmem:v49+s24+$0x0] =	vst.idx.msk $0xffff, v47  }
0x1cc: {  	v26 =	vadd.s32 v24, v2;
	v47 =	vadd.s32 v10, v2;
	v49 =	vld [tilespmem:s21+$0x140];
	[tilespmem:v46+s24+$0x0] =	vst.idx.msk $0xffff, v41  }
0x1cd: {  	v33 =	vadd.s32 v25, v2;
	v41 =	vld [tilespmem:s21+$0x0];
	[tilespmem:v39+s24+$0x0] =	vst.idx.msk $0xffff, v45  }
0x1ce: {  	v39 =	vld [tilespmem:s21+$0x80];
	[tilespmem:v53+s24+$0x0] =	vst.idx.msk $0xffff, v40  }
0x1cf: {  	v40 =	vld [tilespmem:s21+$0x100];
	[tilespmem:v52+s24+$0x0] =	vst.idx.msk $0xffff, v56  }
0x1d0: {  	v45 =	vld [tilespmem:s21+$0x40];
	[tilespmem:v57+s24+$0x0] =	vst.idx.msk $0xffff, v48  }
0x1d1: {  	v46 =	vadd.s32 v9, v2;
	[tilespmem:v42+s24+$0x0] =	vst.idx.msk $0xffff, v49;
	v42 =	vld [tilespmem:s21+$0x190]  }
0x1d2: {  	[tilespmem:v43+s24+$0x0] =	vst.idx.msk $0xffff, v41;
	v41 =	vld [tilespmem:s21+$0x150]  }
0x1d3: {  	v48 =	vadd.s32 v11, v2;
	v43 =	vld [tilespmem:s21+$0x10];
	[tilespmem:v55+s24+$0x0] =	vst.idx.msk $0xffff, v39  }
0x1d4: {  	v49 =	vld [tilespmem:s21+$0x90];
	[tilespmem:v50+s24+$0x0] =	vst.idx.msk $0xffff, v40;
	v40 =	vadd.s32 v12, v2  }
0x1d5: {  	v50 =	vadd.s32 v13, v2;
	[tilespmem:v44+s24+$0x0] =	vst.idx.msk $0xffff, v45;
	v39 =	vld [tilespmem:s21+$0x110]  }
0x1d6: {  	v45 =	vadd.s32 v14, v2;
	v44 =	vld [tilespmem:s21+$0x50];
	[tilespmem:v46+s24+$0x0] =	vst.idx.msk $0xffff, v54  }
0x1d7: {  	[tilespmem:v47+s24+$0x0] =	vst.idx.msk $0xffff, v51;
	v46 =	vld [tilespmem:s21+$0x1D0];
	v47 =	vadd.s32 v15, v2  }
0x1d8: {  	v51 =	vadd.s32 v16, v2;
	v52 =	vld [tilespmem:s21+$0xD0];
	[tilespmem:v48+s24+$0x0] =	vst.idx.msk $0xffff, v41  }
0x1d9: {  	v53 =	vadd.s32 v17, v2;
	v48 =	vld [tilespmem:s21+$0x160];
	[tilespmem:v40+s24+$0x0] =	vst.idx.msk $0xffff, v42  }
0x1da: {  	v40 =	vadd.s32 v18, v2;
	[tilespmem:v50+s24+$0x0] =	vst.idx.msk $0xffff, v43;
	v43 =	vld [tilespmem:s21+$0x1A0]  }
0x1db: {  	v54 =	vadd.s32 v19, v2;
	v50 =	vld [tilespmem:s21+$0x20];
	[tilespmem:v45+s24+$0x0] =	vst.idx.msk $0xffff, v49  }
0x1dc: {  	v45 =	vadd.s32 v21, v2;
	v55 =	vld [tilespmem:s21+$0xA0];
	[tilespmem:v47+s24+$0x0] =	vst.idx.msk $0xffff, v46  }
0x1dd: {  	[tilespmem:v51+s24+$0x0] =	vst.idx.msk $0xffff, v44;
	v51 =	vadd.s32 v23, v2;
	v44 =	vadd.s32 v27, v2;
	v42 =	vld [tilespmem:s21+$0x1E0]  }
.Ltmp4:
0x1de: {  	v41 =	vld [tilespmem:s21+$0x60];
	[tilespmem:v53+s24+$0x0] =	vst.idx.msk $0xffff, v48;
	(pc) =	sbr.rel @p2 .LBB2_11-.Ltmp4, $4  }
0x1df: {  	v48 =	vadd.s32 v28, v2;
	[tilespmem:v40+s24+$0x0] =	vst.idx.msk $0xffff, v52;
	v40 =	vld [tilespmem:s21+$0x170]  }
0x1e0: {  	[tilespmem:v54+s24+$0x0] =	vst.idx.msk $0xffff, v50;
	v49 =	vld [tilespmem:s21+$0xE0];
	v50 =	vadd.s32 v29, v2  }
0x1e1: {  	v47 =	vadd.s32 v34, v2;
	v46 =	vld [tilespmem:s21+$0x30];
	[tilespmem:v45+s24+$0x0] =	vst.idx.msk $0xffff, v43  }
0x1e2: {  	v45 =	vadd.s32 v35, v2;
	s21 =	sadd.s32 $0x200, s21;
	[tilespmem:v51+s24+$0x0] =	vst.idx.msk $0xffff, v55;
	v43 =	vld [tilespmem:s19+$0x1B0]  }
0x1e3: {  	_ =	sdelay $0x3  }
0x1e4: {  	[tilespmem:v44+s24+$0x0] =	vst.idx.msk $0xffff, v39  }
0x1e5: {  	[tilespmem:v48+s24+$0x0] =	vst.idx.msk $0xffff, v42;
	v3 =	vld [tilespmem:s19+$0x120]  }
0x1e6: {  	v8 =	vadd.s32 v32, v2;
	[tilespmem:v45+s24+$0x0] =	vst.idx.msk $0xffff, v41;
	v9 =	vld [tilespmem:s19+$0xB0]  }
0x1e7: {  	v12 =	vadd.s32 v22, v2;
	[tilespmem:v50+s24+$0x0] =	vst.idx.msk $0xffff, v49  }
0x1e8: {  	v5 =	vadd.s32 v36, v2;
	v4 =	vld [tilespmem:s19+$0x1F0];
	[tilespmem:v47+s24+$0x0] =	vst.idx.msk $0xffff, v46  }
0x1e9: {  	v10 =	vadd.s32 v37, v2;
	v11 =	vld [tilespmem:s19+$0x70];
	[tilespmem:v33+s24+$0x0] =	vst.idx.msk $0xffff, v43  }
0x1ea: {  	v7 =	vadd.s32 v30, v2;
	v6 =	vld [tilespmem:s19+$0xF0];
	[tilespmem:v26+s24+$0x0] =	vst.idx.msk $0xffff, v3  }
0x1eb: {  	v2 =	vadd.s32 v20, v2;
	[tilespmem:v8+s24+$0x0] =	vst.idx.msk $0xffff, v9;
	v3 =	vld [tilespmem:s19+$0x130]  }
0x1ec: {  	[tilespmem:v12+s24+$0x0] =	vst.idx.msk $0xffff, v40  }
0x1ed: {  	[tilespmem:v5+s24+$0x0] =	vst.idx.msk $0xffff, v4  }
0x1ee: {  	[tilespmem:v10+s24+$0x0] =	vst.idx.msk $0xffff, v11  }
0x1ef: {  	s6 =	sadd.s32 @!p1 $0x380, s17;
	[tilespmem:v7+s24+$0x0] =	vst.idx.msk $0xffff, v6  }
0x1f0: {  	s11 =	simm.s32 @!p1 $0x80;
	s21 =	sadd.s32 s8, s18;
	s19 =	simm.s32 @!p1 $0xA400;
	[tilespmem:v2+s24+$0x0] =	vst.idx.msk $0xffff, v3  }
0x1f1: {  	[tilespmem:s19], [sflag:$0x4] =	stream.indirect.gather @!p1 [hbm4b:s4+s11], $0x40, s6, s11, $0xb8;
	[tilespmem:$0x1AE00] =	vst v63  }
0x1f2: {  	s6 =	sshrl.u32 s21, $0x3  }
0x1f3: {  	s22 =	simm.s32 $0x14800;
	s11 =	sadd.s32 s1, s6  }
0x1f4: {  	[hbm4b:s11+s2] =	stream.linear.scatter [tilespmem:s22], [sflag:$0x9], $0x80, $0x38;
	[tilespmem:$0x1AE00] =	vst v63  }
0x1f5: {  	s19 =	simm.s32 $0x14888;
	s20 =	sadd.s32 $0x10, s11  }
0x1f6: {  	[hbm4b:s20+s2] =	stream.linear.scatter [tilespmem:s19], [sflag:$0x9], $0x80, $0x38;
	[tilespmem:$0x1AE00] =	vst v63  }
0x1f7: {  	s21 =	simm.s32 $0x14910;
	s22 =	sadd.s32 $0x20, s11  }
0x1f8: {  	[hbm4b:s22+s2] =	stream.linear.scatter [tilespmem:s21], [sflag:$0x9], $0x80, $0x38;
	[tilespmem:$0x1AE00] =	vst v63  }
0x1f9: {  	s19 =	simm.s32 $0x14998;
	s20 =	sadd.s32 $0x30, s11  }
0x1fa: {  	[hbm4b:s20+s2] =	stream.linear.scatter [tilespmem:s19], [sflag:$0x9], $0x80, $0x38;
	[tilespmem:$0x1AE00] =	vst v63  }
0x1fb: {  	s21 =	simm.s32 $0x14A20;
	s22 =	sadd.s32 $0x40, s11  }
0x1fc: {  	[hbm4b:s22+s2] =	stream.linear.scatter [tilespmem:s21], [sflag:$0x9], $0x80, $0x38;
	[tilespmem:$0x1AE00] =	vst v63  }
0x1fd: {  	s6 =	sadd.s32 $0x70, s11;
	s19 =	simm.s32 $0x14AA8;
	s20 =	sadd.s32 $0x50, s11  }
0x1fe: {  	[hbm4b:s20+s2] =	stream.linear.scatter [tilespmem:s19], [sflag:$0x9], $0x80, $0x38;
	[tilespmem:$0x1AE00] =	vst v63  }
0x1ff: {  	s21 =	simm.s32 $0x14B30;
	s22 =	sadd.s32 $0x60, s11;
	s19 =	simm.s32 $0x440  }
0x200: {  	[hbm4b:s22+s2] =	stream.linear.scatter [tilespmem:s21], [sflag:$0x9], $0x80, $0x38;
	[tilespmem:$0x1AE00] =	vst v63  }
0x201: {  	s20 =	sadd.s32 $0x1000, s11;
	s21 =	simm.s32 $0x2200;
	s22 =	simm.s32 $0x14BB8  }
.LBB2_13:
0x202: {  	[hbm4b:s6+s2] =	stream.linear.scatter [tilespmem:s22], [sflag:$0x9], $0x80, $0x38;
	[tilespmem:$0x1AE00] =	vst v63  }
0x203: {  	s6 =	smov.u32 s19;
	s11 =	smov.u32 s21  }
0x204: {  	s19 =	sshra.s32 s11, $0x2;
	s11 =	sadd.s32 $0x1100, s21;
	s22 =	sadd.s32 $0x14800, s6  }
0x205: {  	[hbm4b:s20+s2] =	stream.linear.scatter [tilespmem:s22], [sflag:$0x9], $0x80, $0x38;
	[tilespmem:$0x1AE00] =	vst v63  }
0x206: {  	p2 =	sne.s32 s21, $0x7700;
	s21 =	sadd.s32 $0x14888, s6;
	s22 =	sadd.s32 $0x10, s20  }
0x207: {  	[hbm4b:s22+s2] =	stream.linear.scatter [tilespmem:s21], [sflag:$0x9], $0x80, $0x38;
	[tilespmem:$0x1AE00] =	vst v63  }
0x208: {  	s21 =	sadd.s32 $0x14910, s6;
	s22 =	sadd.s32 $0x20, s20  }
0x209: {  	[hbm4b:s22+s2] =	stream.linear.scatter [tilespmem:s21], [sflag:$0x9], $0x80, $0x38;
	[tilespmem:$0x1AE00] =	vst v63  }
0x20a: {  	s21 =	sadd.s32 $0x14998, s6;
	s22 =	sadd.s32 $0x30, s20  }
0x20b: {  	[hbm4b:s22+s2] =	stream.linear.scatter [tilespmem:s21], [sflag:$0x9], $0x80, $0x38;
	[tilespmem:$0x1AE00] =	vst v63  }
0x20c: {  	s21 =	sadd.s32 $0x14A20, s6;
	s22 =	sadd.s32 $0x40, s20  }
0x20d: {  	[hbm4b:s22+s2] =	stream.linear.scatter [tilespmem:s21], [sflag:$0x9], $0x80, $0x38;
	[tilespmem:$0x1AE00] =	vst v63  }
0x20e: {  	s21 =	sadd.s32 $0x14AA8, s6;
	s22 =	sadd.s32 $0x50, s20  }
0x20f: {  	[hbm4b:s22+s2] =	stream.linear.scatter [tilespmem:s21], [sflag:$0x9], $0x80, $0x38;
	[tilespmem:$0x1AE00] =	vst v63  }
.Ltmp5:
0x210: {  	_ = 	snop;
	(pc) =	sbr.rel @p2 .LBB2_13-.Ltmp5, $4  }
0x211: {  	s21 =	sadd.s32 $0x14B30, s6;
	s22 =	sadd.s32 $0x60, s20  }
0x212: {  	[hbm4b:s22+s2] =	stream.linear.scatter [tilespmem:s21], [sflag:$0x9], $0x80, $0x38;
	[tilespmem:$0x1AE00] =	vst v63  }
0x213: {  	s22 =	sadd.s32 $0x14BB8, s6  }
0x214: {  	s6 =	sadd.s32 $0x70, s20;
	s20 =	sadd.s32 $0x1000, s20;
	s21 =	smov.u32 s11  }
0x215: {  	[hbm4b:s6+s2] =	stream.linear.scatter [tilespmem:s22], [sflag:$0x9], $0x80, $0x38;
	[tilespmem:$0x1AE00] =	vst v63  }
0x216: {  	s21 =	sadd.s32 $0x14800, s19  }
0x217: {  	[hbm4b:s20+s2] =	stream.linear.scatter [tilespmem:s21], [sflag:$0x9], $0x80, $0x38;
	[tilespmem:$0x1AE00] =	vst v63  }
0x218: {  	s22 =	sadd.s32 $0x14888, s19;
	s11 =	sadd.s32 $0x10, s20  }
0x219: {  	[hbm4b:s11+s2] =	stream.linear.scatter [tilespmem:s22], [sflag:$0x9], $0x80, $0x38;
	[tilespmem:$0x1AE00] =	vst v63  }
0x21a: {  	s21 =	sadd.s32 $0x14910, s19;
	s22 =	sadd.s32 $0x20, s20  }
0x21b: {  	[hbm4b:s22+s2] =	stream.linear.scatter [tilespmem:s21], [sflag:$0x9], $0x80, $0x38;
	[tilespmem:$0x1AE00] =	vst v63  }
0x21c: {  	s21 =	sadd.s32 $0x14998, s19;
	s22 =	sadd.s32 $0x30, s20  }
0x21d: {  	[hbm4b:s22+s2] =	stream.linear.scatter [tilespmem:s21], [sflag:$0x9], $0x80, $0x38;
	[tilespmem:$0x1AE00] =	vst v63  }
0x21e: {  	s21 =	sadd.s32 $0x14A20, s19;
	s22 =	sadd.s32 $0x40, s20  }
0x21f: {  	[hbm4b:s22+s2] =	stream.linear.scatter [tilespmem:s21], [sflag:$0x9], $0x80, $0x38;
	[tilespmem:$0x1AE00] =	vst v63  }
0x220: {  	s21 =	sadd.s32 $0x14AA8, s19;
	s22 =	sadd.s32 $0x50, s20  }
0x221: {  	[hbm4b:s22+s2] =	stream.linear.scatter [tilespmem:s21], [sflag:$0x9], $0x80, $0x38;
	[tilespmem:$0x1AE00] =	vst v63  }
0x222: {  	s21 =	sadd.s32 $0x14B30, s19;
	s22 =	sadd.s32 $0x60, s20  }
0x223: {  	[hbm4b:s22+s2] =	stream.linear.scatter [tilespmem:s21], [sflag:$0x9], $0x80, $0x38;
	[tilespmem:$0x1AE00] =	vst v63  }
0x224: {  	s21 =	sadd.s32 $0x14BB8, s19;
	s22 =	sadd.s32 $0x70, s20  }
0x225: {  	[hbm4b:s22+s2] =	stream.linear.scatter [tilespmem:s21], [sflag:$0x9], $0x80, $0x38;
	[tilespmem:$0x1AE00] =	vst v63  }
0x226: {  	_ =	swait.ge [sflag:s28], $0x2000  }
0x227: {  	s20 =	simm.s32 $0x0;
	[sflag:s28] =	ssyncset.done $0x0  }
0x228: {  	s6 =	simm.s32 @!p0 $0xA;
	v2 =	vmov s20;
	[sflag:s28] =	ssyncadd.s32 $0xFFFFE000  }
0x229: {  	v2 =	vshrl.u32 v2, $0x3;
	_ =	swait.ge @!p0 [sflag:s6], $0x2000  }
0x22a: {  	v2 =	vshll.u32 v2, $0x3;
	[sflag:s6] =	ssyncset.done @!p0 $0x0  }
0x22b: {  	s19 =	simm.s32 $0xC400;
	v2 =	vbroadcast v2, $0x0;
	[sflag:s6] =	ssyncadd.s32 @!p0 $0xFFFFE000  }
0x22c: {  	v3 =	vadd.s32 $0x6606, v0;
	v17 =	vld [tilespmem:s19+$0xC0]  }
0x22d: {  	v4 =	vadd.s32 $0x6605, v0;
	v10 =	vadd.s32 v3, v2;
	v9 =	vld [tilespmem:s19+$0x180]  }
0x22e: {  	v5 =	vadd.s32 $0x6600, v0;
	v11 =	vadd.s32 v4, v2;
	v12 =	vld [tilespmem:s19+$0x140]  }
0x22f: {  	v6 =	vadd.s32 $0x6602, v0;
	v13 =	vadd.s32 v5, v2;
	v14 =	vld [tilespmem:s19+$0x0]  }
0x230: {  	v7 =	vadd.s32 $0x6604, v0;
	v16 =	vadd.s32 v6, v2;
	v18 =	vld [tilespmem:s19+$0x80]  }
0x231: {  	v8 =	vadd.s32 $0x6601, v0;
	v19 =	vadd.s32 v7, v2;
	v20 =	vld [tilespmem:s19+$0x100]  }
0x232: {  	v21 =	vadd.s32 v8, v2;
	v22 =	vld [tilespmem:s19+$0x40];
	[tilespmem:v10+s24+$0x0] =	vst.idx.msk $0xffff, v9;
	v9 =	vadd.s32 $0x6607, v0  }
0x233: {  	v15 =	vld [tilespmem:s19+$0x1C0];
	v10 =	vadd.s32 $0x6603, v0;
	[tilespmem:v11+s24+$0x0] =	vst.idx.msk $0xffff, v12;
	v24 =	vadd.s32 v9, v2  }
0x234: {  	[tilespmem:v13+s24+$0x0] =	vst.idx.msk $0xffff, v14;
	v11 =	vadd.s32 $0x6E85, v0;
	v23 =	vld [tilespmem:s19+$0x190];
	v25 =	vadd.s32 v10, v2  }
0x235: {  	[tilespmem:v16+s24+$0x0] =	vst.idx.msk $0xffff, v18;
	v12 =	vadd.s32 $0x6E86, v0;
	v26 =	vld [tilespmem:s19+$0x150];
	v18 =	vadd.s32 v11, v2  }
0x236: {  	v13 =	vadd.s32 $0x6E80, v0;
	[tilespmem:v19+s24+$0x0] =	vst.idx.msk $0xffff, v20;
	v27 =	vld [tilespmem:s19+$0x10];
	v19 =	vadd.s32 v12, v2  }
0x237: {  	[tilespmem:v21+s24+$0x0] =	vst.idx.msk $0xffff, v22;
	v14 =	vadd.s32 $0x6E82, v0;
	v28 =	vld [tilespmem:s19+$0x90];
	v20 =	vadd.s32 v13, v2  }
0x238: {  	v16 =	vadd.s32 $0x6E81, v0;
	v39 =	vld [tilespmem:s19+$0x110];
	v21 =	vadd.s32 v14, v2;
	[tilespmem:v24+s24+$0x0] =	vst.idx.msk $0xffff, v15  }
0x239: {  	v29 =	vld [tilespmem:s19+$0x50];
	v30 =	vadd.s32 v16, v2;
	v15 =	vadd.s32 $0x6E87, v0;
	[tilespmem:v25+s24+$0x0] =	vst.idx.msk $0xffff, v17  }
0x23a: {  	[tilespmem:v18+s24+$0x0] =	vst.idx.msk $0xffff, v26;
	v17 =	vadd.s32 $0x7705, v0;
	v24 =	vld [tilespmem:s19+$0x1D0];
	v25 =	vadd.s32 v15, v2  }
0x23b: {  	v18 =	vadd.s32 $0x6E83, v0;
	[tilespmem:v19+s24+$0x0] =	vst.idx.msk $0xffff, v23;
	v32 =	vld [tilespmem:s19+$0x160];
	v34 =	vadd.s32 v17, v2  }
0x23c: {  	[tilespmem:v20+s24+$0x0] =	vst.idx.msk $0xffff, v27;
	v19 =	vadd.s32 $0x7700, v0;
	v31 =	vld [tilespmem:s19+$0xD0];
	v35 =	vadd.s32 v18, v2  }
0x23d: {  	[tilespmem:v21+s24+$0x0] =	vst.idx.msk $0xffff, v28;
	v21 =	vadd.s32 $0x7706, v0;
	v37 =	vld [tilespmem:s19+$0x20];
	v38 =	vadd.s32 v19, v2  }
0x23e: {  	v23 =	vadd.s32 $0x7702, v0;
	[tilespmem:v30+s24+$0x0] =	vst.idx.msk $0xffff, v29;
	v36 =	vld [tilespmem:s19+$0x1A0];
	v45 =	vadd.s32 v21, v2  }
0x23f: {  	v22 =	vadd.s32 $0x7F85, v0;
	v43 =	vld [tilespmem:s19+$0xA0];
	v51 =	vadd.s32 v23, v2;
	[tilespmem:v25+s24+$0x0] =	vst.idx.msk $0xffff, v24  }
0x240: {  	v20 =	vadd.s32 $0x7F84, v0;
	v27 =	vadd.s32 $0x6E84, v0;
	v28 =	vadd.s32 $0x7707, v0;
	v41 =	vld [tilespmem:s19+$0x60];
	[tilespmem:v34+s24+$0x0] =	vst.idx.msk $0xffff, v32  }
0x241: {  	v29 =	vadd.s32 $0x7703, v0;
	v30 =	vadd.s32 $0x7F83, v0;
	v44 =	vadd.s32 v27, v2;
	[tilespmem:v35+s24+$0x0] =	vst.idx.msk $0xffff, v31;
	v42 =	vld [tilespmem:s19+$0x1E0]  }
0x242: {  	v48 =	vadd.s32 v28, v2;
	v50 =	vadd.s32 v29, v2;
	v24 =	vadd.s32 $0x7704, v0;
	[tilespmem:v38+s24+$0x0] =	vst.idx.msk $0xffff, v37;
	v40 =	vld [tilespmem:s19+$0x170]  }
0x243: {  	v25 =	vadd.s32 $0x7F86, v0;
	v34 =	vadd.s32 $0x7F80, v0;
	v35 =	vadd.s32 $0x7701, v0;
	[tilespmem:v45+s24+$0x0] =	vst.idx.msk $0xffff, v36;
	v49 =	vld [tilespmem:s19+$0xE0]  }
0x244: {  	[tilespmem:v51+s24+$0x0] =	vst.idx.msk $0xffff, v43;
	v32 =	vadd.s32 $0x7F82, v0;
	v36 =	vadd.s32 $0x7F87, v0;
	v31 =	vmovc v20;
	v46 =	vld [tilespmem:s19+$0x30];
	v47 =	vadd.s32 v34, v2  }
0x245: {  	s21 =	simm.s32 $0xC600;
	v38 =	vmovc v22;
	v26 =	vadd.s32 v24, v2;
	v33 =	vadd.s32 v25, v2;
	v45 =	vadd.s32 v35, v2;
	v43 =	vld [tilespmem:s19+$0x1B0]  }
.LBB2_15:
0x246: {  	s20 =	sadd.s32 $0x8, s20;
	v51 =	vld [tilespmem:s21+$0xC0];
	v37 =	vadd.s32 $0x7F81, v0;
	[tilespmem:v44+s24+$0x0] =	vst.idx.msk $0xffff, v39  }
0x247: {  	v52 =	vadd.s32 v31, v2;
	v53 =	vadd.s32 v38, v2;
	v31 =	vmovc v20;
	v39 =	vmov s20;
	p2 =	slt.u32 s20, $0x78;
	v44 =	vld [tilespmem:s19+$0x120];
	[tilespmem:v48+s24+$0x0] =	vst.idx.msk $0xffff, v42  }
0x248: {  	v48 =	vadd.s32 v36, v2;
	v54 =	vshrl.u32 v39, $0x3;
	v39 =	vadd.s32 v37, v2;
	[tilespmem:v50+s24+$0x0] =	vst.idx.msk $0xffff, v49;
	v42 =	vld [tilespmem:s19+$0x1F0]  }
0x249: {  	v49 =	vadd.s32 v30, v2;
	v50 =	vshll.u32 v54, $0x3;
	[tilespmem:v47+s24+$0x0] =	vst.idx.msk $0xffff, v46;
	v46 =	vadd.s32 v32, v2;
	v47 =	vld [tilespmem:s19+$0xF0]  }
0x24a: {  	v38 =	vmov v22;
	v2 =	vbroadcast v50, $0x0;
	[tilespmem:v45+s24+$0x0] =	vst.idx.msk $0xffff, v41;
	v41 =	vld [tilespmem:s19+$0xB0]  }
0x24b: {  	v45 =	vld [tilespmem:s19+$0x70];
	[tilespmem:v33+s24+$0x0] =	vst.idx.msk $0xffff, v43  }
0x24c: {  	v43 =	vadd.s32 v5, v2;
	v50 =	vadd.s32 v7, v2;
	v54 =	vld [tilespmem:s21+$0x1C0];
	[tilespmem:v26+s24+$0x0] =	vst.idx.msk $0xffff, v44  }
0x24d: {  	v44 =	vadd.s32 v8, v2;
	v55 =	vadd.s32 v6, v2;
	v56 =	vld [tilespmem:s19+$0x130];
	[tilespmem:v48+s24+$0x0] =	vst.idx.msk $0xffff, v42;
	s19 =	smov.u32 s21  }
0x24e: {  	v57 =	vadd.s32 v3, v2;
	v42 =	vadd.s32 v4, v2;
	v48 =	vld [tilespmem:s21+$0x180];
	[tilespmem:v49+s24+$0x0] =	vst.idx.msk $0xffff, v47  }
0x24f: {  	v26 =	vadd.s32 v24, v2;
	v47 =	vadd.s32 v10, v2;
	v49 =	vld [tilespmem:s21+$0x140];
	[tilespmem:v46+s24+$0x0] =	vst.idx.msk $0xffff, v41  }
0x250: {  	v33 =	vadd.s32 v25, v2;
	v41 =	vld [tilespmem:s21+$0x0];
	[tilespmem:v39+s24+$0x0] =	vst.idx.msk $0xffff, v45  }
0x251: {  	v39 =	vld [tilespmem:s21+$0x80];
	[tilespmem:v53+s24+$0x0] =	vst.idx.msk $0xffff, v40  }
0x252: {  	v40 =	vld [tilespmem:s21+$0x100];
	[tilespmem:v52+s24+$0x0] =	vst.idx.msk $0xffff, v56  }
0x253: {  	v45 =	vld [tilespmem:s21+$0x40];
	[tilespmem:v57+s24+$0x0] =	vst.idx.msk $0xffff, v48  }
0x254: {  	v46 =	vadd.s32 v9, v2;
	[tilespmem:v42+s24+$0x0] =	vst.idx.msk $0xffff, v49;
	v42 =	vld [tilespmem:s21+$0x190]  }
0x255: {  	[tilespmem:v43+s24+$0x0] =	vst.idx.msk $0xffff, v41;
	v41 =	vld [tilespmem:s21+$0x150]  }
0x256: {  	v48 =	vadd.s32 v11, v2;
	v43 =	vld [tilespmem:s21+$0x10];
	[tilespmem:v55+s24+$0x0] =	vst.idx.msk $0xffff, v39  }
0x257: {  	v49 =	vld [tilespmem:s21+$0x90];
	[tilespmem:v50+s24+$0x0] =	vst.idx.msk $0xffff, v40;
	v40 =	vadd.s32 v12, v2  }
0x258: {  	v50 =	vadd.s32 v13, v2;
	[tilespmem:v44+s24+$0x0] =	vst.idx.msk $0xffff, v45;
	v39 =	vld [tilespmem:s21+$0x110]  }
0x259: {  	v45 =	vadd.s32 v14, v2;
	v44 =	vld [tilespmem:s21+$0x50];
	[tilespmem:v46+s24+$0x0] =	vst.idx.msk $0xffff, v54  }
0x25a: {  	[tilespmem:v47+s24+$0x0] =	vst.idx.msk $0xffff, v51;
	v46 =	vld [tilespmem:s21+$0x1D0];
	v47 =	vadd.s32 v15, v2  }
0x25b: {  	v51 =	vadd.s32 v16, v2;
	v52 =	vld [tilespmem:s21+$0xD0];
	[tilespmem:v48+s24+$0x0] =	vst.idx.msk $0xffff, v41  }
0x25c: {  	v53 =	vadd.s32 v17, v2;
	v48 =	vld [tilespmem:s21+$0x160];
	[tilespmem:v40+s24+$0x0] =	vst.idx.msk $0xffff, v42  }
0x25d: {  	v40 =	vadd.s32 v18, v2;
	[tilespmem:v50+s24+$0x0] =	vst.idx.msk $0xffff, v43;
	v43 =	vld [tilespmem:s21+$0x1A0]  }
0x25e: {  	v54 =	vadd.s32 v19, v2;
	v50 =	vld [tilespmem:s21+$0x20];
	[tilespmem:v45+s24+$0x0] =	vst.idx.msk $0xffff, v49  }
0x25f: {  	v45 =	vadd.s32 v21, v2;
	v55 =	vld [tilespmem:s21+$0xA0];
	[tilespmem:v47+s24+$0x0] =	vst.idx.msk $0xffff, v46  }
0x260: {  	[tilespmem:v51+s24+$0x0] =	vst.idx.msk $0xffff, v44;
	v51 =	vadd.s32 v23, v2;
	v44 =	vadd.s32 v27, v2;
	v42 =	vld [tilespmem:s21+$0x1E0]  }
.Ltmp6:
0x261: {  	v41 =	vld [tilespmem:s21+$0x60];
	[tilespmem:v53+s24+$0x0] =	vst.idx.msk $0xffff, v48;
	(pc) =	sbr.rel @p2 .LBB2_15-.Ltmp6, $4  }
0x262: {  	v48 =	vadd.s32 v28, v2;
	[tilespmem:v40+s24+$0x0] =	vst.idx.msk $0xffff, v52;
	v40 =	vld [tilespmem:s21+$0x170]  }
0x263: {  	[tilespmem:v54+s24+$0x0] =	vst.idx.msk $0xffff, v50;
	v49 =	vld [tilespmem:s21+$0xE0];
	v50 =	vadd.s32 v29, v2  }
0x264: {  	v47 =	vadd.s32 v34, v2;
	v46 =	vld [tilespmem:s21+$0x30];
	[tilespmem:v45+s24+$0x0] =	vst.idx.msk $0xffff, v43  }
0x265: {  	v45 =	vadd.s32 v35, v2;
	s21 =	sadd.s32 $0x200, s21;
	[tilespmem:v51+s24+$0x0] =	vst.idx.msk $0xffff, v55;
	v43 =	vld [tilespmem:s19+$0x1B0]  }
0x266: {  	_ =	sdelay $0x3  }
0x267: {  	[tilespmem:v44+s24+$0x0] =	vst.idx.msk $0xffff, v39  }
0x268: {  	[tilespmem:v48+s24+$0x0] =	vst.idx.msk $0xffff, v42;
	v3 =	vld [tilespmem:s19+$0x120]  }
0x269: {  	v8 =	vadd.s32 v32, v2;
	[tilespmem:v45+s24+$0x0] =	vst.idx.msk $0xffff, v41;
	v9 =	vld [tilespmem:s19+$0xB0]  }
0x26a: {  	v12 =	vadd.s32 v38, v2;
	[tilespmem:v50+s24+$0x0] =	vst.idx.msk $0xffff, v49  }
0x26b: {  	v5 =	vadd.s32 v36, v2;
	v4 =	vld [tilespmem:s19+$0x1F0];
	[tilespmem:v47+s24+$0x0] =	vst.idx.msk $0xffff, v46  }
0x26c: {  	v10 =	vadd.s32 v37, v2;
	v11 =	vld [tilespmem:s19+$0x70];
	[tilespmem:v33+s24+$0x0] =	vst.idx.msk $0xffff, v43  }
0x26d: {  	v7 =	vadd.s32 v30, v2;
	v6 =	vld [tilespmem:s19+$0xF0];
	[tilespmem:v26+s24+$0x0] =	vst.idx.msk $0xffff, v3  }
0x26e: {  	v2 =	vadd.s32 v31, v2;
	[tilespmem:v8+s24+$0x0] =	vst.idx.msk $0xffff, v9;
	v3 =	vld [tilespmem:s19+$0x130]  }
0x26f: {  	[tilespmem:v12+s24+$0x0] =	vst.idx.msk $0xffff, v40  }
0x270: {  	[tilespmem:v5+s24+$0x0] =	vst.idx.msk $0xffff, v4  }
0x271: {  	[tilespmem:v10+s24+$0x0] =	vst.idx.msk $0xffff, v11  }
0x272: {  	s6 =	sadd.s32 @!p1 $0x400, s17;
	[tilespmem:v7+s24+$0x0] =	vst.idx.msk $0xffff, v6  }
0x273: {  	s11 =	simm.s32 @!p1 $0x80;
	s21 =	sadd.s32 s9, s18;
	s19 =	simm.s32 @!p1 $0xC400;
	[tilespmem:v2+s24+$0x0] =	vst.idx.msk $0xffff, v3  }
0x274: {  	[tilespmem:s19], [sflag:$0x5] =	stream.indirect.gather @!p1 [hbm4b:s4+s11], $0x40, s6, s11, $0xb8;
	[tilespmem:$0x1AE00] =	vst v63  }
0x275: {  	s6 =	sshrl.u32 s21, $0x3  }
0x276: {  	s22 =	simm.s32 $0x16A00;
	s11 =	sadd.s32 s1, s6  }
0x277: {  	[hbm4b:s11+s2] =	stream.linear.scatter [tilespmem:s22], [sflag:$0xA], $0x80, $0x38;
	[tilespmem:$0x1AE00] =	vst v63  }
0x278: {  	s19 =	simm.s32 $0x16A88;
	s20 =	sadd.s32 $0x10, s11  }
0x279: {  	[hbm4b:s20+s2] =	stream.linear.scatter [tilespmem:s19], [sflag:$0xA], $0x80, $0x38;
	[tilespmem:$0x1AE00] =	vst v63  }
0x27a: {  	s21 =	simm.s32 $0x16B10;
	s22 =	sadd.s32 $0x20, s11  }
0x27b: {  	[hbm4b:s22+s2] =	stream.linear.scatter [tilespmem:s21], [sflag:$0xA], $0x80, $0x38;
	[tilespmem:$0x1AE00] =	vst v63  }
0x27c: {  	s19 =	simm.s32 $0x16B98;
	s20 =	sadd.s32 $0x30, s11  }
0x27d: {  	[hbm4b:s20+s2] =	stream.linear.scatter [tilespmem:s19], [sflag:$0xA], $0x80, $0x38;
	[tilespmem:$0x1AE00] =	vst v63  }
0x27e: {  	s21 =	simm.s32 $0x16C20;
	s22 =	sadd.s32 $0x40, s11  }
0x27f: {  	[hbm4b:s22+s2] =	stream.linear.scatter [tilespmem:s21], [sflag:$0xA], $0x80, $0x38;
	[tilespmem:$0x1AE00] =	vst v63  }
0x280: {  	s6 =	sadd.s32 $0x70, s11;
	s19 =	simm.s32 $0x16CA8;
	s20 =	sadd.s32 $0x50, s11  }
0x281: {  	[hbm4b:s20+s2] =	stream.linear.scatter [tilespmem:s19], [sflag:$0xA], $0x80, $0x38;
	[tilespmem:$0x1AE00] =	vst v63  }
0x282: {  	s21 =	simm.s32 $0x16D30;
	s22 =	sadd.s32 $0x60, s11;
	s19 =	simm.s32 $0x440  }
0x283: {  	[hbm4b:s22+s2] =	stream.linear.scatter [tilespmem:s21], [sflag:$0xA], $0x80, $0x38;
	[tilespmem:$0x1AE00] =	vst v63  }
0x284: {  	s20 =	sadd.s32 $0x1000, s11;
	s21 =	simm.s32 $0x2200;
	s22 =	simm.s32 $0x16DB8  }
.LBB2_17:
0x285: {  	[hbm4b:s6+s2] =	stream.linear.scatter [tilespmem:s22], [sflag:$0xA], $0x80, $0x38;
	[tilespmem:$0x1AE00] =	vst v63  }
0x286: {  	s6 =	smov.u32 s19;
	s11 =	smov.u32 s21  }
0x287: {  	s19 =	sshra.s32 s11, $0x2;
	s11 =	sadd.s32 $0x1100, s21;
	s22 =	sadd.s32 $0x16A00, s6  }
0x288: {  	[hbm4b:s20+s2] =	stream.linear.scatter [tilespmem:s22], [sflag:$0xA], $0x80, $0x38;
	[tilespmem:$0x1AE00] =	vst v63  }
0x289: {  	p2 =	sne.s32 s21, $0x7700;
	s21 =	sadd.s32 $0x16A88, s6;
	s22 =	sadd.s32 $0x10, s20  }
0x28a: {  	[hbm4b:s22+s2] =	stream.linear.scatter [tilespmem:s21], [sflag:$0xA], $0x80, $0x38;
	[tilespmem:$0x1AE00] =	vst v63  }
0x28b: {  	s21 =	sadd.s32 $0x16B10, s6;
	s22 =	sadd.s32 $0x20, s20  }
0x28c: {  	[hbm4b:s22+s2] =	stream.linear.scatter [tilespmem:s21], [sflag:$0xA], $0x80, $0x38;
	[tilespmem:$0x1AE00] =	vst v63  }
0x28d: {  	s21 =	sadd.s32 $0x16B98, s6;
	s22 =	sadd.s32 $0x30, s20  }
0x28e: {  	[hbm4b:s22+s2] =	stream.linear.scatter [tilespmem:s21], [sflag:$0xA], $0x80, $0x38;
	[tilespmem:$0x1AE00] =	vst v63  }
0x28f: {  	s21 =	sadd.s32 $0x16C20, s6;
	s22 =	sadd.s32 $0x40, s20  }
0x290: {  	[hbm4b:s22+s2] =	stream.linear.scatter [tilespmem:s21], [sflag:$0xA], $0x80, $0x38;
	[tilespmem:$0x1AE00] =	vst v63  }
0x291: {  	s21 =	sadd.s32 $0x16CA8, s6;
	s22 =	sadd.s32 $0x50, s20  }
0x292: {  	[hbm4b:s22+s2] =	stream.linear.scatter [tilespmem:s21], [sflag:$0xA], $0x80, $0x38;
	[tilespmem:$0x1AE00] =	vst v63  }
.Ltmp7:
0x293: {  	_ = 	snop;
	(pc) =	sbr.rel @p2 .LBB2_17-.Ltmp7, $4  }
0x294: {  	s21 =	sadd.s32 $0x16D30, s6;
	s22 =	sadd.s32 $0x60, s20  }
0x295: {  	[hbm4b:s22+s2] =	stream.linear.scatter [tilespmem:s21], [sflag:$0xA], $0x80, $0x38;
	[tilespmem:$0x1AE00] =	vst v63  }
0x296: {  	s22 =	sadd.s32 $0x16DB8, s6  }
0x297: {  	s6 =	sadd.s32 $0x70, s20;
	s20 =	sadd.s32 $0x1000, s20;
	s21 =	smov.u32 s11  }
0x298: {  	[hbm4b:s6+s2] =	stream.linear.scatter [tilespmem:s22], [sflag:$0xA], $0x80, $0x38;
	[tilespmem:$0x1AE00] =	vst v63  }
0x299: {  	s21 =	sadd.s32 $0x16A00, s19  }
0x29a: {  	[hbm4b:s20+s2] =	stream.linear.scatter [tilespmem:s21], [sflag:$0xA], $0x80, $0x38;
	[tilespmem:$0x1AE00] =	vst v63  }
0x29b: {  	s22 =	sadd.s32 $0x16A88, s19;
	s11 =	sadd.s32 $0x10, s20  }
0x29c: {  	[hbm4b:s11+s2] =	stream.linear.scatter [tilespmem:s22], [sflag:$0xA], $0x80, $0x38;
	[tilespmem:$0x1AE00] =	vst v63  }
0x29d: {  	s21 =	sadd.s32 $0x16B10, s19;
	s22 =	sadd.s32 $0x20, s20  }
0x29e: {  	[hbm4b:s22+s2] =	stream.linear.scatter [tilespmem:s21], [sflag:$0xA], $0x80, $0x38;
	[tilespmem:$0x1AE00] =	vst v63  }
0x29f: {  	s21 =	sadd.s32 $0x16B98, s19;
	s22 =	sadd.s32 $0x30, s20  }
0x2a0: {  	[hbm4b:s22+s2] =	stream.linear.scatter [tilespmem:s21], [sflag:$0xA], $0x80, $0x38;
	[tilespmem:$0x1AE00] =	vst v63  }
0x2a1: {  	s21 =	sadd.s32 $0x16C20, s19;
	s22 =	sadd.s32 $0x40, s20  }
0x2a2: {  	[hbm4b:s22+s2] =	stream.linear.scatter [tilespmem:s21], [sflag:$0xA], $0x80, $0x38;
	[tilespmem:$0x1AE00] =	vst v63  }
0x2a3: {  	s21 =	sadd.s32 $0x16CA8, s19;
	s22 =	sadd.s32 $0x50, s20  }
0x2a4: {  	[hbm4b:s22+s2] =	stream.linear.scatter [tilespmem:s21], [sflag:$0xA], $0x80, $0x38;
	[tilespmem:$0x1AE00] =	vst v63  }
0x2a5: {  	s21 =	sadd.s32 $0x16D30, s19;
	s22 =	sadd.s32 $0x60, s20  }
0x2a6: {  	[hbm4b:s22+s2] =	stream.linear.scatter [tilespmem:s21], [sflag:$0xA], $0x80, $0x38;
	[tilespmem:$0x1AE00] =	vst v63  }
0x2a7: {  	s21 =	sadd.s32 $0x16DB8, s19;
	s22 =	sadd.s32 $0x70, s20  }
0x2a8: {  	[hbm4b:s22+s2] =	stream.linear.scatter [tilespmem:s21], [sflag:$0xA], $0x80, $0x38;
	[tilespmem:$0x1AE00] =	vst v63  }
0x2a9: {  	_ =	swait.ge [sflag:s29], $0x2000  }
0x2aa: {  	s20 =	simm.s32 $0x0;
	[sflag:s29] =	ssyncset.done $0x0  }
0x2ab: {  	s6 =	simm.s32 @!p0 $0xB;
	v2 =	vmov s20;
	[sflag:s29] =	ssyncadd.s32 $0xFFFFE000  }
0x2ac: {  	v2 =	vshrl.u32 v2, $0x3;
	_ =	swait.ge @!p0 [sflag:s6], $0x2000  }
0x2ad: {  	v2 =	vshll.u32 v2, $0x3;
	[sflag:s6] =	ssyncset.done @!p0 $0x0  }
0x2ae: {  	s19 =	simm.s32 $0xE400;
	v2 =	vbroadcast v2, $0x0;
	[sflag:s6] =	ssyncadd.s32 @!p0 $0xFFFFE000  }
0x2af: {  	v3 =	vor.u32 $0x8806, v0;
	v17 =	vld [tilespmem:s19+$0xC0]  }
0x2b0: {  	v4 =	vor.u32 $0x8805, v0;
	v10 =	vadd.s32 v3, v2;
	v9 =	vld [tilespmem:s19+$0x180]  }
0x2b1: {  	v5 =	vor.u32 $0x8800, v0;
	v11 =	vadd.s32 v4, v2;
	v12 =	vld [tilespmem:s19+$0x140]  }
0x2b2: {  	v6 =	vor.u32 $0x8802, v0;
	v13 =	vadd.s32 v5, v2;
	v14 =	vld [tilespmem:s19+$0x0]  }
0x2b3: {  	v7 =	vor.u32 $0x8804, v0;
	v16 =	vadd.s32 v6, v2;
	v18 =	vld [tilespmem:s19+$0x80]  }
0x2b4: {  	v8 =	vor.u32 $0x8801, v0;
	v19 =	vadd.s32 v7, v2;
	v20 =	vld [tilespmem:s19+$0x100]  }
0x2b5: {  	v21 =	vadd.s32 v8, v2;
	v22 =	vld [tilespmem:s19+$0x40];
	[tilespmem:v10+s24+$0x0] =	vst.idx.msk $0xffff, v9;
	v9 =	vor.u32 $0x8807, v0  }
0x2b6: {  	v15 =	vld [tilespmem:s19+$0x1C0];
	v10 =	vor.u32 $0x8803, v0;
	[tilespmem:v11+s24+$0x0] =	vst.idx.msk $0xffff, v12;
	v24 =	vadd.s32 v9, v2  }
0x2b7: {  	[tilespmem:v13+s24+$0x0] =	vst.idx.msk $0xffff, v14;
	v11 =	vadd.s32 $0x9085, v0;
	v23 =	vld [tilespmem:s19+$0x190];
	v25 =	vadd.s32 v10, v2  }
0x2b8: {  	[tilespmem:v16+s24+$0x0] =	vst.idx.msk $0xffff, v18;
	v12 =	vadd.s32 $0x9086, v0;
	v26 =	vld [tilespmem:s19+$0x150];
	v18 =	vadd.s32 v11, v2  }
0x2b9: {  	v13 =	vadd.s32 $0x9080, v0;
	[tilespmem:v19+s24+$0x0] =	vst.idx.msk $0xffff, v20;
	v27 =	vld [tilespmem:s19+$0x10];
	v19 =	vadd.s32 v12, v2  }
0x2ba: {  	[tilespmem:v21+s24+$0x0] =	vst.idx.msk $0xffff, v22;
	v14 =	vadd.s32 $0x9082, v0;
	v28 =	vld [tilespmem:s19+$0x90];
	v20 =	vadd.s32 v13, v2  }
0x2bb: {  	v16 =	vadd.s32 $0x9081, v0;
	v39 =	vld [tilespmem:s19+$0x110];
	v21 =	vadd.s32 v14, v2;
	[tilespmem:v24+s24+$0x0] =	vst.idx.msk $0xffff, v15  }
0x2bc: {  	v29 =	vld [tilespmem:s19+$0x50];
	v30 =	vadd.s32 v16, v2;
	v15 =	vadd.s32 $0x9087, v0;
	[tilespmem:v25+s24+$0x0] =	vst.idx.msk $0xffff, v17  }
0x2bd: {  	[tilespmem:v18+s24+$0x0] =	vst.idx.msk $0xffff, v26;
	v17 =	vadd.s32 $0x9905, v0;
	v24 =	vld [tilespmem:s19+$0x1D0];
	v25 =	vadd.s32 v15, v2  }
0x2be: {  	v18 =	vadd.s32 $0x9083, v0;
	[tilespmem:v19+s24+$0x0] =	vst.idx.msk $0xffff, v23;
	v32 =	vld [tilespmem:s19+$0x160];
	v34 =	vadd.s32 v17, v2  }
0x2bf: {  	[tilespmem:v20+s24+$0x0] =	vst.idx.msk $0xffff, v27;
	v19 =	vadd.s32 $0x9900, v0;
	v31 =	vld [tilespmem:s19+$0xD0];
	v35 =	vadd.s32 v18, v2  }
0x2c0: {  	[tilespmem:v21+s24+$0x0] =	vst.idx.msk $0xffff, v28;
	v21 =	vadd.s32 $0x9906, v0;
	v37 =	vld [tilespmem:s19+$0x20];
	v38 =	vadd.s32 v19, v2  }
0x2c1: {  	v23 =	vadd.s32 $0x9902, v0;
	[tilespmem:v30+s24+$0x0] =	vst.idx.msk $0xffff, v29;
	v36 =	vld [tilespmem:s19+$0x1A0];
	v45 =	vadd.s32 v21, v2  }
0x2c2: {  	v22 =	vadd.s32 $0xA185, v0;
	v43 =	vld [tilespmem:s19+$0xA0];
	v51 =	vadd.s32 v23, v2;
	[tilespmem:v25+s24+$0x0] =	vst.idx.msk $0xffff, v24  }
0x2c3: {  	v20 =	vadd.s32 $0xA184, v0;
	v27 =	vadd.s32 $0x9084, v0;
	v28 =	vadd.s32 $0x9907, v0;
	v41 =	vld [tilespmem:s19+$0x60];
	[tilespmem:v34+s24+$0x0] =	vst.idx.msk $0xffff, v32  }
0x2c4: {  	v29 =	vadd.s32 $0x9903, v0;
	v30 =	vadd.s32 $0xA183, v0;
	v44 =	vadd.s32 v27, v2;
	[tilespmem:v35+s24+$0x0] =	vst.idx.msk $0xffff, v31;
	v42 =	vld [tilespmem:s19+$0x1E0]  }
0x2c5: {  	v48 =	vadd.s32 v28, v2;
	v50 =	vadd.s32 v29, v2;
	v24 =	vadd.s32 $0x9904, v0;
	[tilespmem:v38+s24+$0x0] =	vst.idx.msk $0xffff, v37;
	v40 =	vld [tilespmem:s19+$0x170]  }
0x2c6: {  	v25 =	vadd.s32 $0xA186, v0;
	v34 =	vadd.s32 $0xA180, v0;
	v35 =	vadd.s32 $0x9901, v0;
	[tilespmem:v45+s24+$0x0] =	vst.idx.msk $0xffff, v36;
	v49 =	vld [tilespmem:s19+$0xE0]  }
0x2c7: {  	[tilespmem:v51+s24+$0x0] =	vst.idx.msk $0xffff, v43;
	v32 =	vadd.s32 $0xA182, v0;
	v36 =	vadd.s32 $0xA187, v0;
	v31 =	vmovc v20;
	v46 =	vld [tilespmem:s19+$0x30];
	v47 =	vadd.s32 v34, v2  }
0x2c8: {  	s21 =	simm.s32 $0xE600;
	v38 =	vmovc v22;
	v26 =	vadd.s32 v24, v2;
	v33 =	vadd.s32 v25, v2;
	v45 =	vadd.s32 v35, v2;
	v43 =	vld [tilespmem:s19+$0x1B0]  }
.LBB2_19:
0x2c9: {  	s20 =	sadd.s32 $0x8, s20;
	v51 =	vld [tilespmem:s21+$0xC0];
	v37 =	vadd.s32 $0xA181, v0;
	[tilespmem:v44+s24+$0x0] =	vst.idx.msk $0xffff, v39  }
0x2ca: {  	v52 =	vadd.s32 v31, v2;
	v53 =	vadd.s32 v38, v2;
	v31 =	vmovc v20;
	v39 =	vmov s20;
	p0 =	slt.u32 s20, $0x78;
	v44 =	vld [tilespmem:s19+$0x120];
	[tilespmem:v48+s24+$0x0] =	vst.idx.msk $0xffff, v42  }
0x2cb: {  	v48 =	vadd.s32 v36, v2;
	v54 =	vshrl.u32 v39, $0x3;
	v39 =	vadd.s32 v37, v2;
	[tilespmem:v50+s24+$0x0] =	vst.idx.msk $0xffff, v49;
	v42 =	vld [tilespmem:s19+$0x1F0]  }
0x2cc: {  	v49 =	vadd.s32 v30, v2;
	v50 =	vshll.u32 v54, $0x3;
	[tilespmem:v47+s24+$0x0] =	vst.idx.msk $0xffff, v46;
	v46 =	vadd.s32 v32, v2;
	v47 =	vld [tilespmem:s19+$0xF0]  }
0x2cd: {  	v38 =	vmov v22;
	v2 =	vbroadcast v50, $0x0;
	[tilespmem:v45+s24+$0x0] =	vst.idx.msk $0xffff, v41;
	v41 =	vld [tilespmem:s19+$0xB0]  }
0x2ce: {  	v45 =	vld [tilespmem:s19+$0x70];
	[tilespmem:v33+s24+$0x0] =	vst.idx.msk $0xffff, v43  }
0x2cf: {  	v43 =	vadd.s32 v5, v2;
	v50 =	vadd.s32 v7, v2;
	v54 =	vld [tilespmem:s21+$0x1C0];
	[tilespmem:v26+s24+$0x0] =	vst.idx.msk $0xffff, v44  }
0x2d0: {  	v44 =	vadd.s32 v8, v2;
	v55 =	vadd.s32 v6, v2;
	v56 =	vld [tilespmem:s19+$0x130];
	[tilespmem:v48+s24+$0x0] =	vst.idx.msk $0xffff, v42;
	s19 =	smov.u32 s21  }
0x2d1: {  	v57 =	vadd.s32 v3, v2;
	v42 =	vadd.s32 v4, v2;
	v48 =	vld [tilespmem:s21+$0x180];
	[tilespmem:v49+s24+$0x0] =	vst.idx.msk $0xffff, v47  }
0x2d2: {  	v26 =	vadd.s32 v24, v2;
	v47 =	vadd.s32 v10, v2;
	v49 =	vld [tilespmem:s21+$0x140];
	[tilespmem:v46+s24+$0x0] =	vst.idx.msk $0xffff, v41  }
0x2d3: {  	v33 =	vadd.s32 v25, v2;
	v41 =	vld [tilespmem:s21+$0x0];
	[tilespmem:v39+s24+$0x0] =	vst.idx.msk $0xffff, v45  }
0x2d4: {  	v39 =	vld [tilespmem:s21+$0x80];
	[tilespmem:v53+s24+$0x0] =	vst.idx.msk $0xffff, v40  }
0x2d5: {  	v40 =	vld [tilespmem:s21+$0x100];
	[tilespmem:v52+s24+$0x0] =	vst.idx.msk $0xffff, v56  }
0x2d6: {  	v45 =	vld [tilespmem:s21+$0x40];
	[tilespmem:v57+s24+$0x0] =	vst.idx.msk $0xffff, v48  }
0x2d7: {  	v46 =	vadd.s32 v9, v2;
	[tilespmem:v42+s24+$0x0] =	vst.idx.msk $0xffff, v49;
	v42 =	vld [tilespmem:s21+$0x190]  }
0x2d8: {  	[tilespmem:v43+s24+$0x0] =	vst.idx.msk $0xffff, v41;
	v41 =	vld [tilespmem:s21+$0x150]  }
0x2d9: {  	v48 =	vadd.s32 v11, v2;
	v43 =	vld [tilespmem:s21+$0x10];
	[tilespmem:v55+s24+$0x0] =	vst.idx.msk $0xffff, v39  }
0x2da: {  	v49 =	vld [tilespmem:s21+$0x90];
	[tilespmem:v50+s24+$0x0] =	vst.idx.msk $0xffff, v40;
	v40 =	vadd.s32 v12, v2  }
0x2db: {  	v50 =	vadd.s32 v13, v2;
	[tilespmem:v44+s24+$0x0] =	vst.idx.msk $0xffff, v45;
	v39 =	vld [tilespmem:s21+$0x110]  }
0x2dc: {  	v45 =	vadd.s32 v14, v2;
	v44 =	vld [tilespmem:s21+$0x50];
	[tilespmem:v46+s24+$0x0] =	vst.idx.msk $0xffff, v54  }
0x2dd: {  	[tilespmem:v47+s24+$0x0] =	vst.idx.msk $0xffff, v51;
	v46 =	vld [tilespmem:s21+$0x1D0];
	v47 =	vadd.s32 v15, v2  }
0x2de: {  	v51 =	vadd.s32 v16, v2;
	v52 =	vld [tilespmem:s21+$0xD0];
	[tilespmem:v48+s24+$0x0] =	vst.idx.msk $0xffff, v41  }
0x2df: {  	v53 =	vadd.s32 v17, v2;
	v48 =	vld [tilespmem:s21+$0x160];
	[tilespmem:v40+s24+$0x0] =	vst.idx.msk $0xffff, v42  }
0x2e0: {  	v40 =	vadd.s32 v18, v2;
	[tilespmem:v50+s24+$0x0] =	vst.idx.msk $0xffff, v43;
	v43 =	vld [tilespmem:s21+$0x1A0]  }
0x2e1: {  	v54 =	vadd.s32 v19, v2;
	v50 =	vld [tilespmem:s21+$0x20];
	[tilespmem:v45+s24+$0x0] =	vst.idx.msk $0xffff, v49  }
0x2e2: {  	v45 =	vadd.s32 v21, v2;
	v55 =	vld [tilespmem:s21+$0xA0];
	[tilespmem:v47+s24+$0x0] =	vst.idx.msk $0xffff, v46  }
0x2e3: {  	[tilespmem:v51+s24+$0x0] =	vst.idx.msk $0xffff, v44;
	v51 =	vadd.s32 v23, v2;
	v44 =	vadd.s32 v27, v2;
	v42 =	vld [tilespmem:s21+$0x1E0]  }
.Ltmp8:
0x2e4: {  	v41 =	vld [tilespmem:s21+$0x60];
	[tilespmem:v53+s24+$0x0] =	vst.idx.msk $0xffff, v48;
	(pc) =	sbr.rel @p0 .LBB2_19-.Ltmp8, $4  }
0x2e5: {  	v48 =	vadd.s32 v28, v2;
	[tilespmem:v40+s24+$0x0] =	vst.idx.msk $0xffff, v52;
	v40 =	vld [tilespmem:s21+$0x170]  }
0x2e6: {  	[tilespmem:v54+s24+$0x0] =	vst.idx.msk $0xffff, v50;
	v49 =	vld [tilespmem:s21+$0xE0];
	v50 =	vadd.s32 v29, v2  }
0x2e7: {  	v47 =	vadd.s32 v34, v2;
	v46 =	vld [tilespmem:s21+$0x30];
	[tilespmem:v45+s24+$0x0] =	vst.idx.msk $0xffff, v43  }
0x2e8: {  	v45 =	vadd.s32 v35, v2;
	s21 =	sadd.s32 $0x200, s21;
	[tilespmem:v51+s24+$0x0] =	vst.idx.msk $0xffff, v55;
	v43 =	vld [tilespmem:s19+$0x1B0]  }
0x2e9: {  	_ =	sdelay $0x3  }
0x2ea: {  	[tilespmem:v44+s24+$0x0] =	vst.idx.msk $0xffff, v39  }
0x2eb: {  	[tilespmem:v48+s24+$0x0] =	vst.idx.msk $0xffff, v42;
	v3 =	vld [tilespmem:s19+$0x120]  }
0x2ec: {  	v8 =	vadd.s32 v32, v2;
	[tilespmem:v45+s24+$0x0] =	vst.idx.msk $0xffff, v41;
	v9 =	vld [tilespmem:s19+$0xB0]  }
0x2ed: {  	v12 =	vadd.s32 v38, v2;
	[tilespmem:v50+s24+$0x0] =	vst.idx.msk $0xffff, v49  }
0x2ee: {  	v5 =	vadd.s32 v36, v2;
	v4 =	vld [tilespmem:s19+$0x1F0];
	[tilespmem:v47+s24+$0x0] =	vst.idx.msk $0xffff, v46  }
0x2ef: {  	v10 =	vadd.s32 v37, v2;
	v11 =	vld [tilespmem:s19+$0x70];
	[tilespmem:v33+s24+$0x0] =	vst.idx.msk $0xffff, v43  }
0x2f0: {  	v7 =	vadd.s32 v30, v2;
	v6 =	vld [tilespmem:s19+$0xF0];
	[tilespmem:v26+s24+$0x0] =	vst.idx.msk $0xffff, v3  }
0x2f1: {  	v2 =	vadd.s32 v31, v2;
	[tilespmem:v8+s24+$0x0] =	vst.idx.msk $0xffff, v9;
	v3 =	vld [tilespmem:s19+$0x130]  }
0x2f2: {  	[tilespmem:v12+s24+$0x0] =	vst.idx.msk $0xffff, v40  }
0x2f3: {  	[tilespmem:v5+s24+$0x0] =	vst.idx.msk $0xffff, v4  }
0x2f4: {  	[tilespmem:v10+s24+$0x0] =	vst.idx.msk $0xffff, v11  }
0x2f5: {  	s6 =	sadd.s32 @!p1 $0x480, s17;
	[tilespmem:v7+s24+$0x0] =	vst.idx.msk $0xffff, v6  }
0x2f6: {  	s11 =	simm.s32 @!p1 $0x80;
	s17 =	simm.s32 @!p1 $0xE400;
	s21 =	sadd.s32 s10, s18;
	[tilespmem:v2+s24+$0x0] =	vst.idx.msk $0xffff, v3  }
0x2f7: {  	[tilespmem:s17], [sflag:$0x6] =	stream.indirect.gather @!p1 [hbm4b:s4+s11], $0x40, s6, s11, $0xb8;
	[tilespmem:$0x1AE00] =	vst v63  }
0x2f8: {  	s6 =	sshrl.u32 s21, $0x3  }
0x2f9: {  	s22 =	simm.s32 $0x18C00;
	s11 =	sadd.s32 s1, s6  }
0x2fa: {  	[hbm4b:s11+s2] =	stream.linear.scatter [tilespmem:s22], [sflag:$0xB], $0x80, $0x38;
	[tilespmem:$0x1AE00] =	vst v63  }
0x2fb: {  	s17 =	simm.s32 $0x18C88;
	s18 =	sadd.s32 $0x10, s11  }
0x2fc: {  	[hbm4b:s18+s2] =	stream.linear.scatter [tilespmem:s17], [sflag:$0xB], $0x80, $0x38;
	[tilespmem:$0x1AE00] =	vst v63  }
0x2fd: {  	s19 =	simm.s32 $0x18D10;
	s21 =	simm.s32 $0x18D98;
	s20 =	sadd.s32 $0x20, s11  }
0x2fe: {  	[hbm4b:s20+s2] =	stream.linear.scatter [tilespmem:s19], [sflag:$0xB], $0x80, $0x38;
	[tilespmem:$0x1AE00] =	vst v63  }
0x2ff: {  	s22 =	sadd.s32 $0x30, s11;
	s6 =	sadd.s32 $0x70, s11;
	s17 =	simm.s32 $0x18E20  }
0x300: {  	[hbm4b:s22+s2] =	stream.linear.scatter [tilespmem:s21], [sflag:$0xB], $0x80, $0x38;
	[tilespmem:$0x1AE00] =	vst v63  }
0x301: {  	s18 =	sadd.s32 $0x40, s11;
	s19 =	simm.s32 $0x18EA8;
	s20 =	sadd.s32 $0x50, s11  }
0x302: {  	[hbm4b:s18+s2] =	stream.linear.scatter [tilespmem:s17], [sflag:$0xB], $0x80, $0x38;
	[tilespmem:$0x1AE00] =	vst v63  }
0x303: {  	s21 =	simm.s32 $0x18F30;
	s22 =	sadd.s32 $0x60, s11;
	s17 =	simm.s32 $0x440  }
0x304: {  	[hbm4b:s20+s2] =	stream.linear.scatter [tilespmem:s19], [sflag:$0xB], $0x80, $0x38;
	[tilespmem:$0x1AE00] =	vst v63  }
0x305: {  	s18 =	sadd.s32 $0x1000, s11;
	s19 =	simm.s32 $0x2200;
	s20 =	simm.s32 $0x18FB8  }
0x306: {  	[hbm4b:s22+s2] =	stream.linear.scatter [tilespmem:s21], [sflag:$0xB], $0x80, $0x38;
	[tilespmem:$0x1AE00] =	vst v63  }
.LBB2_21:
0x307: {  	[hbm4b:s6+s2] =	stream.linear.scatter [tilespmem:s20], [sflag:$0xB], $0x80, $0x38;
	[tilespmem:$0x1AE00] =	vst v63  }
0x308: {  	s6 =	smov.u32 s17;
	s11 =	smov.u32 s19  }
0x309: {  	s17 =	sshra.s32 s11, $0x2;
	s11 =	sadd.s32 $0x1100, s19;
	s20 =	sadd.s32 $0x18C00, s6  }
0x30a: {  	[hbm4b:s18+s2] =	stream.linear.scatter [tilespmem:s20], [sflag:$0xB], $0x80, $0x38;
	[tilespmem:$0x1AE00] =	vst v63  }
0x30b: {  	p0 =	sne.s32 s19, $0x7700;
	s19 =	sadd.s32 $0x18C88, s6;
	s20 =	sadd.s32 $0x10, s18  }
0x30c: {  	[hbm4b:s20+s2] =	stream.linear.scatter [tilespmem:s19], [sflag:$0xB], $0x80, $0x38;
	[tilespmem:$0x1AE00] =	vst v63  }
0x30d: {  	s19 =	sadd.s32 $0x18D10, s6;
	s20 =	sadd.s32 $0x20, s18  }
0x30e: {  	[hbm4b:s20+s2] =	stream.linear.scatter [tilespmem:s19], [sflag:$0xB], $0x80, $0x38;
	[tilespmem:$0x1AE00] =	vst v63  }
0x30f: {  	s19 =	sadd.s32 $0x18D98, s6;
	s20 =	sadd.s32 $0x30, s18  }
0x310: {  	[hbm4b:s20+s2] =	stream.linear.scatter [tilespmem:s19], [sflag:$0xB], $0x80, $0x38;
	[tilespmem:$0x1AE00] =	vst v63  }
0x311: {  	s19 =	sadd.s32 $0x18E20, s6;
	s20 =	sadd.s32 $0x40, s18  }
0x312: {  	[hbm4b:s20+s2] =	stream.linear.scatter [tilespmem:s19], [sflag:$0xB], $0x80, $0x38;
	[tilespmem:$0x1AE00] =	vst v63  }
0x313: {  	s19 =	sadd.s32 $0x18EA8, s6;
	s20 =	sadd.s32 $0x50, s18  }
0x314: {  	[hbm4b:s20+s2] =	stream.linear.scatter [tilespmem:s19], [sflag:$0xB], $0x80, $0x38;
	[tilespmem:$0x1AE00] =	vst v63  }
.Ltmp9:
0x315: {  	_ = 	snop;
	(pc) =	sbr.rel @p0 .LBB2_21-.Ltmp9, $4  }
0x316: {  	s19 =	sadd.s32 $0x18F30, s6;
	s20 =	sadd.s32 $0x60, s18  }
0x317: {  	[hbm4b:s20+s2] =	stream.linear.scatter [tilespmem:s19], [sflag:$0xB], $0x80, $0x38;
	[tilespmem:$0x1AE00] =	vst v63  }
0x318: {  	s20 =	sadd.s32 $0x18FB8, s6  }
0x319: {  	s6 =	sadd.s32 $0x70, s18;
	s18 =	sadd.s32 $0x1000, s18;
	s19 =	smov.u32 s11  }
0x31a: {  	v38 =	vld [tilespmem:$0x1FD60]  }
0x31b: {  	v3 =	vld [tilespmem:$0x1FD70]  }
0x31c: {  	v39 =	vld [tilespmem:$0x1FD80]  }
0x31d: {  	v30 =	vld [tilespmem:$0x1FD90]  }
0x31e: {  	v23 =	vld [tilespmem:$0x1FDA0]  }
0x31f: {  	v33 =	vld [tilespmem:$0x1FDB0]  }
0x320: {  	v36 =	vld [tilespmem:$0x1FDC0]  }
0x321: {  	v32 =	vld [tilespmem:$0x1FDD0]  }
0x322: {  	v35 =	vld [tilespmem:$0x1FDE0]  }
0x323: {  	v31 =	vld [tilespmem:$0x1FDF0]  }
0x324: {  	v40 =	vld [tilespmem:$0x1FE00]  }
0x325: {  	v41 =	vld [tilespmem:$0x1FE10]  }
0x326: {  	v42 =	vld [tilespmem:$0x1FE20]  }
0x327: {  	[hbm4b:s6+s2] =	stream.linear.scatter [tilespmem:s20], [sflag:$0xB], $0x80, $0x38;
	v43 =	vld [tilespmem:$0x1FE30]  }
0x328: {  	s21 =	sadd.s32 $0x18C00, s17;
	v44 =	vld [tilespmem:$0x1FE40]  }
0x329: {  	v45 =	vld [tilespmem:$0x1FE50];
	[hbm4b:s18+s2] =	stream.linear.scatter [tilespmem:s21], [sflag:$0xB], $0x80, $0x38  }
0x32a: {  	s22 =	sadd.s32 $0x18C88, s17;
	s11 =	sadd.s32 $0x10, s18;
	v46 =	vld [tilespmem:$0x1FE60]  }
0x32b: {  	v47 =	vld [tilespmem:$0x1FE70];
	[hbm4b:s11+s2] =	stream.linear.scatter [tilespmem:s22], [sflag:$0xB], $0x80, $0x38  }
0x32c: {  	s19 =	sadd.s32 $0x18D10, s17;
	s20 =	sadd.s32 $0x20, s18;
	v48 =	vld [tilespmem:$0x1FE80]  }
0x32d: {  	v49 =	vld [tilespmem:$0x1FE90];
	[hbm4b:s20+s2] =	stream.linear.scatter [tilespmem:s19], [sflag:$0xB], $0x80, $0x38  }
0x32e: {  	v50 =	vld [tilespmem:$0x1FEA0];
	s21 =	sadd.s32 $0x18D98, s17;
	s22 =	sadd.s32 $0x30, s18  }
0x32f: {  	v51 =	vld [tilespmem:$0x1FEB0];
	[hbm4b:s22+s2] =	stream.linear.scatter [tilespmem:s21], [sflag:$0xB], $0x80, $0x38  }
0x330: {  	s16 =	sadd.s32 $0x1, s16;
	v52 =	vld [tilespmem:$0x1FEC0];
	s19 =	sadd.s32 $0x18E20, s17;
	s20 =	sadd.s32 $0x40, s18  }
0x331: {  	v53 =	vld [tilespmem:$0x1FED0];
	[hbm4b:s20+s2] =	stream.linear.scatter [tilespmem:s19], [sflag:$0xB], $0x80, $0x38  }
0x332: {  	v54 =	vld [tilespmem:$0x1FEE0];
	p0 =	sne.s32 s16, $0x28;
	s21 =	sadd.s32 $0x18EA8, s17;
	s22 =	sadd.s32 $0x50, s18  }
0x333: {  	v55 =	vld [tilespmem:$0x1FEF0];
	[hbm4b:s22+s2] =	stream.linear.scatter [tilespmem:s21], [sflag:$0xB], $0x80, $0x38  }
.Ltmp10:
0x334: {  	v56 =	vld [tilespmem:$0x1FF00];
	(pc) =	sbr.rel @p0 .LBB2_2-.Ltmp10, $4  }
0x335: {  	v57 =	vld [tilespmem:$0x1FF10];
	s19 =	sadd.s32 $0x18F30, s17;
	s20 =	sadd.s32 $0x60, s18  }
0x336: {  	v58 =	vld [tilespmem:$0x1FF20];
	[hbm4b:s20+s2] =	stream.linear.scatter [tilespmem:s19], [sflag:$0xB], $0x80, $0x38  }
0x337: {  	v59 =	vld [tilespmem:$0x1FF30];
	s21 =	sadd.s32 $0x18FB8, s17;
	s22 =	sadd.s32 $0x70, s18  }
0x338: {  	v60 =	vld [tilespmem:$0x1FF40];
	[hbm4b:s22+s2] =	stream.linear.scatter [tilespmem:s21], [sflag:$0xB], $0x80, $0x38  }
0x339: {  	_ =	swait.ge [sflag:s30], $0x2000  }
0x33a: {  	[sflag:s30] =	ssyncset.done $0x0  }
0x33b: {  	[sflag:s30] =	ssyncadd.s32 $0xFFFFE000  }
0x33c: {  	_ =	swait.ge [sflag:s31], $0x2000  }
0x33d: {  	[sflag:s31] =	ssyncset.done $0x0  }
0x33e: {  	[sflag:s31] =	ssyncadd.s32 $0xFFFFE000  }
0x33f: {  	_ =	swait.ge [sflag:s0], $0x2000  }
0x340: {  	[sflag:s0] =	ssyncset.done $0x0  }
0x341: {  	[sflag:s0] =	ssyncadd.s32 $0xFFFFE000  }
0x342: {  	_ =	swait.ge [sflag:s3], $0x2000  }
0x343: {  	[sflag:s3] =	ssyncset.done $0x0  }
0x344: {  	[sflag:s3] =	ssyncadd.s32 $0xFFFFE000  }
0x345: {  	_ =	swait.ge [sflag:s13], $0x2000  }
0x346: {  	s15 =	sadd.s32 $0x1, s15;
	s6 =	rddreg [dreg:$0x5]  }
0x347: {  	p0 =	sne.s32 s15, s6  }
.Ltmp11:
0x348: {  	_ = 	snop;
	(pc) =	sbr.rel @p0 .LBB2_1-.Ltmp11, $3  }
0x349: {  	_ =	sdelay $0x1  }
0x34a: {  	[sflag:s13] =	ssyncset.done $0x0  }
0x34b: {  	[sflag:s13] =	ssyncadd.s32 $0xFFFFE000  }
0x34c: {  	_ =	sfence.sel $0x180000  }
0x34d: {  	[bflag:$0x0] =	sbarrier.arrive $0xFFFF  }
0x34e: {  	_ =	strace $0x90000047  }
0x34f: {  	s0 =	stileid.u32;
	[bflag:$0x2] =	sbarrier.arrive $0xFFFF  }
0x350: {  	p0 =	sne.s32 s0, $0x0;
	s0 =	rddreg [dreg:$0x3]  }
0x351: {  	s0 =	sadd.s32 @!p0 $0x100000, s0  }
0x352: {  	[sflag:s0] =	ssyncadd.tile.s32 @!p0 $0x1;
	_ =	shalt  }
.Lfunc_end2:
_tile_overlayer_lowered:
.L_overlay_start_2:
0x353: {  	(tag) =	ssettag $0x2  }
0x354: {  	s0 =	rddreg [dreg:$0x0];
	s2 =	stileid.u32  }
0x355: {  	s1 =	rddreg [dreg:$0x1];
	p0 =	sne.s32 s2, $0x0  }
0x356: {  	s3 =	rddreg [dreg:$0x2];
	[bflag:$0x3] =	sbarrier.arrive $0xFFFF;
	s2 =	simm.s32 @!p0 $0x1C0C  }
0x357: {  	[timem:s3], [sflag:s2] =	dma.local @!p0 [hbm:s0], s1  }
0x358: {  	s0 =	simm.s32 @!p0 $0xC  }
0x359: {  	_ =	swait.ge @!p0 [sflag:s0], s1  }
0x35a: {  	s1 =	ssub.s32 @!p0 $0x0, s1;
	[sflag:s0] =	ssyncset.done @!p0 $0x0  }
0x35b: {  	[sflag:s0] =	ssyncadd.s32 @!p0 s1  }
0x35c: {  	[bflag:$0x3] =	sbarrier.arrive $0xFFFF  }
0x35d: {  	_ =	shalt  }

</sc_bundles>
